<compile_context>
chip_gen: v7x
topology: tpu7x:2x2x1
jax: 0.10.2.dev20260603
libtpu: 0.0.44.dev20260713+nightly
codegen_flags: <defaults>
</compile_context>

<pallas_src>
import functools

import jax
import jax.numpy as jnp
from jax import lax
from jax.experimental import pallas as pl
from jax.experimental.pallas import tpu as pltpu
from jax.experimental.pallas import tpu_sc as plsc

_NBINS = (64, 32)
_NG = 5000
_NR = 16
_NRXG = _NR * _NG
_NPAD = 524288
_B = 2048
_CH0 = 16384
_CH1 = 16384
_F32 = jnp.float32
_I32 = jnp.int32


def _shift_cumsum(x, n):
    s = 1
    while s < n:
        pad = jnp.zeros(x.shape[:-1] + (s,), x.dtype)
        x = x + jnp.concatenate([pad, x[..., :-s]], -1)
        s *= 2
    return x


def _prep0_kernel(uh0_ref, uw0_ref, dh0_ref,
                  h0_ref, cf0_ref, gm0_ref, cw0_ref):
    zcol = jnp.zeros((_NG, 1), _F32)
    uw0 = uw0_ref[...]
    ew0 = jnp.exp(uw0 - jnp.max(uw0, axis=-1, keepdims=True))
    w0 = ew0 / jnp.sum(ew0, axis=-1, keepdims=True)
    cw0_ref[...] = _shift_cumsum(jnp.concatenate([zcol, w0], -1), 64)
    e0 = jnp.exp(uh0_ref[...] + dh0_ref[0])
    tz0 = (e0[:, :-1] + e0[:, 1:]) * _F32(0.5) * w0
    pg0 = jnp.sum(tz0, axis=-1, keepdims=True) * _F32(1.0 / _NG)
    area0 = jnp.sum(pg0)
    h0_ref[0] = e0 / area0
    gm0_ref[0] = pg0 / area0
    cf0_ref[0] = _shift_cumsum(
        jnp.concatenate([zcol, tz0 / area0], -1), 64) * _F32(1.0 / _NG)


def _prep1_kernel(uh1_ref, uw1_ref, dh1_ref, gm0_ref,
                  h1_ref, cf1_ref, gm1_ref, cw1_ref):
    zcol = jnp.zeros((_NG, 1), _F32)
    gm0 = gm0_ref[0]
    uw1 = uw1_ref[...]
    ew1 = jnp.exp(uw1 - jnp.max(uw1, axis=-1, keepdims=True))
    w1 = ew1 / jnp.sum(ew1, axis=-1, keepdims=True)
    cw1_ref[...] = _shift_cumsum(jnp.concatenate([zcol, w1], -1), 32)
    e1 = jnp.exp(uh1_ref[...] + dh1_ref[0])
    tz1 = (e1[:, :-1] + e1[:, 1:]) * _F32(0.5) * w1
    pg1 = jnp.sum(tz1, axis=-1, keepdims=True) * gm0
    area1 = jnp.sum(pg1)
    h1_ref[0] = e1 / area1
    gm1_ref[0] = pg1 / area1
    cf1_ref[0] = _shift_cumsum(
        jnp.concatenate([zcol, tz1 / area1], -1), 32) * gm0


def _bl_kernel(c0_ref, cf0_ref, c1_ref, cf1_ref, bl0_ref, bl1_ref):
    bl0_ref[0] = c0_ref[0] + cf0_ref[0]
    bl1_ref[0] = c1_ref[0] + cf1_ref[0]


def _tables(dh_all, uh_all, uw_all):
    n0, n1 = _NBINS
    sds = jax.ShapeDtypeStruct
    full2 = lambda shp: pl.BlockSpec(shp, lambda r: (0, 0))
    per_r = lambda shp: pl.BlockSpec((1,) + shp, lambda r: (r, 0, 0))
    h0, cf0, gm0, cw0 = pl.pallas_call(
        _prep0_kernel,
        grid=(_NR,),
        in_specs=[full2((_NG, n0)), full2((_NG, n0 - 1)), per_r((_NG, n0))],
        out_specs=[per_r((_NG, n0)), per_r((_NG, n0)), per_r((_NG, 1)),
                   full2((_NG, n0))],
        out_shape=[sds((_NR, _NG, n0), _F32), sds((_NR, _NG, n0), _F32),
                   sds((_NR, _NG, 1), _F32), sds((_NG, n0), _F32)],
    )(uh_all[:, :n0], uw_all[:, :n0 - 1], dh_all[..., :n0])
    h1, cf1, gm1, cw1 = pl.pallas_call(
        _prep1_kernel,
        grid=(_NR,),
        in_specs=[full2((_NG, n1)), full2((_NG, n1 - 1)),
                  per_r((_NG, n1)), per_r((_NG, 1))],
        out_specs=[per_r((_NG, n1)), per_r((_NG, n1)), per_r((_NG, 1)),
                   full2((_NG, n1))],
        out_shape=[sds((_NR, _NG, n1), _F32), sds((_NR, _NG, n1), _F32),
                   sds((_NR, _NG, 1), _F32), sds((_NG, n1), _F32)],
    )(uh_all[:, n0:], uw_all[:, n0 - 1:], dh_all[..., n0:], gm0)
    gm0f = gm0.reshape(_NR, _NG)
    gm1f = gm1.reshape(_NR, _NG)
    C0 = jnp.pad(jnp.cumsum(gm0f, -1), ((0, 0), (1, 0)))[:, :-1]
    C1 = jnp.pad(jnp.cumsum(gm1f, -1), ((0, 0), (1, 0)))[:, :-1]
    bl0, bl1 = pl.pallas_call(
        _bl_kernel,
        grid=(_NR,),
        in_specs=[per_r((_NG, 1)), per_r((_NG, n0)),
                  per_r((_NG, 1)), per_r((_NG, n1))],
        out_specs=[per_r((_NG, n0)), per_r((_NG, n1))],
        out_shape=[sds((_NR, _NG, n0), _F32), sds((_NR, _NG, n1), _F32)],
    )(C0.reshape(_NR, _NG, 1), cf0, C1.reshape(_NR, _NG, 1), cf1)
    l0 = (cw0.reshape(-1), h0.reshape(-1), bl0.reshape(-1))
    l1 = (cw1.reshape(-1), h1.reshape(-1), bl1.reshape(-1))
    return (l0, l1), (C0.reshape(-1), gm0f.reshape(-1))


def _iota16():
    return lax.broadcasted_iota(_I32, (16,), 0)


def _sc_eval(xp, rxgp, gp, tabs):
    cumw0, h0, bl0, cumw1, h1, bl1, gl2t, gw2t = tabs
    info = plsc.get_sparse_core_info()
    ns = info.num_subcores
    nv = _B // 16
    mesh = plsc.VectorSubcoreMesh(core_axis_name="c", subcore_axis_name="s")

    @functools.partial(
        pl.kernel,
        mesh=mesh,
        out_type=[jax.ShapeDtypeStruct((_NPAD,), _F32),
                  jax.ShapeDtypeStruct((_NPAD,), _F32)],
        scratch_types=[
            pltpu.VMEM((_B,), _F32),
            pltpu.VMEM((_B,), _I32),
            pltpu.VMEM((_B,), _I32),
            pltpu.VMEM((_B,), _F32),
            pltpu.VMEM((_B,), _I32),
            pltpu.VMEM((_B,), _I32),
            pltpu.VMEM((_B,), _I32),
            pltpu.VMEM((_B,), _F32),
            pltpu.VMEM((_B,), _F32),
            pltpu.VMEM((_B,), _F32),
            pltpu.VMEM((_B,), _F32),
            pltpu.VMEM((_B,), _F32),
            pltpu.VMEM((_B,), _F32),
            pltpu.VMEM((_B,), _F32),
            pltpu.VMEM((_B,), _F32),
            pltpu.SemaphoreType.DMA,
        ],
    )
    def k(x_hbm, rxg_hbm, g_hbm, cumw0_hbm, h0_hbm, bl0_hbm,
          cumw1_hbm, h1_hbm, bl1_hbm, gl2_hbm, gw2_hbm,
          out_hbm, dp_hbm,
          x_v, rxg_v, g_v, t_v, c_v, ia_v, ib_v, val_v, cwk_v, h_v, hn_v,
          bl_v, gl_v, gw_v, dp_v, sem):
        cidx = lax.axis_index("c")
        sidx = lax.axis_index("s")
        is0 = cidx == 0
        tile_base = jnp.where(is0, sidx * _CH0, ns * _CH0 + sidx * _CH1)
        nsub = jnp.where(is0, _CH0 // _B, _CH1 // _B)

        def vloop(body):
            lax.fori_loop(0, nv, lambda i, _: (body(i, pl.ds(i * 16, 16)), 0)[1], 0)

        def rnd(tab, idx_v, dst_v):
            pltpu.async_copy(tab.at[idx_v], dst_v, sem).wait()

        def layer(li, n, cumw_t, h_t, bl_t):
            bits = [32, 16, 8, 4, 2, 1] if n == 64 else [16, 8, 4, 2, 1]

            def init(i, sl):
                x = x_v[sl]
                if li == 0:
                    gl = g_v[sl].astype(_F32) / _F32(_NG)
                    gw = jnp.full((16,), 1.0 / _NG, _F32)
                else:
                    gl = gl_v[sl]
                    gw = gw_v[sl]
                t = (x - gl) / gw
                t_v[sl] = t
                c_v[sl] = jnp.zeros((16,), _I32)
                ia_v[sl] = g_v[sl] * n + (bits[0] - 1)

            vloop(init)
            rnd(cumw_t, ia_v, val_v)
            for bi in range(1, len(bits)):
                b_prev, b = bits[bi - 1], bits[bi]

                def step(i, sl, b_prev=b_prev, b=b):
                    c = c_v[sl] + jnp.where(
                        val_v[sl] < t_v[sl],
                        jnp.full((16,), b_prev, _I32), jnp.zeros((16,), _I32))
                    c_v[sl] = c
                    ia_v[sl] = g_v[sl] * n + (c + (b - 1))

                vloop(step)
                rnd(cumw_t, ia_v, val_v)

            def fin(i, sl):
                c = c_v[sl] + jnp.where(
                    val_v[sl] < t_v[sl],
                    jnp.ones((16,), _I32), jnp.zeros((16,), _I32))
                kk = jnp.clip(c - 1, 0, n - 2)
                c_v[sl] = kk
                ia_v[sl] = g_v[sl] * n + kk
                ib_v[sl] = rxg_v[sl] * n + kk

            vloop(fin)
            rnd(cumw_t, ia_v, cwk_v)
            rnd(h_t, ib_v, h_v)
            rnd(bl_t, ib_v, bl_v)

            def bump(i, sl):
                ia_v[sl] = ia_v[sl] + jnp.ones((16,), _I32)
                ib_v[sl] = ib_v[sl] + jnp.ones((16,), _I32)

            vloop(bump)
            rnd(cumw_t, ia_v, val_v)
            rnd(h_t, ib_v, hn_v)

            def apply(i, sl):
                x = x_v[sl]
                if li == 0:
                    gl = g_v[sl].astype(_F32) / _F32(_NG)
                    gw = jnp.full((16,), 1.0 / _NG, _F32)
                else:
                    gl = gl_v[sl]
                    gw = gw_v[sl]
                cwk = cwk_v[sl]
                bw = gw * (val_v[sl] - cwk)
                left = gl + gw * cwk
                a = jnp.clip((x - left) / jnp.maximum(bw, _F32(1e-12)),
                             0.0, 1.0)
                hl = h_v[sl]
                dh = hn_v[sl] - hl
                x_v[sl] = bl_v[sl] + a * bw * hl + _F32(0.5) * a * a * bw * dh
                f = jnp.maximum(hl + a * dh, _F32(1e-12))
                if li == 0:
                    dp_v[sl] = f
                else:
                    dp_v[sl] = dp_v[sl] * f

            vloop(apply)

        def sub(s, _):
            base = tile_base + s * _B
            pltpu.sync_copy(x_hbm.at[pl.ds(base, _B)], x_v)
            pltpu.sync_copy(rxg_hbm.at[pl.ds(base, _B)], rxg_v)
            pltpu.sync_copy(g_hbm.at[pl.ds(base, _B)], g_v)
            layer(0, 64, cumw0_hbm, h0_hbm, bl0_hbm)
            rnd(gl2_hbm, rxg_v, gl_v)
            rnd(gw2_hbm, rxg_v, gw_v)
            layer(1, 32, cumw1_hbm, h1_hbm, bl1_hbm)
            pltpu.sync_copy(x_v, out_hbm.at[pl.ds(base, _B)])
            pltpu.sync_copy(dp_v, dp_hbm.at[pl.ds(base, _B)])
            return 0

        lax.fori_loop(0, nsub, sub, 0)

    return k(xp, rxgp, gp, cumw0, h0, bl0, cumw1, h1, bl1, gl2t, gw2t)


def _log_kernel(dp_ref, o_ref):
    o_ref[...] = jnp.log(dp_ref[...])


def kernel(cut_positions, cut_local_reflatentxgene_ix, cut_local_gene_ix,
           cut_local_reflatent_ix, mixture_delta_reflatentxgene,
           unnormalized_heights, unnormalized_widths):
    del cut_local_reflatent_ix
    n = cut_positions.shape[0]
    (l0, l1), (gl2t, gw2t) = _tables(mixture_delta_reflatentxgene,
                                     unnormalized_heights, unnormalized_widths)
    pad = _NPAD - n
    xp = jnp.pad(cut_positions, (0, pad))
    rxgp = jnp.pad(cut_local_reflatentxgene_ix.astype(_I32), (0, pad))
    gp = jnp.pad(cut_local_gene_ix.astype(_I32), (0, pad))
    out_p, dp_p = _sc_eval(xp, rxgp, gp, (*l0, *l1, gl2t, gw2t))
    lad_p = pl.pallas_call(
        _log_kernel,
        out_shape=jax.ShapeDtypeStruct((_NPAD // 128, 128), _F32),
    )(dp_p.reshape(_NPAD // 128, 128)).reshape(-1)
    return out_p[:n], lad_p[:n]

# --- scband reference (transcript-rebuilt; emitter-appended) ---
"""Pipeline reference for scband-differential-quadratic-spline-stack-17660905521235 (READ-ONLY COPY).

The authoritative reference and input builder live on the scoring server;
editing this copy changes nothing except your own understanding.
"""

import jax, jax.numpy as jnp
import numpy as np

NBINS = [64, 32]
N_GENES = 5000
N_REFLATENT = 16
N_CUTS = 500000


def calculate_widths(uw):
    return jax.nn.softmax(uw, axis=-1)


def calculate_heights(uh, widths):
    e = jnp.exp(uh)
    area = jnp.sum((e[..., :-1] + e[..., 1:]) / 2.0 * widths, axis=-1, keepdims=True)
    return e / area


def calculate_bin_left_cdf(heights, widths):
    c = jnp.cumsum((heights[..., :-1] + heights[..., 1:]) / 2.0 * widths, axis=-1)
    return jnp.concatenate([jnp.zeros_like(c[..., :1]), c], axis=-1)


def calculate_bin_locations(widths):
    c = jnp.cumsum(widths, axis=-1)
    return jnp.concatenate([jnp.zeros_like(c[..., :1]), c], axis=-1)


def _forward(cut_positions, cut_local_reflatentxgene_ix, cut_local_gene_ix, cut_local_reflatent_ix, mixture_delta, uh_all, uw_all):
    n_reflatent = mixture_delta.shape[0]
    n_genes = uh_all.shape[0]
    genespacing = jnp.ones((n_reflatent, n_genes), dtype=cut_positions.dtype) / n_genes
    tdata = []
    h_off = 0
    w_off = 0
    for n in NBINS:
        uh = uh_all[:, h_off:h_off + n]
        uw = uw_all[:, w_off:w_off + (n - 1)]
        dh = mixture_delta[..., h_off:h_off + n]
        h_off += n
        w_off += n - 1
        gene_bin_positions = (jnp.arange(n_genes) + 1) * n - 1
        w = calculate_widths(uw)
        w = w[None, :, :] * genespacing[:, :, None]
        w = jnp.pad(w, ((0, 0), (0, 0), (0, 1)))
        widths = w.reshape(n_reflatent, -1)[:, :-1]
        bin_locations = calculate_bin_locations(widths)
        uh2 = (uh[None, :, :] + dh).reshape(n_reflatent, -1)
        heights = calculate_heights(uh2, widths)
        bin_left_cdf = calculate_bin_left_cdf(heights, widths)
        gene_cdf = bin_left_cdf[:, gene_bin_positions]
        genespacing = jnp.diff(jnp.pad(gene_cdf, ((0, 0), (1, 0))), axis=-1)
        tdata.append((widths, heights, bin_left_cdf, bin_locations, n))
    output = cut_positions
    logabsdet = jnp.zeros_like(cut_positions)
    for widths, heights, bin_left_cdf, bin_locations, num_bins in tdata:
        blg = bin_locations.reshape(n_reflatent * n_genes, num_bins)
        cut_bl = jnp.take(blg, cut_local_reflatentxgene_ix, axis=0)
        ss = jnp.sum(cut_bl < output[:, None], axis=-1)
        bin_idx = cut_local_gene_ix * num_bins + jnp.clip(ss - 1, 0, num_bins - 2)
        ix = bin_idx + cut_local_reflatent_ix * num_bins * n_genes
        flat_loc = bin_locations.reshape(-1)
        flat_cdf = bin_left_cdf.reshape(-1)
        flat_h = heights.reshape(-1)
        left_loc = jnp.take(flat_loc, ix)
        right_loc = jnp.take(flat_loc, ix + 1)
        left_cdf = jnp.take(flat_cdf, ix)
        hl = jnp.take(flat_h, ix)
        hr = jnp.take(flat_h, ix + 1)
        bw = right_loc - left_loc
        alpha = jnp.clip((output - left_loc) / jnp.maximum(bw, 1e-12), 0.0, 1.0)
        output = left_cdf + alpha * bw * hl + 0.5 * alpha * alpha * bw * (hr - hl)
        logabsdet = logabsdet + jnp.log(jnp.maximum(hl + alpha * (hr - hl), 1e-12))
    return output, logabsdet


def setup_inputs(seed: int = 0):
    key = jax.random.key(seed)
    k1, k2, k3, k4, k5, k6 = jax.random.split(key, 6)
    cut_positions = jax.random.uniform(k1, (N_CUTS,), dtype=jnp.float32)
    cut_local_gene_ix = jax.random.randint(k2, (N_CUTS,), 0, N_GENES)
    cut_local_reflatent_ix = jax.random.randint(k3, (N_CUTS,), 0, N_REFLATENT)
    cut_local_reflatentxgene_ix = cut_local_reflatent_ix * N_GENES + cut_local_gene_ix
    mixture_delta_reflatentxgene = jax.random.normal(k4, (N_REFLATENT, N_GENES, sum(NBINS)), dtype=jnp.float32) * 0.05
    unnormalized_heights = jax.random.normal(k5, (N_GENES, sum(NBINS)), dtype=jnp.float32) * 0.01
    unnormalized_widths = jax.random.normal(k6, (N_GENES, sum(n - 1 for n in NBINS)), dtype=jnp.float32) * 0.01
    return {
        'cut_positions': cut_positions,
        'cut_local_reflatentxgene_ix': cut_local_reflatentxgene_ix,
        'cut_local_gene_ix': cut_local_gene_ix,
        'cut_local_reflatent_ix': cut_local_reflatent_ix,
        'mixture_delta_reflatentxgene': mixture_delta_reflatentxgene,
        'unnormalized_heights': unnormalized_heights,
        'unnormalized_widths': unnormalized_widths,
    }


def reference(cut_positions, cut_local_reflatentxgene_ix, cut_local_gene_ix, cut_local_reflatent_ix, mixture_delta_reflatentxgene, unnormalized_heights, unnormalized_widths):
    return _forward(cut_positions, cut_local_reflatentxgene_ix, cut_local_gene_ix, cut_local_reflatent_ix, mixture_delta_reflatentxgene, unnormalized_heights, unnormalized_widths)

if __name__ == "__main__":
    import jax
    _d = setup_inputs()
    print(jax.jit(kernel)(*tuple(_d.values())))

</pallas_src>

<mosaic_0001>
#map = affine_map<(d0, d1) -> (0)>
module attributes {stable_mosaic.version = 14 : i64} {
  func.func @k(%arg0: i32, %arg1: i32, %arg2: memref<524288xf32, #tpu.memory_space<hbm>>, %arg3: memref<524288xi32, #tpu.memory_space<hbm>>, %arg4: memref<524288xi32, #tpu.memory_space<hbm>>, %arg5: memref<320000xf32, #tpu.memory_space<hbm>>, %arg6: memref<5120000xf32, #tpu.memory_space<hbm>>, %arg7: memref<5120000xf32, #tpu.memory_space<hbm>>, %arg8: memref<160000xf32, #tpu.memory_space<hbm>>, %arg9: memref<2560000xf32, #tpu.memory_space<hbm>>, %arg10: memref<2560000xf32, #tpu.memory_space<hbm>>, %arg11: memref<80000xf32, #tpu.memory_space<hbm>>, %arg12: memref<80000xf32, #tpu.memory_space<hbm>>, %arg13: memref<524288xf32, #tpu.memory_space<hbm>>, %arg14: memref<524288xf32, #tpu.memory_space<hbm>>, %arg15: memref<2048xf32, #tpu.memory_space<vmem>>, %arg16: memref<2048xi32, #tpu.memory_space<vmem>>, %arg17: memref<2048xi32, #tpu.memory_space<vmem>>, %arg18: memref<2048xf32, #tpu.memory_space<vmem>>, %arg19: memref<2048xi32, #tpu.memory_space<vmem>>, %arg20: memref<2048xi32, #tpu.memory_space<vmem>>, %arg21: memref<2048xi32, #tpu.memory_space<vmem>>, %arg22: memref<2048xf32, #tpu.memory_space<vmem>>, %arg23: memref<2048xf32, #tpu.memory_space<vmem>>, %arg24: memref<2048xf32, #tpu.memory_space<vmem>>, %arg25: memref<2048xf32, #tpu.memory_space<vmem>>, %arg26: memref<2048xf32, #tpu.memory_space<vmem>>, %arg27: memref<2048xf32, #tpu.memory_space<vmem>>, %arg28: memref<2048xf32, #tpu.memory_space<vmem>>, %arg29: memref<2048xf32, #tpu.memory_space<vmem>>, %arg30: memref<!tpu.dma_semaphore, #tpu.memory_space<semaphore_mem>>) attributes {dimension_semantics = [#tpu.dimension_semantics<core_parallel>, #tpu.dimension_semantics<subcore_parallel>], iteration_bounds = array<i64: 2, 16>, scalar_prefetch = 0 : i64, scratch_operands = 16 : i64, tpu.core_type = #tpu.core_type<sc_vector_subcore>, window_params = [{transform_indices = #map}, {transform_indices = #map}, {transform_indices = #map}, {transform_indices = #map}, {transform_indices = #map}, {transform_indices = #map}, {transform_indices = #map}, {transform_indices = #map}, {transform_indices = #map}, {transform_indices = #map}, {transform_indices = #map}, {transform_indices = #map}, {transform_indices = #map}]} {
    %eq3A = arith.constant 0 : i32
    %eq3A_0 = arith.cmpi eq, %arg0, %eq3A : i32
    %mul3A = arith.constant 16384 : i32
    %mul3A_1 = arith.muli %arg1, %mul3A : i32
    %mul3A_2 = arith.constant 16384 : i32
    %mul3A_3 = arith.muli %arg1, %mul3A_2 : i32
    %add3A = arith.constant 262144 : i32
    %add3A_4 = arith.addi %add3A, %mul3A_3 : i32
    %select_n3A = arith.select %eq3A_0, %mul3A_1, %add3A_4 : i32
    %jit3A = arith.constant 8 : i32
    %jit3A_5 = arith.constant 8 : i32
    %select_n3A_6 = arith.select %eq3A_0, %jit3A, %jit3A_5 : i32
    %while3A = arith.constant 0 : i32
    %while3A_7 = arith.constant 0 : i32
    %while3A_8 = arith.subi %select_n3A_6, %while3A : i32
    %while3A_9 = arith.addi %while3A, %while3A_8 : i32
    %while3A_10 = arith.constant 1 : i32
    %while3A_11 = arith.divsi %while3A_8, %while3A_10 : i32
    %while3A_12 = arith.muli %while3A_11, %while3A_10 : i32
    %while3A_13 = arith.addi %while3A, %while3A_12 : i32
    %while3A_14 = arith.constant 1 : i32
    %while3A_15 = scf.for %while3A_18 = %while3A to %while3A_13 step %while3A_14 iter_args(%while3A_19 = %while3A_7) -> (i32)  : i32 {
      %mul3A_20 = arith.constant 2048 : i32
      %mul3A_21 = arith.muli %while3A_18, %mul3A_20 : i32
      %add3A_22 = arith.addi %select_n3A, %mul3A_21 : i32
      "tpu.region"() ({
        %run_scoped3A = tpu.sem_alloc : memref<!tpu.dma_semaphore, #tpu.memory_space<semaphore_mem>>
        %dma_start3A_232 = tpu.memref_slice %arg2[%add3A_22] : memref<524288xf32, #tpu.memory_space<hbm>> -> memref<2048xf32, #tpu.memory_space<hbm>>
        %dma_start3A_233 = tpu.memref_slice %arg2[%add3A_22] : memref<524288xf32, #tpu.memory_space<hbm>> -> memref<2048xf32, #tpu.memory_space<hbm>>
        tpu.enqueue_dma source(%dma_start3A_233 : memref<2048xf32, #tpu.memory_space<hbm>>) target(%arg15 : memref<2048xf32, #tpu.memory_space<vmem>>) target_semaphore(%run_scoped3A : memref<!tpu.dma_semaphore, #tpu.memory_space<semaphore_mem>>)
        %dma_wait3A_234 = tpu.memref_slice %arg2[%add3A_22] : memref<524288xf32, #tpu.memory_space<hbm>> -> memref<2048xf32, #tpu.memory_space<hbm>>
        %dma_wait3A_235 = tpu.memref_slice %arg2[%add3A_22] : memref<524288xf32, #tpu.memory_space<hbm>> -> memref<2048xf32, #tpu.memory_space<hbm>>
        tpu.wait_dma2 semaphore(%run_scoped3A : memref<!tpu.dma_semaphore, #tpu.memory_space<semaphore_mem>>) src(%dma_wait3A_235 : memref<2048xf32, #tpu.memory_space<hbm>>) dst(%arg15 : memref<2048xf32, #tpu.memory_space<vmem>>)
        tpu.yield
      }) : () -> ()
      "tpu.region"() ({
        %run_scoped3A = tpu.sem_alloc : memref<!tpu.dma_semaphore, #tpu.memory_space<semaphore_mem>>
        %dma_start3A_232 = tpu.memref_slice %arg3[%add3A_22] : memref<524288xi32, #tpu.memory_space<hbm>> -> memref<2048xi32, #tpu.memory_space<hbm>>
        %dma_start3A_233 = tpu.memref_slice %arg3[%add3A_22] : memref<524288xi32, #tpu.memory_space<hbm>> -> memref<2048xi32, #tpu.memory_space<hbm>>
        tpu.enqueue_dma source(%dma_start3A_233 : memref<2048xi32, #tpu.memory_space<hbm>>) target(%arg16 : memref<2048xi32, #tpu.memory_space<vmem>>) target_semaphore(%run_scoped3A : memref<!tpu.dma_semaphore, #tpu.memory_space<semaphore_mem>>)
        %dma_wait3A_234 = tpu.memref_slice %arg3[%add3A_22] : memref<524288xi32, #tpu.memory_space<hbm>> -> memref<2048xi32, #tpu.memory_space<hbm>>
        %dma_wait3A_235 = tpu.memref_slice %arg3[%add3A_22] : memref<524288xi32, #tpu.memory_space<hbm>> -> memref<2048xi32, #tpu.memory_space<hbm>>
        tpu.wait_dma2 semaphore(%run_scoped3A : memref<!tpu.dma_semaphore, #tpu.memory_space<semaphore_mem>>) src(%dma_wait3A_235 : memref<2048xi32, #tpu.memory_space<hbm>>) dst(%arg16 : memref<2048xi32, #tpu.memory_space<vmem>>)
        tpu.yield
      }) : () -> ()
      "tpu.region"() ({
        %run_scoped3A = tpu.sem_alloc : memref<!tpu.dma_semaphore, #tpu.memory_space<semaphore_mem>>
        %dma_start3A_232 = tpu.memref_slice %arg4[%add3A_22] : memref<524288xi32, #tpu.memory_space<hbm>> -> memref<2048xi32, #tpu.memory_space<hbm>>
        %dma_start3A_233 = tpu.memref_slice %arg4[%add3A_22] : memref<524288xi32, #tpu.memory_space<hbm>> -> memref<2048xi32, #tpu.memory_space<hbm>>
        tpu.enqueue_dma source(%dma_start3A_233 : memref<2048xi32, #tpu.memory_space<hbm>>) target(%arg17 : memref<2048xi32, #tpu.memory_space<vmem>>) target_semaphore(%run_scoped3A : memref<!tpu.dma_semaphore, #tpu.memory_space<semaphore_mem>>)
        %dma_wait3A_234 = tpu.memref_slice %arg4[%add3A_22] : memref<524288xi32, #tpu.memory_space<hbm>> -> memref<2048xi32, #tpu.memory_space<hbm>>
        %dma_wait3A_235 = tpu.memref_slice %arg4[%add3A_22] : memref<524288xi32, #tpu.memory_space<hbm>> -> memref<2048xi32, #tpu.memory_space<hbm>>
        tpu.wait_dma2 semaphore(%run_scoped3A : memref<!tpu.dma_semaphore, #tpu.memory_space<semaphore_mem>>) src(%dma_wait3A_235 : memref<2048xi32, #tpu.memory_space<hbm>>) dst(%arg17 : memref<2048xi32, #tpu.memory_space<vmem>>)
        tpu.yield
      }) : () -> ()
      %scan3A = arith.constant 0 : i32
      %scan3A_23 = arith.constant 0 : i32
      %scan3A_24 = arith.constant 128 : i32
      %scan3A_25 = arith.addi %scan3A_23, %scan3A_24 : i32
      %scan3A_26 = arith.constant 1 : i32
      %scan3A_27 = scf.for %scan3A_232 = %scan3A_23 to %scan3A_25 step %scan3A_26 iter_args(%scan3A_233 = %scan3A) -> (i32)  : i32 {
        %mul3A_234 = arith.constant 16 : i32
        %mul3A_235 = arith.muli %scan3A_232, %mul3A_234 : i32
        %get3A = arith.index_cast %mul3A_235 : i32 to index
        %get3A_236 = tpu.vector_load %arg15[%get3A] {strides = array<i32>} : memref<2048xf32, #tpu.memory_space<vmem>>, vector<16xf32>,
        %get3A_237 = vector.shape_cast %get3A_236 : vector<16xf32> to vector<16xf32>
        %get3A_238 = arith.index_cast %mul3A_235 : i32 to index
        %get3A_239 = tpu.vector_load %arg17[%get3A_238] {strides = array<i32>} : memref<2048xi32, #tpu.memory_space<vmem>>, vector<16xi32>,
        %get3A_240 = vector.shape_cast %get3A_239 : vector<16xi32> to vector<16xi32>
        %convert_element_type3A = arith.sitofp %get3A_240 : vector<16xi32> to vector<16xf32>
        %div3A = arith.constant 5.000000e+03 : f32
        %div3A_241 = vector.broadcast %div3A : f32 to vector<16xf32>
        %div3A_242 = arith.divf %convert_element_type3A, %div3A_241 : vector<16xf32>
        %broadcast_in_dim3A = arith.constant 2.000000e-04 : f32
        %broadcast_in_dim3A_243 = vector.broadcast %broadcast_in_dim3A : f32 to vector<16xf32>
        %sub3A = arith.subf %get3A_237, %div3A_242 : vector<16xf32>
        %div3A_244 = arith.divf %sub3A, %broadcast_in_dim3A_243 : vector<16xf32>
        %swap3A = arith.index_cast %mul3A_235 : i32 to index
        %swap3A_245 = tpu.vector_load %arg18[%swap3A] {strides = array<i32>} : memref<2048xf32, #tpu.memory_space<vmem>>, vector<16xf32>,
        %swap3A_246 = vector.shape_cast %swap3A_245 : vector<16xf32> to vector<16xf32>
        %swap3A_247 = vector.shape_cast %div3A_244 : vector<16xf32> to vector<16xf32>
        tpu.vector_store %arg18[%swap3A], %swap3A_247 {strides = array<i32>} : memref<2048xf32, #tpu.memory_space<vmem>>, vector<16xf32>,
        %broadcast_in_dim3A_248 = arith.constant 0 : i32
        %broadcast_in_dim3A_249 = vector.broadcast %broadcast_in_dim3A_248 : i32 to vector<16xi32>
        %swap3A_250 = arith.index_cast %mul3A_235 : i32 to index
        %swap3A_251 = tpu.vector_load %arg19[%swap3A_250] {strides = array<i32>} : memref<2048xi32, #tpu.memory_space<vmem>>, vector<16xi32>,
        %swap3A_252 = vector.shape_cast %swap3A_251 : vector<16xi32> to vector<16xi32>
        %swap3A_253 = vector.shape_cast %broadcast_in_dim3A_249 : vector<16xi32> to vector<16xi32>
        tpu.vector_store %arg19[%swap3A_250], %swap3A_253 {strides = array<i32>} : memref<2048xi32, #tpu.memory_space<vmem>>, vector<16xi32>,
        %get3A_254 = arith.index_cast %mul3A_235 : i32 to index
        %get3A_255 = tpu.vector_load %arg17[%get3A_254] {strides = array<i32>} : memref<2048xi32, #tpu.memory_space<vmem>>, vector<16xi32>,
        %get3A_256 = vector.shape_cast %get3A_255 : vector<16xi32> to vector<16xi32>
        %mul3A_257 = arith.constant 64 : i32
        %mul3A_258 = vector.broadcast %mul3A_257 : i32 to vector<16xi32>
        %mul3A_259 = arith.muli %get3A_256, %mul3A_258 : vector<16xi32>
        %add3A_260 = arith.constant 31 : i32
        %add3A_261 = vector.broadcast %add3A_260 : i32 to vector<16xi32>
        %add3A_262 = arith.addi %mul3A_259, %add3A_261 : vector<16xi32>
        %swap3A_263 = arith.index_cast %mul3A_235 : i32 to index
        %swap3A_264 = tpu.vector_load %arg20[%swap3A_263] {strides = array<i32>} : memref<2048xi32, #tpu.memory_space<vmem>>, vector<16xi32>,
        %swap3A_265 = vector.shape_cast %swap3A_264 : vector<16xi32> to vector<16xi32>
        %swap3A_266 = vector.shape_cast %add3A_262 : vector<16xi32> to vector<16xi32>
        tpu.vector_store %arg20[%swap3A_263], %swap3A_266 {strides = array<i32>} : memref<2048xi32, #tpu.memory_space<vmem>>, vector<16xi32>,
        %scan3A_267 = arith.constant 0 : i32
        scf.yield %scan3A_267 : i32
      }
      %scan3A_28 = arith.constant 128 : i32
      %dma_start3A = arith.constant 0 : i32
      %dma_start3A_29 = tpu.memref_slice %arg5[%dma_start3A] : memref<320000xf32, #tpu.memory_space<hbm>> -> memref<320000xf32, #tpu.memory_space<hbm>>
      tpu.enqueue_indirect_dma source(%dma_start3A_29 : memref<320000xf32, #tpu.memory_space<hbm>>) target(%arg22 : memref<2048xf32, #tpu.memory_space<vmem>>) offsets(%arg20 : memref<2048xi32, #tpu.memory_space<vmem>>) semaphore(%arg30 : memref<!tpu.dma_semaphore, #tpu.memory_space<semaphore_mem>>)
      %dma_wait3A = arith.constant 0 : i32
      %dma_wait3A_30 = tpu.memref_slice %arg5[%dma_wait3A] : memref<320000xf32, #tpu.memory_space<hbm>> -> memref<320000xf32, #tpu.memory_space<hbm>>
      tpu.wait_indirect_dma semaphore(%arg30 : memref<!tpu.dma_semaphore, #tpu.memory_space<semaphore_mem>>) src(%dma_wait3A_30 : memref<320000xf32, #tpu.memory_space<hbm>>) dst(%arg22 : memref<2048xf32, #tpu.memory_space<vmem>>)
      %scan3A_31 = arith.constant 0 : i32
      %scan3A_32 = arith.constant 0 : i32
      %scan3A_33 = arith.constant 128 : i32
      %scan3A_34 = arith.addi %scan3A_32, %scan3A_33 : i32
      %scan3A_35 = arith.constant 1 : i32
      %scan3A_36 = scf.for %scan3A_232 = %scan3A_32 to %scan3A_34 step %scan3A_35 iter_args(%scan3A_233 = %scan3A_31) -> (i32)  : i32 {
        %mul3A_234 = arith.constant 16 : i32
        %mul3A_235 = arith.muli %scan3A_232, %mul3A_234 : i32
        %get3A = arith.index_cast %mul3A_235 : i32 to index
        %get3A_236 = tpu.vector_load %arg19[%get3A] {strides = array<i32>} : memref<2048xi32, #tpu.memory_space<vmem>>, vector<16xi32>,
        %get3A_237 = vector.shape_cast %get3A_236 : vector<16xi32> to vector<16xi32>
        %get3A_238 = arith.index_cast %mul3A_235 : i32 to index
        %get3A_239 = tpu.vector_load %arg22[%get3A_238] {strides = array<i32>} : memref<2048xf32, #tpu.memory_space<vmem>>, vector<16xf32>,
        %get3A_240 = vector.shape_cast %get3A_239 : vector<16xf32> to vector<16xf32>
        %get3A_241 = arith.index_cast %mul3A_235 : i32 to index
        %get3A_242 = tpu.vector_load %arg18[%get3A_241] {strides = array<i32>} : memref<2048xf32, #tpu.memory_space<vmem>>, vector<16xf32>,
        %get3A_243 = vector.shape_cast %get3A_242 : vector<16xf32> to vector<16xf32>
        %lt3A = arith.cmpf olt, %get3A_240, %get3A_243 : vector<16xf32>
        %broadcast_in_dim3A = arith.constant 32 : i32
        %broadcast_in_dim3A_244 = vector.broadcast %broadcast_in_dim3A : i32 to vector<16xi32>
        %broadcast_in_dim3A_245 = arith.constant 0 : i32
        %broadcast_in_dim3A_246 = vector.broadcast %broadcast_in_dim3A_245 : i32 to vector<16xi32>
        %select_n3A_247 = arith.select %lt3A, %broadcast_in_dim3A_244, %broadcast_in_dim3A_246 : vector<16xi1>, vector<16xi32>
        %add3A_248 = arith.addi %get3A_237, %select_n3A_247 : vector<16xi32>
        %swap3A = arith.index_cast %mul3A_235 : i32 to index
        %swap3A_249 = tpu.vector_load %arg19[%swap3A] {strides = array<i32>} : memref<2048xi32, #tpu.memory_space<vmem>>, vector<16xi32>,
        %swap3A_250 = vector.shape_cast %swap3A_249 : vector<16xi32> to vector<16xi32>
        %swap3A_251 = vector.shape_cast %add3A_248 : vector<16xi32> to vector<16xi32>
        tpu.vector_store %arg19[%swap3A], %swap3A_251 {strides = array<i32>} : memref<2048xi32, #tpu.memory_space<vmem>>, vector<16xi32>,
        %get3A_252 = arith.index_cast %mul3A_235 : i32 to index
        %get3A_253 = tpu.vector_load %arg17[%get3A_252] {strides = array<i32>} : memref<2048xi32, #tpu.memory_space<vmem>>, vector<16xi32>,
        %get3A_254 = vector.shape_cast %get3A_253 : vector<16xi32> to vector<16xi32>
        %mul3A_255 = arith.constant 64 : i32
        %mul3A_256 = vector.broadcast %mul3A_255 : i32 to vector<16xi32>
        %mul3A_257 = arith.muli %get3A_254, %mul3A_256 : vector<16xi32>
        %add3A_258 = arith.constant 15 : i32
        %add3A_259 = vector.broadcast %add3A_258 : i32 to vector<16xi32>
        %add3A_260 = arith.addi %add3A_248, %add3A_259 : vector<16xi32>
        %add3A_261 = arith.addi %mul3A_257, %add3A_260 : vector<16xi32>
        %swap3A_262 = arith.index_cast %mul3A_235 : i32 to index
        %swap3A_263 = tpu.vector_load %arg20[%swap3A_262] {strides = array<i32>} : memref<2048xi32, #tpu.memory_space<vmem>>, vector<16xi32>,
        %swap3A_264 = vector.shape_cast %swap3A_263 : vector<16xi32> to vector<16xi32>
        %swap3A_265 = vector.shape_cast %add3A_261 : vector<16xi32> to vector<16xi32>
        tpu.vector_store %arg20[%swap3A_262], %swap3A_265 {strides = array<i32>} : memref<2048xi32, #tpu.memory_space<vmem>>, vector<16xi32>,
        %scan3A_266 = arith.constant 0 : i32
        scf.yield %scan3A_266 : i32
      }
      %scan3A_37 = arith.constant 128 : i32
      %dma_start3A_38 = arith.constant 0 : i32
      %dma_start3A_39 = tpu.memref_slice %arg5[%dma_start3A_38] : memref<320000xf32, #tpu.memory_space<hbm>> -> memref<320000xf32, #tpu.memory_space<hbm>>
      tpu.enqueue_indirect_dma source(%dma_start3A_39 : memref<320000xf32, #tpu.memory_space<hbm>>) target(%arg22 : memref<2048xf32, #tpu.memory_space<vmem>>) offsets(%arg20 : memref<2048xi32, #tpu.memory_space<vmem>>) semaphore(%arg30 : memref<!tpu.dma_semaphore, #tpu.memory_space<semaphore_mem>>)
      %dma_wait3A_40 = arith.constant 0 : i32
      %dma_wait3A_41 = tpu.memref_slice %arg5[%dma_wait3A_40] : memref<320000xf32, #tpu.memory_space<hbm>> -> memref<320000xf32, #tpu.memory_space<hbm>>
      tpu.wait_indirect_dma semaphore(%arg30 : memref<!tpu.dma_semaphore, #tpu.memory_space<semaphore_mem>>) src(%dma_wait3A_41 : memref<320000xf32, #tpu.memory_space<hbm>>) dst(%arg22 : memref<2048xf32, #tpu.memory_space<vmem>>)
      %scan3A_42 = arith.constant 0 : i32
      %scan3A_43 = arith.constant 0 : i32
      %scan3A_44 = arith.constant 128 : i32
      %scan3A_45 = arith.addi %scan3A_43, %scan3A_44 : i32
      %scan3A_46 = arith.constant 1 : i32
      %scan3A_47 = scf.for %scan3A_232 = %scan3A_43 to %scan3A_45 step %scan3A_46 iter_args(%scan3A_233 = %scan3A_42) -> (i32)  : i32 {
        %mul3A_234 = arith.constant 16 : i32
        %mul3A_235 = arith.muli %scan3A_232, %mul3A_234 : i32
        %get3A = arith.index_cast %mul3A_235 : i32 to index
        %get3A_236 = tpu.vector_load %arg19[%get3A] {strides = array<i32>} : memref<2048xi32, #tpu.memory_space<vmem>>, vector<16xi32>,
        %get3A_237 = vector.shape_cast %get3A_236 : vector<16xi32> to vector<16xi32>
        %get3A_238 = arith.index_cast %mul3A_235 : i32 to index
        %get3A_239 = tpu.vector_load %arg22[%get3A_238] {strides = array<i32>} : memref<2048xf32, #tpu.memory_space<vmem>>, vector<16xf32>,
        %get3A_240 = vector.shape_cast %get3A_239 : vector<16xf32> to vector<16xf32>
        %get3A_241 = arith.index_cast %mul3A_235 : i32 to index
        %get3A_242 = tpu.vector_load %arg18[%get3A_241] {strides = array<i32>} : memref<2048xf32, #tpu.memory_space<vmem>>, vector<16xf32>,
        %get3A_243 = vector.shape_cast %get3A_242 : vector<16xf32> to vector<16xf32>
        %lt3A = arith.cmpf olt, %get3A_240, %get3A_243 : vector<16xf32>
        %broadcast_in_dim3A = arith.constant 16 : i32
        %broadcast_in_dim3A_244 = vector.broadcast %broadcast_in_dim3A : i32 to vector<16xi32>
        %broadcast_in_dim3A_245 = arith.constant 0 : i32
        %broadcast_in_dim3A_246 = vector.broadcast %broadcast_in_dim3A_245 : i32 to vector<16xi32>
        %select_n3A_247 = arith.select %lt3A, %broadcast_in_dim3A_244, %broadcast_in_dim3A_246 : vector<16xi1>, vector<16xi32>
        %add3A_248 = arith.addi %get3A_237, %select_n3A_247 : vector<16xi32>
        %swap3A = arith.index_cast %mul3A_235 : i32 to index
        %swap3A_249 = tpu.vector_load %arg19[%swap3A] {strides = array<i32>} : memref<2048xi32, #tpu.memory_space<vmem>>, vector<16xi32>,
        %swap3A_250 = vector.shape_cast %swap3A_249 : vector<16xi32> to vector<16xi32>
        %swap3A_251 = vector.shape_cast %add3A_248 : vector<16xi32> to vector<16xi32>
        tpu.vector_store %arg19[%swap3A], %swap3A_251 {strides = array<i32>} : memref<2048xi32, #tpu.memory_space<vmem>>, vector<16xi32>,
        %get3A_252 = arith.index_cast %mul3A_235 : i32 to index
        %get3A_253 = tpu.vector_load %arg17[%get3A_252] {strides = array<i32>} : memref<2048xi32, #tpu.memory_space<vmem>>, vector<16xi32>,
        %get3A_254 = vector.shape_cast %get3A_253 : vector<16xi32> to vector<16xi32>
        %mul3A_255 = arith.constant 64 : i32
        %mul3A_256 = vector.broadcast %mul3A_255 : i32 to vector<16xi32>
        %mul3A_257 = arith.muli %get3A_254, %mul3A_256 : vector<16xi32>
        %add3A_258 = arith.constant 7 : i32
        %add3A_259 = vector.broadcast %add3A_258 : i32 to vector<16xi32>
        %add3A_260 = arith.addi %add3A_248, %add3A_259 : vector<16xi32>
        %add3A_261 = arith.addi %mul3A_257, %add3A_260 : vector<16xi32>
        %swap3A_262 = arith.index_cast %mul3A_235 : i32 to index
        %swap3A_263 = tpu.vector_load %arg20[%swap3A_262] {strides = array<i32>} : memref<2048xi32, #tpu.memory_space<vmem>>, vector<16xi32>,
        %swap3A_264 = vector.shape_cast %swap3A_263 : vector<16xi32> to vector<16xi32>
        %swap3A_265 = vector.shape_cast %add3A_261 : vector<16xi32> to vector<16xi32>
        tpu.vector_store %arg20[%swap3A_262], %swap3A_265 {strides = array<i32>} : memref<2048xi32, #tpu.memory_space<vmem>>, vector<16xi32>,
        %scan3A_266 = arith.constant 0 : i32
        scf.yield %scan3A_266 : i32
      }
      %scan3A_48 = arith.constant 128 : i32
      %dma_start3A_49 = arith.constant 0 : i32
      %dma_start3A_50 = tpu.memref_slice %arg5[%dma_start3A_49] : memref<320000xf32, #tpu.memory_space<hbm>> -> memref<320000xf32, #tpu.memory_space<hbm>>
      tpu.enqueue_indirect_dma source(%dma_start3A_50 : memref<320000xf32, #tpu.memory_space<hbm>>) target(%arg22 : memref<2048xf32, #tpu.memory_space<vmem>>) offsets(%arg20 : memref<2048xi32, #tpu.memory_space<vmem>>) semaphore(%arg30 : memref<!tpu.dma_semaphore, #tpu.memory_space<semaphore_mem>>)
      %dma_wait3A_51 = arith.constant 0 : i32
      %dma_wait3A_52 = tpu.memref_slice %arg5[%dma_wait3A_51] : memref<320000xf32, #tpu.memory_space<hbm>> -> memref<320000xf32, #tpu.memory_space<hbm>>
      tpu.wait_indirect_dma semaphore(%arg30 : memref<!tpu.dma_semaphore, #tpu.memory_space<semaphore_mem>>) src(%dma_wait3A_52 : memref<320000xf32, #tpu.memory_space<hbm>>) dst(%arg22 : memref<2048xf32, #tpu.memory_space<vmem>>)
      %scan3A_53 = arith.constant 0 : i32
      %scan3A_54 = arith.constant 0 : i32
      %scan3A_55 = arith.constant 128 : i32
      %scan3A_56 = arith.addi %scan3A_54, %scan3A_55 : i32
      %scan3A_57 = arith.constant 1 : i32
      %scan3A_58 = scf.for %scan3A_232 = %scan3A_54 to %scan3A_56 step %scan3A_57 iter_args(%scan3A_233 = %scan3A_53) -> (i32)  : i32 {
        %mul3A_234 = arith.constant 16 : i32
        %mul3A_235 = arith.muli %scan3A_232, %mul3A_234 : i32
        %get3A = arith.index_cast %mul3A_235 : i32 to index
        %get3A_236 = tpu.vector_load %arg19[%get3A] {strides = array<i32>} : memref<2048xi32, #tpu.memory_space<vmem>>, vector<16xi32>,
        %get3A_237 = vector.shape_cast %get3A_236 : vector<16xi32> to vector<16xi32>
        %get3A_238 = arith.index_cast %mul3A_235 : i32 to index
        %get3A_239 = tpu.vector_load %arg22[%get3A_238] {strides = array<i32>} : memref<2048xf32, #tpu.memory_space<vmem>>, vector<16xf32>,
        %get3A_240 = vector.shape_cast %get3A_239 : vector<16xf32> to vector<16xf32>
        %get3A_241 = arith.index_cast %mul3A_235 : i32 to index
        %get3A_242 = tpu.vector_load %arg18[%get3A_241] {strides = array<i32>} : memref<2048xf32, #tpu.memory_space<vmem>>, vector<16xf32>,
        %get3A_243 = vector.shape_cast %get3A_242 : vector<16xf32> to vector<16xf32>
        %lt3A = arith.cmpf olt, %get3A_240, %get3A_243 : vector<16xf32>
        %broadcast_in_dim3A = arith.constant 8 : i32
        %broadcast_in_dim3A_244 = vector.broadcast %broadcast_in_dim3A : i32 to vector<16xi32>
        %broadcast_in_dim3A_245 = arith.constant 0 : i32
        %broadcast_in_dim3A_246 = vector.broadcast %broadcast_in_dim3A_245 : i32 to vector<16xi32>
        %select_n3A_247 = arith.select %lt3A, %broadcast_in_dim3A_244, %broadcast_in_dim3A_246 : vector<16xi1>, vector<16xi32>
        %add3A_248 = arith.addi %get3A_237, %select_n3A_247 : vector<16xi32>
        %swap3A = arith.index_cast %mul3A_235 : i32 to index
        %swap3A_249 = tpu.vector_load %arg19[%swap3A] {strides = array<i32>} : memref<2048xi32, #tpu.memory_space<vmem>>, vector<16xi32>,
        %swap3A_250 = vector.shape_cast %swap3A_249 : vector<16xi32> to vector<16xi32>
        %swap3A_251 = vector.shape_cast %add3A_248 : vector<16xi32> to vector<16xi32>
        tpu.vector_store %arg19[%swap3A], %swap3A_251 {strides = array<i32>} : memref<2048xi32, #tpu.memory_space<vmem>>, vector<16xi32>,
        %get3A_252 = arith.index_cast %mul3A_235 : i32 to index
        %get3A_253 = tpu.vector_load %arg17[%get3A_252] {strides = array<i32>} : memref<2048xi32, #tpu.memory_space<vmem>>, vector<16xi32>,
        %get3A_254 = vector.shape_cast %get3A_253 : vector<16xi32> to vector<16xi32>
        %mul3A_255 = arith.constant 64 : i32
        %mul3A_256 = vector.broadcast %mul3A_255 : i32 to vector<16xi32>
        %mul3A_257 = arith.muli %get3A_254, %mul3A_256 : vector<16xi32>
        %add3A_258 = arith.constant 3 : i32
        %add3A_259 = vector.broadcast %add3A_258 : i32 to vector<16xi32>
        %add3A_260 = arith.addi %add3A_248, %add3A_259 : vector<16xi32>
        %add3A_261 = arith.addi %mul3A_257, %add3A_260 : vector<16xi32>
        %swap3A_262 = arith.index_cast %mul3A_235 : i32 to index
        %swap3A_263 = tpu.vector_load %arg20[%swap3A_262] {strides = array<i32>} : memref<2048xi32, #tpu.memory_space<vmem>>, vector<16xi32>,
        %swap3A_264 = vector.shape_cast %swap3A_263 : vector<16xi32> to vector<16xi32>
        %swap3A_265 = vector.shape_cast %add3A_261 : vector<16xi32> to vector<16xi32>
        tpu.vector_store %arg20[%swap3A_262], %swap3A_265 {strides = array<i32>} : memref<2048xi32, #tpu.memory_space<vmem>>, vector<16xi32>,
        %scan3A_266 = arith.constant 0 : i32
        scf.yield %scan3A_266 : i32
      }
      %scan3A_59 = arith.constant 128 : i32
      %dma_start3A_60 = arith.constant 0 : i32
      %dma_start3A_61 = tpu.memref_slice %arg5[%dma_start3A_60] : memref<320000xf32, #tpu.memory_space<hbm>> -> memref<320000xf32, #tpu.memory_space<hbm>>
      tpu.enqueue_indirect_dma source(%dma_start3A_61 : memref<320000xf32, #tpu.memory_space<hbm>>) target(%arg22 : memref<2048xf32, #tpu.memory_space<vmem>>) offsets(%arg20 : memref<2048xi32, #tpu.memory_space<vmem>>) semaphore(%arg30 : memref<!tpu.dma_semaphore, #tpu.memory_space<semaphore_mem>>)
      %dma_wait3A_62 = arith.constant 0 : i32
      %dma_wait3A_63 = tpu.memref_slice %arg5[%dma_wait3A_62] : memref<320000xf32, #tpu.memory_space<hbm>> -> memref<320000xf32, #tpu.memory_space<hbm>>
      tpu.wait_indirect_dma semaphore(%arg30 : memref<!tpu.dma_semaphore, #tpu.memory_space<semaphore_mem>>) src(%dma_wait3A_63 : memref<320000xf32, #tpu.memory_space<hbm>>) dst(%arg22 : memref<2048xf32, #tpu.memory_space<vmem>>)
      %scan3A_64 = arith.constant 0 : i32
      %scan3A_65 = arith.constant 0 : i32
      %scan3A_66 = arith.constant 128 : i32
      %scan3A_67 = arith.addi %scan3A_65, %scan3A_66 : i32
      %scan3A_68 = arith.constant 1 : i32
      %scan3A_69 = scf.for %scan3A_232 = %scan3A_65 to %scan3A_67 step %scan3A_68 iter_args(%scan3A_233 = %scan3A_64) -> (i32)  : i32 {
        %mul3A_234 = arith.constant 16 : i32
        %mul3A_235 = arith.muli %scan3A_232, %mul3A_234 : i32
        %get3A = arith.index_cast %mul3A_235 : i32 to index
        %get3A_236 = tpu.vector_load %arg19[%get3A] {strides = array<i32>} : memref<2048xi32, #tpu.memory_space<vmem>>, vector<16xi32>,
        %get3A_237 = vector.shape_cast %get3A_236 : vector<16xi32> to vector<16xi32>
        %get3A_238 = arith.index_cast %mul3A_235 : i32 to index
        %get3A_239 = tpu.vector_load %arg22[%get3A_238] {strides = array<i32>} : memref<2048xf32, #tpu.memory_space<vmem>>, vector<16xf32>,
        %get3A_240 = vector.shape_cast %get3A_239 : vector<16xf32> to vector<16xf32>
        %get3A_241 = arith.index_cast %mul3A_235 : i32 to index
        %get3A_242 = tpu.vector_load %arg18[%get3A_241] {strides = array<i32>} : memref<2048xf32, #tpu.memory_space<vmem>>, vector<16xf32>,
        %get3A_243 = vector.shape_cast %get3A_242 : vector<16xf32> to vector<16xf32>
        %lt3A = arith.cmpf olt, %get3A_240, %get3A_243 : vector<16xf32>
        %broadcast_in_dim3A = arith.constant 4 : i32
        %broadcast_in_dim3A_244 = vector.broadcast %broadcast_in_dim3A : i32 to vector<16xi32>
        %broadcast_in_dim3A_245 = arith.constant 0 : i32
        %broadcast_in_dim3A_246 = vector.broadcast %broadcast_in_dim3A_245 : i32 to vector<16xi32>
        %select_n3A_247 = arith.select %lt3A, %broadcast_in_dim3A_244, %broadcast_in_dim3A_246 : vector<16xi1>, vector<16xi32>
        %add3A_248 = arith.addi %get3A_237, %select_n3A_247 : vector<16xi32>
        %swap3A = arith.index_cast %mul3A_235 : i32 to index
        %swap3A_249 = tpu.vector_load %arg19[%swap3A] {strides = array<i32>} : memref<2048xi32, #tpu.memory_space<vmem>>, vector<16xi32>,
        %swap3A_250 = vector.shape_cast %swap3A_249 : vector<16xi32> to vector<16xi32>
        %swap3A_251 = vector.shape_cast %add3A_248 : vector<16xi32> to vector<16xi32>
        tpu.vector_store %arg19[%swap3A], %swap3A_251 {strides = array<i32>} : memref<2048xi32, #tpu.memory_space<vmem>>, vector<16xi32>,
        %get3A_252 = arith.index_cast %mul3A_235 : i32 to index
        %get3A_253 = tpu.vector_load %arg17[%get3A_252] {strides = array<i32>} : memref<2048xi32, #tpu.memory_space<vmem>>, vector<16xi32>,
        %get3A_254 = vector.shape_cast %get3A_253 : vector<16xi32> to vector<16xi32>
        %mul3A_255 = arith.constant 64 : i32
        %mul3A_256 = vector.broadcast %mul3A_255 : i32 to vector<16xi32>
        %mul3A_257 = arith.muli %get3A_254, %mul3A_256 : vector<16xi32>
        %add3A_258 = arith.constant 1 : i32
        %add3A_259 = vector.broadcast %add3A_258 : i32 to vector<16xi32>
        %add3A_260 = arith.addi %add3A_248, %add3A_259 : vector<16xi32>
        %add3A_261 = arith.addi %mul3A_257, %add3A_260 : vector<16xi32>
        %swap3A_262 = arith.index_cast %mul3A_235 : i32 to index
        %swap3A_263 = tpu.vector_load %arg20[%swap3A_262] {strides = array<i32>} : memref<2048xi32, #tpu.memory_space<vmem>>, vector<16xi32>,
        %swap3A_264 = vector.shape_cast %swap3A_263 : vector<16xi32> to vector<16xi32>
        %swap3A_265 = vector.shape_cast %add3A_261 : vector<16xi32> to vector<16xi32>
        tpu.vector_store %arg20[%swap3A_262], %swap3A_265 {strides = array<i32>} : memref<2048xi32, #tpu.memory_space<vmem>>, vector<16xi32>,
        %scan3A_266 = arith.constant 0 : i32
        scf.yield %scan3A_266 : i32
      }
      %scan3A_70 = arith.constant 128 : i32
      %dma_start3A_71 = arith.constant 0 : i32
      %dma_start3A_72 = tpu.memref_slice %arg5[%dma_start3A_71] : memref<320000xf32, #tpu.memory_space<hbm>> -> memref<320000xf32, #tpu.memory_space<hbm>>
      tpu.enqueue_indirect_dma source(%dma_start3A_72 : memref<320000xf32, #tpu.memory_space<hbm>>) target(%arg22 : memref<2048xf32, #tpu.memory_space<vmem>>) offsets(%arg20 : memref<2048xi32, #tpu.memory_space<vmem>>) semaphore(%arg30 : memref<!tpu.dma_semaphore, #tpu.memory_space<semaphore_mem>>)
      %dma_wait3A_73 = arith.constant 0 : i32
      %dma_wait3A_74 = tpu.memref_slice %arg5[%dma_wait3A_73] : memref<320000xf32, #tpu.memory_space<hbm>> -> memref<320000xf32, #tpu.memory_space<hbm>>
      tpu.wait_indirect_dma semaphore(%arg30 : memref<!tpu.dma_semaphore, #tpu.memory_space<semaphore_mem>>) src(%dma_wait3A_74 : memref<320000xf32, #tpu.memory_space<hbm>>) dst(%arg22 : memref<2048xf32, #tpu.memory_space<vmem>>)
      %scan3A_75 = arith.constant 0 : i32
      %scan3A_76 = arith.constant 0 : i32
      %scan3A_77 = arith.constant 128 : i32
      %scan3A_78 = arith.addi %scan3A_76, %scan3A_77 : i32
      %scan3A_79 = arith.constant 1 : i32
      %scan3A_80 = scf.for %scan3A_232 = %scan3A_76 to %scan3A_78 step %scan3A_79 iter_args(%scan3A_233 = %scan3A_75) -> (i32)  : i32 {
        %mul3A_234 = arith.constant 16 : i32
        %mul3A_235 = arith.muli %scan3A_232, %mul3A_234 : i32
        %get3A = arith.index_cast %mul3A_235 : i32 to index
        %get3A_236 = tpu.vector_load %arg19[%get3A] {strides = array<i32>} : memref<2048xi32, #tpu.memory_space<vmem>>, vector<16xi32>,
        %get3A_237 = vector.shape_cast %get3A_236 : vector<16xi32> to vector<16xi32>
        %get3A_238 = arith.index_cast %mul3A_235 : i32 to index
        %get3A_239 = tpu.vector_load %arg22[%get3A_238] {strides = array<i32>} : memref<2048xf32, #tpu.memory_space<vmem>>, vector<16xf32>,
        %get3A_240 = vector.shape_cast %get3A_239 : vector<16xf32> to vector<16xf32>
        %get3A_241 = arith.index_cast %mul3A_235 : i32 to index
        %get3A_242 = tpu.vector_load %arg18[%get3A_241] {strides = array<i32>} : memref<2048xf32, #tpu.memory_space<vmem>>, vector<16xf32>,
        %get3A_243 = vector.shape_cast %get3A_242 : vector<16xf32> to vector<16xf32>
        %lt3A = arith.cmpf olt, %get3A_240, %get3A_243 : vector<16xf32>
        %broadcast_in_dim3A = arith.constant 2 : i32
        %broadcast_in_dim3A_244 = vector.broadcast %broadcast_in_dim3A : i32 to vector<16xi32>
        %broadcast_in_dim3A_245 = arith.constant 0 : i32
        %broadcast_in_dim3A_246 = vector.broadcast %broadcast_in_dim3A_245 : i32 to vector<16xi32>
        %select_n3A_247 = arith.select %lt3A, %broadcast_in_dim3A_244, %broadcast_in_dim3A_246 : vector<16xi1>, vector<16xi32>
        %add3A_248 = arith.addi %get3A_237, %select_n3A_247 : vector<16xi32>
        %swap3A = arith.index_cast %mul3A_235 : i32 to index
        %swap3A_249 = tpu.vector_load %arg19[%swap3A] {strides = array<i32>} : memref<2048xi32, #tpu.memory_space<vmem>>, vector<16xi32>,
        %swap3A_250 = vector.shape_cast %swap3A_249 : vector<16xi32> to vector<16xi32>
        %swap3A_251 = vector.shape_cast %add3A_248 : vector<16xi32> to vector<16xi32>
        tpu.vector_store %arg19[%swap3A], %swap3A_251 {strides = array<i32>} : memref<2048xi32, #tpu.memory_space<vmem>>, vector<16xi32>,
        %get3A_252 = arith.index_cast %mul3A_235 : i32 to index
        %get3A_253 = tpu.vector_load %arg17[%get3A_252] {strides = array<i32>} : memref<2048xi32, #tpu.memory_space<vmem>>, vector<16xi32>,
        %get3A_254 = vector.shape_cast %get3A_253 : vector<16xi32> to vector<16xi32>
        %mul3A_255 = arith.constant 64 : i32
        %mul3A_256 = vector.broadcast %mul3A_255 : i32 to vector<16xi32>
        %mul3A_257 = arith.muli %get3A_254, %mul3A_256 : vector<16xi32>
        %add3A_258 = arith.constant 0 : i32
        %add3A_259 = vector.broadcast %add3A_258 : i32 to vector<16xi32>
        %add3A_260 = arith.addi %add3A_248, %add3A_259 : vector<16xi32>
        %add3A_261 = arith.addi %mul3A_257, %add3A_260 : vector<16xi32>
        %swap3A_262 = arith.index_cast %mul3A_235 : i32 to index
        %swap3A_263 = tpu.vector_load %arg20[%swap3A_262] {strides = array<i32>} : memref<2048xi32, #tpu.memory_space<vmem>>, vector<16xi32>,
        %swap3A_264 = vector.shape_cast %swap3A_263 : vector<16xi32> to vector<16xi32>
        %swap3A_265 = vector.shape_cast %add3A_261 : vector<16xi32> to vector<16xi32>
        tpu.vector_store %arg20[%swap3A_262], %swap3A_265 {strides = array<i32>} : memref<2048xi32, #tpu.memory_space<vmem>>, vector<16xi32>,
        %scan3A_266 = arith.constant 0 : i32
        scf.yield %scan3A_266 : i32
      }
      %scan3A_81 = arith.constant 128 : i32
      %dma_start3A_82 = arith.constant 0 : i32
      %dma_start3A_83 = tpu.memref_slice %arg5[%dma_start3A_82] : memref<320000xf32, #tpu.memory_space<hbm>> -> memref<320000xf32, #tpu.memory_space<hbm>>
      tpu.enqueue_indirect_dma source(%dma_start3A_83 : memref<320000xf32, #tpu.memory_space<hbm>>) target(%arg22 : memref<2048xf32, #tpu.memory_space<vmem>>) offsets(%arg20 : memref<2048xi32, #tpu.memory_space<vmem>>) semaphore(%arg30 : memref<!tpu.dma_semaphore, #tpu.memory_space<semaphore_mem>>)
      %dma_wait3A_84 = arith.constant 0 : i32
      %dma_wait3A_85 = tpu.memref_slice %arg5[%dma_wait3A_84] : memref<320000xf32, #tpu.memory_space<hbm>> -> memref<320000xf32, #tpu.memory_space<hbm>>
      tpu.wait_indirect_dma semaphore(%arg30 : memref<!tpu.dma_semaphore, #tpu.memory_space<semaphore_mem>>) src(%dma_wait3A_85 : memref<320000xf32, #tpu.memory_space<hbm>>) dst(%arg22 : memref<2048xf32, #tpu.memory_space<vmem>>)
      %scan3A_86 = arith.constant 0 : i32
      %scan3A_87 = arith.constant 0 : i32
      %scan3A_88 = arith.constant 128 : i32
      %scan3A_89 = arith.addi %scan3A_87, %scan3A_88 : i32
      %scan3A_90 = arith.constant 1 : i32
      %scan3A_91 = scf.for %scan3A_232 = %scan3A_87 to %scan3A_89 step %scan3A_90 iter_args(%scan3A_233 = %scan3A_86) -> (i32)  : i32 {
        %mul3A_234 = arith.constant 16 : i32
        %mul3A_235 = arith.muli %scan3A_232, %mul3A_234 : i32
        %get3A = arith.index_cast %mul3A_235 : i32 to index
        %get3A_236 = tpu.vector_load %arg19[%get3A] {strides = array<i32>} : memref<2048xi32, #tpu.memory_space<vmem>>, vector<16xi32>,
        %get3A_237 = vector.shape_cast %get3A_236 : vector<16xi32> to vector<16xi32>
        %get3A_238 = arith.index_cast %mul3A_235 : i32 to index
        %get3A_239 = tpu.vector_load %arg22[%get3A_238] {strides = array<i32>} : memref<2048xf32, #tpu.memory_space<vmem>>, vector<16xf32>,
        %get3A_240 = vector.shape_cast %get3A_239 : vector<16xf32> to vector<16xf32>
        %get3A_241 = arith.index_cast %mul3A_235 : i32 to index
        %get3A_242 = tpu.vector_load %arg18[%get3A_241] {strides = array<i32>} : memref<2048xf32, #tpu.memory_space<vmem>>, vector<16xf32>,
        %get3A_243 = vector.shape_cast %get3A_242 : vector<16xf32> to vector<16xf32>
        %lt3A = arith.cmpf olt, %get3A_240, %get3A_243 : vector<16xf32>
        %broadcast_in_dim3A = arith.constant 1 : i32
        %broadcast_in_dim3A_244 = vector.broadcast %broadcast_in_dim3A : i32 to vector<16xi32>
        %broadcast_in_dim3A_245 = arith.constant 0 : i32
        %broadcast_in_dim3A_246 = vector.broadcast %broadcast_in_dim3A_245 : i32 to vector<16xi32>
        %select_n3A_247 = arith.select %lt3A, %broadcast_in_dim3A_244, %broadcast_in_dim3A_246 : vector<16xi1>, vector<16xi32>
        %add3A_248 = arith.addi %get3A_237, %select_n3A_247 : vector<16xi32>
        %sub3A = arith.constant 1 : i32
        %sub3A_249 = vector.broadcast %sub3A : i32 to vector<16xi32>
        %sub3A_250 = arith.subi %add3A_248, %sub3A_249 : vector<16xi32>
        %jit3A_251 = arith.constant 0 : i32
        %jit3A_252 = arith.constant 62 : i32
        %max3A = vector.broadcast %jit3A_251 : i32 to vector<16xi32>
        %max3A_253 = arith.maxsi %max3A, %sub3A_250 : vector<16xi32>
        %min3A = vector.broadcast %jit3A_252 : i32 to vector<16xi32>
        %min3A_254 = arith.minsi %min3A, %max3A_253 : vector<16xi32>
        %swap3A = arith.index_cast %mul3A_235 : i32 to index
        %swap3A_255 = tpu.vector_load %arg19[%swap3A] {strides = array<i32>} : memref<2048xi32, #tpu.memory_space<vmem>>, vector<16xi32>,
        %swap3A_256 = vector.shape_cast %swap3A_255 : vector<16xi32> to vector<16xi32>
        %swap3A_257 = vector.shape_cast %min3A_254 : vector<16xi32> to vector<16xi32>
        tpu.vector_store %arg19[%swap3A], %swap3A_257 {strides = array<i32>} : memref<2048xi32, #tpu.memory_space<vmem>>, vector<16xi32>,
        %get3A_258 = arith.index_cast %mul3A_235 : i32 to index
        %get3A_259 = tpu.vector_load %arg17[%get3A_258] {strides = array<i32>} : memref<2048xi32, #tpu.memory_space<vmem>>, vector<16xi32>,
        %get3A_260 = vector.shape_cast %get3A_259 : vector<16xi32> to vector<16xi32>
        %mul3A_261 = arith.constant 64 : i32
        %mul3A_262 = vector.broadcast %mul3A_261 : i32 to vector<16xi32>
        %mul3A_263 = arith.muli %get3A_260, %mul3A_262 : vector<16xi32>
        %add3A_264 = arith.addi %mul3A_263, %min3A_254 : vector<16xi32>
        %swap3A_265 = arith.index_cast %mul3A_235 : i32 to index
        %swap3A_266 = tpu.vector_load %arg20[%swap3A_265] {strides = array<i32>} : memref<2048xi32, #tpu.memory_space<vmem>>, vector<16xi32>,
        %swap3A_267 = vector.shape_cast %swap3A_266 : vector<16xi32> to vector<16xi32>
        %swap3A_268 = vector.shape_cast %add3A_264 : vector<16xi32> to vector<16xi32>
        tpu.vector_store %arg20[%swap3A_265], %swap3A_268 {strides = array<i32>} : memref<2048xi32, #tpu.memory_space<vmem>>, vector<16xi32>,
        %get3A_269 = arith.index_cast %mul3A_235 : i32 to index
        %get3A_270 = tpu.vector_load %arg16[%get3A_269] {strides = array<i32>} : memref<2048xi32, #tpu.memory_space<vmem>>, vector<16xi32>,
        %get3A_271 = vector.shape_cast %get3A_270 : vector<16xi32> to vector<16xi32>
        %mul3A_272 = arith.constant 64 : i32
        %mul3A_273 = vector.broadcast %mul3A_272 : i32 to vector<16xi32>
        %mul3A_274 = arith.muli %get3A_271, %mul3A_273 : vector<16xi32>
        %add3A_275 = arith.addi %mul3A_274, %min3A_254 : vector<16xi32>
        %swap3A_276 = arith.index_cast %mul3A_235 : i32 to index
        %swap3A_277 = tpu.vector_load %arg21[%swap3A_276] {strides = array<i32>} : memref<2048xi32, #tpu.memory_space<vmem>>, vector<16xi32>,
        %swap3A_278 = vector.shape_cast %swap3A_277 : vector<16xi32> to vector<16xi32>
        %swap3A_279 = vector.shape_cast %add3A_275 : vector<16xi32> to vector<16xi32>
        tpu.vector_store %arg21[%swap3A_276], %swap3A_279 {strides = array<i32>} : memref<2048xi32, #tpu.memory_space<vmem>>, vector<16xi32>,
        %scan3A_280 = arith.constant 0 : i32
        scf.yield %scan3A_280 : i32
      }
      %scan3A_92 = arith.constant 128 : i32
      %dma_start3A_93 = arith.constant 0 : i32
      %dma_start3A_94 = tpu.memref_slice %arg5[%dma_start3A_93] : memref<320000xf32, #tpu.memory_space<hbm>> -> memref<320000xf32, #tpu.memory_space<hbm>>
      tpu.enqueue_indirect_dma source(%dma_start3A_94 : memref<320000xf32, #tpu.memory_space<hbm>>) target(%arg23 : memref<2048xf32, #tpu.memory_space<vmem>>) offsets(%arg20 : memref<2048xi32, #tpu.memory_space<vmem>>) semaphore(%arg30 : memref<!tpu.dma_semaphore, #tpu.memory_space<semaphore_mem>>)
      %dma_wait3A_95 = arith.constant 0 : i32
      %dma_wait3A_96 = tpu.memref_slice %arg5[%dma_wait3A_95] : memref<320000xf32, #tpu.memory_space<hbm>> -> memref<320000xf32, #tpu.memory_space<hbm>>
      tpu.wait_indirect_dma semaphore(%arg30 : memref<!tpu.dma_semaphore, #tpu.memory_space<semaphore_mem>>) src(%dma_wait3A_96 : memref<320000xf32, #tpu.memory_space<hbm>>) dst(%arg23 : memref<2048xf32, #tpu.memory_space<vmem>>)
      %dma_start3A_97 = arith.constant 0 : i32
      %dma_start3A_98 = tpu.memref_slice %arg6[%dma_start3A_97] : memref<5120000xf32, #tpu.memory_space<hbm>> -> memref<5120000xf32, #tpu.memory_space<hbm>>
      tpu.enqueue_indirect_dma source(%dma_start3A_98 : memref<5120000xf32, #tpu.memory_space<hbm>>) target(%arg24 : memref<2048xf32, #tpu.memory_space<vmem>>) offsets(%arg21 : memref<2048xi32, #tpu.memory_space<vmem>>) semaphore(%arg30 : memref<!tpu.dma_semaphore, #tpu.memory_space<semaphore_mem>>)
      %dma_wait3A_99 = arith.constant 0 : i32
      %dma_wait3A_100 = tpu.memref_slice %arg6[%dma_wait3A_99] : memref<5120000xf32, #tpu.memory_space<hbm>> -> memref<5120000xf32, #tpu.memory_space<hbm>>
      tpu.wait_indirect_dma semaphore(%arg30 : memref<!tpu.dma_semaphore, #tpu.memory_space<semaphore_mem>>) src(%dma_wait3A_100 : memref<5120000xf32, #tpu.memory_space<hbm>>) dst(%arg24 : memref<2048xf32, #tpu.memory_space<vmem>>)
      %dma_start3A_101 = arith.constant 0 : i32
      %dma_start3A_102 = tpu.memref_slice %arg7[%dma_start3A_101] : memref<5120000xf32, #tpu.memory_space<hbm>> -> memref<5120000xf32, #tpu.memory_space<hbm>>
      tpu.enqueue_indirect_dma source(%dma_start3A_102 : memref<5120000xf32, #tpu.memory_space<hbm>>) target(%arg26 : memref<2048xf32, #tpu.memory_space<vmem>>) offsets(%arg21 : memref<2048xi32, #tpu.memory_space<vmem>>) semaphore(%arg30 : memref<!tpu.dma_semaphore, #tpu.memory_space<semaphore_mem>>)
      %dma_wait3A_103 = arith.constant 0 : i32
      %dma_wait3A_104 = tpu.memref_slice %arg7[%dma_wait3A_103] : memref<5120000xf32, #tpu.memory_space<hbm>> -> memref<5120000xf32, #tpu.memory_space<hbm>>
      tpu.wait_indirect_dma semaphore(%arg30 : memref<!tpu.dma_semaphore, #tpu.memory_space<semaphore_mem>>) src(%dma_wait3A_104 : memref<5120000xf32, #tpu.memory_space<hbm>>) dst(%arg26 : memref<2048xf32, #tpu.memory_space<vmem>>)
      %scan3A_105 = arith.constant 0 : i32
      %scan3A_106 = arith.constant 0 : i32
      %scan3A_107 = arith.constant 128 : i32
      %scan3A_108 = arith.addi %scan3A_106, %scan3A_107 : i32
      %scan3A_109 = arith.constant 1 : i32
      %scan3A_110 = scf.for %scan3A_232 = %scan3A_106 to %scan3A_108 step %scan3A_109 iter_args(%scan3A_233 = %scan3A_105) -> (i32)  : i32 {
        %mul3A_234 = arith.constant 16 : i32
        %mul3A_235 = arith.muli %scan3A_232, %mul3A_234 : i32
        %get3A = arith.index_cast %mul3A_235 : i32 to index
        %get3A_236 = tpu.vector_load %arg20[%get3A] {strides = array<i32>} : memref<2048xi32, #tpu.memory_space<vmem>>, vector<16xi32>,
        %get3A_237 = vector.shape_cast %get3A_236 : vector<16xi32> to vector<16xi32>
        %broadcast_in_dim3A = arith.constant 1 : i32
        %broadcast_in_dim3A_238 = vector.broadcast %broadcast_in_dim3A : i32 to vector<16xi32>
        %add3A_239 = arith.addi %get3A_237, %broadcast_in_dim3A_238 : vector<16xi32>
        %swap3A = arith.index_cast %mul3A_235 : i32 to index
        %swap3A_240 = tpu.vector_load %arg20[%swap3A] {strides = array<i32>} : memref<2048xi32, #tpu.memory_space<vmem>>, vector<16xi32>,
        %swap3A_241 = vector.shape_cast %swap3A_240 : vector<16xi32> to vector<16xi32>
        %swap3A_242 = vector.shape_cast %add3A_239 : vector<16xi32> to vector<16xi32>
        tpu.vector_store %arg20[%swap3A], %swap3A_242 {strides = array<i32>} : memref<2048xi32, #tpu.memory_space<vmem>>, vector<16xi32>,
        %get3A_243 = arith.index_cast %mul3A_235 : i32 to index
        %get3A_244 = tpu.vector_load %arg21[%get3A_243] {strides = array<i32>} : memref<2048xi32, #tpu.memory_space<vmem>>, vector<16xi32>,
        %get3A_245 = vector.shape_cast %get3A_244 : vector<16xi32> to vector<16xi32>
        %broadcast_in_dim3A_246 = arith.constant 1 : i32
        %broadcast_in_dim3A_247 = vector.broadcast %broadcast_in_dim3A_246 : i32 to vector<16xi32>
        %add3A_248 = arith.addi %get3A_245, %broadcast_in_dim3A_247 : vector<16xi32>
        %swap3A_249 = arith.index_cast %mul3A_235 : i32 to index
        %swap3A_250 = tpu.vector_load %arg21[%swap3A_249] {strides = array<i32>} : memref<2048xi32, #tpu.memory_space<vmem>>, vector<16xi32>,
        %swap3A_251 = vector.shape_cast %swap3A_250 : vector<16xi32> to vector<16xi32>
        %swap3A_252 = vector.shape_cast %add3A_248 : vector<16xi32> to vector<16xi32>
        tpu.vector_store %arg21[%swap3A_249], %swap3A_252 {strides = array<i32>} : memref<2048xi32, #tpu.memory_space<vmem>>, vector<16xi32>,
        %scan3A_253 = arith.constant 0 : i32
        scf.yield %scan3A_253 : i32
      }
      %scan3A_111 = arith.constant 128 : i32
      %dma_start3A_112 = arith.constant 0 : i32
      %dma_start3A_113 = tpu.memref_slice %arg5[%dma_start3A_112] : memref<320000xf32, #tpu.memory_space<hbm>> -> memref<320000xf32, #tpu.memory_space<hbm>>
      tpu.enqueue_indirect_dma source(%dma_start3A_113 : memref<320000xf32, #tpu.memory_space<hbm>>) target(%arg22 : memref<2048xf32, #tpu.memory_space<vmem>>) offsets(%arg20 : memref<2048xi32, #tpu.memory_space<vmem>>) semaphore(%arg30 : memref<!tpu.dma_semaphore, #tpu.memory_space<semaphore_mem>>)
      %dma_wait3A_114 = arith.constant 0 : i32
      %dma_wait3A_115 = tpu.memref_slice %arg5[%dma_wait3A_114] : memref<320000xf32, #tpu.memory_space<hbm>> -> memref<320000xf32, #tpu.memory_space<hbm>>
      tpu.wait_indirect_dma semaphore(%arg30 : memref<!tpu.dma_semaphore, #tpu.memory_space<semaphore_mem>>) src(%dma_wait3A_115 : memref<320000xf32, #tpu.memory_space<hbm>>) dst(%arg22 : memref<2048xf32, #tpu.memory_space<vmem>>)
      %dma_start3A_116 = arith.constant 0 : i32
      %dma_start3A_117 = tpu.memref_slice %arg6[%dma_start3A_116] : memref<5120000xf32, #tpu.memory_space<hbm>> -> memref<5120000xf32, #tpu.memory_space<hbm>>
      tpu.enqueue_indirect_dma source(%dma_start3A_117 : memref<5120000xf32, #tpu.memory_space<hbm>>) target(%arg25 : memref<2048xf32, #tpu.memory_space<vmem>>) offsets(%arg21 : memref<2048xi32, #tpu.memory_space<vmem>>) semaphore(%arg30 : memref<!tpu.dma_semaphore, #tpu.memory_space<semaphore_mem>>)
      %dma_wait3A_118 = arith.constant 0 : i32
      %dma_wait3A_119 = tpu.memref_slice %arg6[%dma_wait3A_118] : memref<5120000xf32, #tpu.memory_space<hbm>> -> memref<5120000xf32, #tpu.memory_space<hbm>>
      tpu.wait_indirect_dma semaphore(%arg30 : memref<!tpu.dma_semaphore, #tpu.memory_space<semaphore_mem>>) src(%dma_wait3A_119 : memref<5120000xf32, #tpu.memory_space<hbm>>) dst(%arg25 : memref<2048xf32, #tpu.memory_space<vmem>>)
      %scan3A_120 = arith.constant 0 : i32
      %scan3A_121 = arith.constant 0 : i32
      %scan3A_122 = arith.constant 128 : i32
      %scan3A_123 = arith.addi %scan3A_121, %scan3A_122 : i32
      %scan3A_124 = arith.constant 1 : i32
      %scan3A_125 = scf.for %scan3A_232 = %scan3A_121 to %scan3A_123 step %scan3A_124 iter_args(%scan3A_233 = %scan3A_120) -> (i32)  : i32 {
        %mul3A_234 = arith.constant 16 : i32
        %mul3A_235 = arith.muli %scan3A_232, %mul3A_234 : i32
        %get3A = arith.index_cast %mul3A_235 : i32 to index
        %get3A_236 = tpu.vector_load %arg15[%get3A] {strides = array<i32>} : memref<2048xf32, #tpu.memory_space<vmem>>, vector<16xf32>,
        %get3A_237 = vector.shape_cast %get3A_236 : vector<16xf32> to vector<16xf32>
        %get3A_238 = arith.index_cast %mul3A_235 : i32 to index
        %get3A_239 = tpu.vector_load %arg17[%get3A_238] {strides = array<i32>} : memref<2048xi32, #tpu.memory_space<vmem>>, vector<16xi32>,
        %get3A_240 = vector.shape_cast %get3A_239 : vector<16xi32> to vector<16xi32>
        %convert_element_type3A = arith.sitofp %get3A_240 : vector<16xi32> to vector<16xf32>
        %div3A = arith.constant 5.000000e+03 : f32
        %div3A_241 = vector.broadcast %div3A : f32 to vector<16xf32>
        %div3A_242 = arith.divf %convert_element_type3A, %div3A_241 : vector<16xf32>
        %broadcast_in_dim3A = arith.constant 2.000000e-04 : f32
        %broadcast_in_dim3A_243 = vector.broadcast %broadcast_in_dim3A : f32 to vector<16xf32>
        %get3A_244 = arith.index_cast %mul3A_235 : i32 to index
        %get3A_245 = tpu.vector_load %arg23[%get3A_244] {strides = array<i32>} : memref<2048xf32, #tpu.memory_space<vmem>>, vector<16xf32>,
        %get3A_246 = vector.shape_cast %get3A_245 : vector<16xf32> to vector<16xf32>
        %get3A_247 = arith.index_cast %mul3A_235 : i32 to index
        %get3A_248 = tpu.vector_load %arg22[%get3A_247] {strides = array<i32>} : memref<2048xf32, #tpu.memory_space<vmem>>, vector<16xf32>,
        %get3A_249 = vector.shape_cast %get3A_248 : vector<16xf32> to vector<16xf32>
        %sub3A = arith.subf %get3A_249, %get3A_246 : vector<16xf32>
        %mul3A_250 = arith.mulf %broadcast_in_dim3A_243, %sub3A : vector<16xf32>
        %mul3A_251 = arith.mulf %broadcast_in_dim3A_243, %get3A_246 : vector<16xf32>
        %add3A_252 = arith.addf %div3A_242, %mul3A_251 : vector<16xf32>
        %sub3A_253 = arith.subf %get3A_237, %add3A_252 : vector<16xf32>
        %max3A = arith.constant 9.99999996E-13 : f32
        %max3A_254 = vector.broadcast %max3A : f32 to vector<16xf32>
        %max3A_255 = arith.maximumf %mul3A_250, %max3A_254 : vector<16xf32>
        %div3A_256 = arith.divf %sub3A_253, %max3A_255 : vector<16xf32>
        %jit3A_257 = arith.constant 0.000000e+00 : f32
        %jit3A_258 = arith.constant 1.000000e+00 : f32
        %max3A_259 = vector.broadcast %jit3A_257 : f32 to vector<16xf32>
        %max3A_260 = arith.maximumf %max3A_259, %div3A_256 : vector<16xf32>
        %min3A = vector.broadcast %jit3A_258 : f32 to vector<16xf32>
        %min3A_261 = arith.minimumf %min3A, %max3A_260 : vector<16xf32>
        %get3A_262 = arith.index_cast %mul3A_235 : i32 to index
        %get3A_263 = tpu.vector_load %arg24[%get3A_262] {strides = array<i32>} : memref<2048xf32, #tpu.memory_space<vmem>>, vector<16xf32>,
        %get3A_264 = vector.shape_cast %get3A_263 : vector<16xf32> to vector<16xf32>
        %get3A_265 = arith.index_cast %mul3A_235 : i32 to index
        %get3A_266 = tpu.vector_load %arg25[%get3A_265] {strides = array<i32>} : memref<2048xf32, #tpu.memory_space<vmem>>, vector<16xf32>,
        %get3A_267 = vector.shape_cast %get3A_266 : vector<16xf32> to vector<16xf32>
        %sub3A_268 = arith.subf %get3A_267, %get3A_264 : vector<16xf32>
        %get3A_269 = arith.index_cast %mul3A_235 : i32 to index
        %get3A_270 = tpu.vector_load %arg26[%get3A_269] {strides = array<i32>} : memref<2048xf32, #tpu.memory_space<vmem>>, vector<16xf32>,
        %get3A_271 = vector.shape_cast %get3A_270 : vector<16xf32> to vector<16xf32>
        %mul3A_272 = arith.mulf %min3A_261, %mul3A_250 : vector<16xf32>
        %mul3A_273 = arith.mulf %mul3A_272, %get3A_264 : vector<16xf32>
        %add3A_274 = arith.addf %get3A_271, %mul3A_273 : vector<16xf32>
        %mul3A_275 = arith.constant 5.000000e-01 : f32
        %mul3A_276 = vector.broadcast %mul3A_275 : f32 to vector<16xf32>
        %mul3A_277 = arith.mulf %mul3A_276, %min3A_261 : vector<16xf32>
        %mul3A_278 = arith.mulf %mul3A_277, %min3A_261 : vector<16xf32>
        %mul3A_279 = arith.mulf %mul3A_278, %mul3A_250 : vector<16xf32>
        %mul3A_280 = arith.mulf %mul3A_279, %sub3A_268 : vector<16xf32>
        %add3A_281 = arith.addf %add3A_274, %mul3A_280 : vector<16xf32>
        %swap3A = arith.index_cast %mul3A_235 : i32 to index
        %swap3A_282 = tpu.vector_load %arg15[%swap3A] {strides = array<i32>} : memref<2048xf32, #tpu.memory_space<vmem>>, vector<16xf32>,
        %swap3A_283 = vector.shape_cast %swap3A_282 : vector<16xf32> to vector<16xf32>
        %swap3A_284 = vector.shape_cast %add3A_281 : vector<16xf32> to vector<16xf32>
        tpu.vector_store %arg15[%swap3A], %swap3A_284 {strides = array<i32>} : memref<2048xf32, #tpu.memory_space<vmem>>, vector<16xf32>,
        %mul3A_285 = arith.mulf %min3A_261, %sub3A_268 : vector<16xf32>
        %add3A_286 = arith.addf %get3A_264, %mul3A_285 : vector<16xf32>
        %max3A_287 = arith.constant 9.99999996E-13 : f32
        %max3A_288 = vector.broadcast %max3A_287 : f32 to vector<16xf32>
        %max3A_289 = arith.maximumf %add3A_286, %max3A_288 : vector<16xf32>
        %swap3A_290 = arith.index_cast %mul3A_235 : i32 to index
        %swap3A_291 = tpu.vector_load %arg29[%swap3A_290] {strides = array<i32>} : memref<2048xf32, #tpu.memory_space<vmem>>, vector<16xf32>,
        %swap3A_292 = vector.shape_cast %swap3A_291 : vector<16xf32> to vector<16xf32>
        %swap3A_293 = vector.shape_cast %max3A_289 : vector<16xf32> to vector<16xf32>
        tpu.vector_store %arg29[%swap3A_290], %swap3A_293 {strides = array<i32>} : memref<2048xf32, #tpu.memory_space<vmem>>, vector<16xf32>,
        %scan3A_294 = arith.constant 0 : i32
        scf.yield %scan3A_294 : i32
      }
      %scan3A_126 = arith.constant 128 : i32
      %dma_start3A_127 = arith.constant 0 : i32
      %dma_start3A_128 = tpu.memref_slice %arg11[%dma_start3A_127] : memref<80000xf32, #tpu.memory_space<hbm>> -> memref<80000xf32, #tpu.memory_space<hbm>>
      tpu.enqueue_indirect_dma source(%dma_start3A_128 : memref<80000xf32, #tpu.memory_space<hbm>>) target(%arg27 : memref<2048xf32, #tpu.memory_space<vmem>>) offsets(%arg16 : memref<2048xi32, #tpu.memory_space<vmem>>) semaphore(%arg30 : memref<!tpu.dma_semaphore, #tpu.memory_space<semaphore_mem>>)
      %dma_wait3A_129 = arith.constant 0 : i32
      %dma_wait3A_130 = tpu.memref_slice %arg11[%dma_wait3A_129] : memref<80000xf32, #tpu.memory_space<hbm>> -> memref<80000xf32, #tpu.memory_space<hbm>>
      tpu.wait_indirect_dma semaphore(%arg30 : memref<!tpu.dma_semaphore, #tpu.memory_space<semaphore_mem>>) src(%dma_wait3A_130 : memref<80000xf32, #tpu.memory_space<hbm>>) dst(%arg27 : memref<2048xf32, #tpu.memory_space<vmem>>)
      %dma_start3A_131 = arith.constant 0 : i32
      %dma_start3A_132 = tpu.memref_slice %arg12[%dma_start3A_131] : memref<80000xf32, #tpu.memory_space<hbm>> -> memref<80000xf32, #tpu.memory_space<hbm>>
      tpu.enqueue_indirect_dma source(%dma_start3A_132 : memref<80000xf32, #tpu.memory_space<hbm>>) target(%arg28 : memref<2048xf32, #tpu.memory_space<vmem>>) offsets(%arg16 : memref<2048xi32, #tpu.memory_space<vmem>>) semaphore(%arg30 : memref<!tpu.dma_semaphore, #tpu.memory_space<semaphore_mem>>)
      %dma_wait3A_133 = arith.constant 0 : i32
      %dma_wait3A_134 = tpu.memref_slice %arg12[%dma_wait3A_133] : memref<80000xf32, #tpu.memory_space<hbm>> -> memref<80000xf32, #tpu.memory_space<hbm>>
      tpu.wait_indirect_dma semaphore(%arg30 : memref<!tpu.dma_semaphore, #tpu.memory_space<semaphore_mem>>) src(%dma_wait3A_134 : memref<80000xf32, #tpu.memory_space<hbm>>) dst(%arg28 : memref<2048xf32, #tpu.memory_space<vmem>>)
      %scan3A_135 = arith.constant 0 : i32
      %scan3A_136 = arith.constant 0 : i32
      %scan3A_137 = arith.constant 128 : i32
      %scan3A_138 = arith.addi %scan3A_136, %scan3A_137 : i32
      %scan3A_139 = arith.constant 1 : i32
      %scan3A_140 = scf.for %scan3A_232 = %scan3A_136 to %scan3A_138 step %scan3A_139 iter_args(%scan3A_233 = %scan3A_135) -> (i32)  : i32 {
        %mul3A_234 = arith.constant 16 : i32
        %mul3A_235 = arith.muli %scan3A_232, %mul3A_234 : i32
        %get3A = arith.index_cast %mul3A_235 : i32 to index
        %get3A_236 = tpu.vector_load %arg15[%get3A] {strides = array<i32>} : memref<2048xf32, #tpu.memory_space<vmem>>, vector<16xf32>,
        %get3A_237 = vector.shape_cast %get3A_236 : vector<16xf32> to vector<16xf32>
        %get3A_238 = arith.index_cast %mul3A_235 : i32 to index
        %get3A_239 = tpu.vector_load %arg27[%get3A_238] {strides = array<i32>} : memref<2048xf32, #tpu.memory_space<vmem>>, vector<16xf32>,
        %get3A_240 = vector.shape_cast %get3A_239 : vector<16xf32> to vector<16xf32>
        %get3A_241 = arith.index_cast %mul3A_235 : i32 to index
        %get3A_242 = tpu.vector_load %arg28[%get3A_241] {strides = array<i32>} : memref<2048xf32, #tpu.memory_space<vmem>>, vector<16xf32>,
        %get3A_243 = vector.shape_cast %get3A_242 : vector<16xf32> to vector<16xf32>
        %sub3A = arith.subf %get3A_237, %get3A_240 : vector<16xf32>
        %div3A = arith.divf %sub3A, %get3A_243 : vector<16xf32>
        %swap3A = arith.index_cast %mul3A_235 : i32 to index
        %swap3A_244 = tpu.vector_load %arg18[%swap3A] {strides = array<i32>} : memref<2048xf32, #tpu.memory_space<vmem>>, vector<16xf32>,
        %swap3A_245 = vector.shape_cast %swap3A_244 : vector<16xf32> to vector<16xf32>
        %swap3A_246 = vector.shape_cast %div3A : vector<16xf32> to vector<16xf32>
        tpu.vector_store %arg18[%swap3A], %swap3A_246 {strides = array<i32>} : memref<2048xf32, #tpu.memory_space<vmem>>, vector<16xf32>,
        %broadcast_in_dim3A = arith.constant 0 : i32
        %broadcast_in_dim3A_247 = vector.broadcast %broadcast_in_dim3A : i32 to vector<16xi32>
        %swap3A_248 = arith.index_cast %mul3A_235 : i32 to index
        %swap3A_249 = tpu.vector_load %arg19[%swap3A_248] {strides = array<i32>} : memref<2048xi32, #tpu.memory_space<vmem>>, vector<16xi32>,
        %swap3A_250 = vector.shape_cast %swap3A_249 : vector<16xi32> to vector<16xi32>
        %swap3A_251 = vector.shape_cast %broadcast_in_dim3A_247 : vector<16xi32> to vector<16xi32>
        tpu.vector_store %arg19[%swap3A_248], %swap3A_251 {strides = array<i32>} : memref<2048xi32, #tpu.memory_space<vmem>>, vector<16xi32>,
        %get3A_252 = arith.index_cast %mul3A_235 : i32 to index
        %get3A_253 = tpu.vector_load %arg17[%get3A_252] {strides = array<i32>} : memref<2048xi32, #tpu.memory_space<vmem>>, vector<16xi32>,
        %get3A_254 = vector.shape_cast %get3A_253 : vector<16xi32> to vector<16xi32>
        %mul3A_255 = arith.constant 32 : i32
        %mul3A_256 = vector.broadcast %mul3A_255 : i32 to vector<16xi32>
        %mul3A_257 = arith.muli %get3A_254, %mul3A_256 : vector<16xi32>
        %add3A_258 = arith.constant 15 : i32
        %add3A_259 = vector.broadcast %add3A_258 : i32 to vector<16xi32>
        %add3A_260 = arith.addi %mul3A_257, %add3A_259 : vector<16xi32>
        %swap3A_261 = arith.index_cast %mul3A_235 : i32 to index
        %swap3A_262 = tpu.vector_load %arg20[%swap3A_261] {strides = array<i32>} : memref<2048xi32, #tpu.memory_space<vmem>>, vector<16xi32>,
        %swap3A_263 = vector.shape_cast %swap3A_262 : vector<16xi32> to vector<16xi32>
        %swap3A_264 = vector.shape_cast %add3A_260 : vector<16xi32> to vector<16xi32>
        tpu.vector_store %arg20[%swap3A_261], %swap3A_264 {strides = array<i32>} : memref<2048xi32, #tpu.memory_space<vmem>>, vector<16xi32>,
        %scan3A_265 = arith.constant 0 : i32
        scf.yield %scan3A_265 : i32
      }
      %scan3A_141 = arith.constant 128 : i32
      %dma_start3A_142 = arith.constant 0 : i32
      %dma_start3A_143 = tpu.memref_slice %arg8[%dma_start3A_142] : memref<160000xf32, #tpu.memory_space<hbm>> -> memref<160000xf32, #tpu.memory_space<hbm>>
      tpu.enqueue_indirect_dma source(%dma_start3A_143 : memref<160000xf32, #tpu.memory_space<hbm>>) target(%arg22 : memref<2048xf32, #tpu.memory_space<vmem>>) offsets(%arg20 : memref<2048xi32, #tpu.memory_space<vmem>>) semaphore(%arg30 : memref<!tpu.dma_semaphore, #tpu.memory_space<semaphore_mem>>)
      %dma_wait3A_144 = arith.constant 0 : i32
      %dma_wait3A_145 = tpu.memref_slice %arg8[%dma_wait3A_144] : memref<160000xf32, #tpu.memory_space<hbm>> -> memref<160000xf32, #tpu.memory_space<hbm>>
      tpu.wait_indirect_dma semaphore(%arg30 : memref<!tpu.dma_semaphore, #tpu.memory_space<semaphore_mem>>) src(%dma_wait3A_145 : memref<160000xf32, #tpu.memory_space<hbm>>) dst(%arg22 : memref<2048xf32, #tpu.memory_space<vmem>>)
      %scan3A_146 = arith.constant 0 : i32
      %scan3A_147 = arith.constant 0 : i32
      %scan3A_148 = arith.constant 128 : i32
      %scan3A_149 = arith.addi %scan3A_147, %scan3A_148 : i32
      %scan3A_150 = arith.constant 1 : i32
      %scan3A_151 = scf.for %scan3A_232 = %scan3A_147 to %scan3A_149 step %scan3A_150 iter_args(%scan3A_233 = %scan3A_146) -> (i32)  : i32 {
        %mul3A_234 = arith.constant 16 : i32
        %mul3A_235 = arith.muli %scan3A_232, %mul3A_234 : i32
        %get3A = arith.index_cast %mul3A_235 : i32 to index
        %get3A_236 = tpu.vector_load %arg19[%get3A] {strides = array<i32>} : memref<2048xi32, #tpu.memory_space<vmem>>, vector<16xi32>,
        %get3A_237 = vector.shape_cast %get3A_236 : vector<16xi32> to vector<16xi32>
        %get3A_238 = arith.index_cast %mul3A_235 : i32 to index
        %get3A_239 = tpu.vector_load %arg22[%get3A_238] {strides = array<i32>} : memref<2048xf32, #tpu.memory_space<vmem>>, vector<16xf32>,
        %get3A_240 = vector.shape_cast %get3A_239 : vector<16xf32> to vector<16xf32>
        %get3A_241 = arith.index_cast %mul3A_235 : i32 to index
        %get3A_242 = tpu.vector_load %arg18[%get3A_241] {strides = array<i32>} : memref<2048xf32, #tpu.memory_space<vmem>>, vector<16xf32>,
        %get3A_243 = vector.shape_cast %get3A_242 : vector<16xf32> to vector<16xf32>
        %lt3A = arith.cmpf olt, %get3A_240, %get3A_243 : vector<16xf32>
        %broadcast_in_dim3A = arith.constant 16 : i32
        %broadcast_in_dim3A_244 = vector.broadcast %broadcast_in_dim3A : i32 to vector<16xi32>
        %broadcast_in_dim3A_245 = arith.constant 0 : i32
        %broadcast_in_dim3A_246 = vector.broadcast %broadcast_in_dim3A_245 : i32 to vector<16xi32>
        %select_n3A_247 = arith.select %lt3A, %broadcast_in_dim3A_244, %broadcast_in_dim3A_246 : vector<16xi1>, vector<16xi32>
        %add3A_248 = arith.addi %get3A_237, %select_n3A_247 : vector<16xi32>
        %swap3A = arith.index_cast %mul3A_235 : i32 to index
        %swap3A_249 = tpu.vector_load %arg19[%swap3A] {strides = array<i32>} : memref<2048xi32, #tpu.memory_space<vmem>>, vector<16xi32>,
        %swap3A_250 = vector.shape_cast %swap3A_249 : vector<16xi32> to vector<16xi32>
        %swap3A_251 = vector.shape_cast %add3A_248 : vector<16xi32> to vector<16xi32>
        tpu.vector_store %arg19[%swap3A], %swap3A_251 {strides = array<i32>} : memref<2048xi32, #tpu.memory_space<vmem>>, vector<16xi32>,
        %get3A_252 = arith.index_cast %mul3A_235 : i32 to index
        %get3A_253 = tpu.vector_load %arg17[%get3A_252] {strides = array<i32>} : memref<2048xi32, #tpu.memory_space<vmem>>, vector<16xi32>,
        %get3A_254 = vector.shape_cast %get3A_253 : vector<16xi32> to vector<16xi32>
        %mul3A_255 = arith.constant 32 : i32
        %mul3A_256 = vector.broadcast %mul3A_255 : i32 to vector<16xi32>
        %mul3A_257 = arith.muli %get3A_254, %mul3A_256 : vector<16xi32>
        %add3A_258 = arith.constant 7 : i32
        %add3A_259 = vector.broadcast %add3A_258 : i32 to vector<16xi32>
        %add3A_260 = arith.addi %add3A_248, %add3A_259 : vector<16xi32>
        %add3A_261 = arith.addi %mul3A_257, %add3A_260 : vector<16xi32>
        %swap3A_262 = arith.index_cast %mul3A_235 : i32 to index
        %swap3A_263 = tpu.vector_load %arg20[%swap3A_262] {strides = array<i32>} : memref<2048xi32, #tpu.memory_space<vmem>>, vector<16xi32>,
        %swap3A_264 = vector.shape_cast %swap3A_263 : vector<16xi32> to vector<16xi32>
        %swap3A_265 = vector.shape_cast %add3A_261 : vector<16xi32> to vector<16xi32>
        tpu.vector_store %arg20[%swap3A_262], %swap3A_265 {strides = array<i32>} : memref<2048xi32, #tpu.memory_space<vmem>>, vector<16xi32>,
        %scan3A_266 = arith.constant 0 : i32
        scf.yield %scan3A_266 : i32
      }
      %scan3A_152 = arith.constant 128 : i32
      %dma_start3A_153 = arith.constant 0 : i32
      %dma_start3A_154 = tpu.memref_slice %arg8[%dma_start3A_153] : memref<160000xf32, #tpu.memory_space<hbm>> -> memref<160000xf32, #tpu.memory_space<hbm>>
      tpu.enqueue_indirect_dma source(%dma_start3A_154 : memref<160000xf32, #tpu.memory_space<hbm>>) target(%arg22 : memref<2048xf32, #tpu.memory_space<vmem>>) offsets(%arg20 : memref<2048xi32, #tpu.memory_space<vmem>>) semaphore(%arg30 : memref<!tpu.dma_semaphore, #tpu.memory_space<semaphore_mem>>)
      %dma_wait3A_155 = arith.constant 0 : i32
      %dma_wait3A_156 = tpu.memref_slice %arg8[%dma_wait3A_155] : memref<160000xf32, #tpu.memory_space<hbm>> -> memref<160000xf32, #tpu.memory_space<hbm>>
      tpu.wait_indirect_dma semaphore(%arg30 : memref<!tpu.dma_semaphore, #tpu.memory_space<semaphore_mem>>) src(%dma_wait3A_156 : memref<160000xf32, #tpu.memory_space<hbm>>) dst(%arg22 : memref<2048xf32, #tpu.memory_space<vmem>>)
      %scan3A_157 = arith.constant 0 : i32
      %scan3A_158 = arith.constant 0 : i32
      %scan3A_159 = arith.constant 128 : i32
      %scan3A_160 = arith.addi %scan3A_158, %scan3A_159 : i32
      %scan3A_161 = arith.constant 1 : i32
      %scan3A_162 = scf.for %scan3A_232 = %scan3A_158 to %scan3A_160 step %scan3A_161 iter_args(%scan3A_233 = %scan3A_157) -> (i32)  : i32 {
        %mul3A_234 = arith.constant 16 : i32
        %mul3A_235 = arith.muli %scan3A_232, %mul3A_234 : i32
        %get3A = arith.index_cast %mul3A_235 : i32 to index
        %get3A_236 = tpu.vector_load %arg19[%get3A] {strides = array<i32>} : memref<2048xi32, #tpu.memory_space<vmem>>, vector<16xi32>,
        %get3A_237 = vector.shape_cast %get3A_236 : vector<16xi32> to vector<16xi32>
        %get3A_238 = arith.index_cast %mul3A_235 : i32 to index
        %get3A_239 = tpu.vector_load %arg22[%get3A_238] {strides = array<i32>} : memref<2048xf32, #tpu.memory_space<vmem>>, vector<16xf32>,
        %get3A_240 = vector.shape_cast %get3A_239 : vector<16xf32> to vector<16xf32>
        %get3A_241 = arith.index_cast %mul3A_235 : i32 to index
        %get3A_242 = tpu.vector_load %arg18[%get3A_241] {strides = array<i32>} : memref<2048xf32, #tpu.memory_space<vmem>>, vector<16xf32>,
        %get3A_243 = vector.shape_cast %get3A_242 : vector<16xf32> to vector<16xf32>
        %lt3A = arith.cmpf olt, %get3A_240, %get3A_243 : vector<16xf32>
        %broadcast_in_dim3A = arith.constant 8 : i32
        %broadcast_in_dim3A_244 = vector.broadcast %broadcast_in_dim3A : i32 to vector<16xi32>
        %broadcast_in_dim3A_245 = arith.constant 0 : i32
        %broadcast_in_dim3A_246 = vector.broadcast %broadcast_in_dim3A_245 : i32 to vector<16xi32>
        %select_n3A_247 = arith.select %lt3A, %broadcast_in_dim3A_244, %broadcast_in_dim3A_246 : vector<16xi1>, vector<16xi32>
        %add3A_248 = arith.addi %get3A_237, %select_n3A_247 : vector<16xi32>
        %swap3A = arith.index_cast %mul3A_235 : i32 to index
        %swap3A_249 = tpu.vector_load %arg19[%swap3A] {strides = array<i32>} : memref<2048xi32, #tpu.memory_space<vmem>>, vector<16xi32>,
        %swap3A_250 = vector.shape_cast %swap3A_249 : vector<16xi32> to vector<16xi32>
        %swap3A_251 = vector.shape_cast %add3A_248 : vector<16xi32> to vector<16xi32>
        tpu.vector_store %arg19[%swap3A], %swap3A_251 {strides = array<i32>} : memref<2048xi32, #tpu.memory_space<vmem>>, vector<16xi32>,
        %get3A_252 = arith.index_cast %mul3A_235 : i32 to index
        %get3A_253 = tpu.vector_load %arg17[%get3A_252] {strides = array<i32>} : memref<2048xi32, #tpu.memory_space<vmem>>, vector<16xi32>,
        %get3A_254 = vector.shape_cast %get3A_253 : vector<16xi32> to vector<16xi32>
        %mul3A_255 = arith.constant 32 : i32
        %mul3A_256 = vector.broadcast %mul3A_255 : i32 to vector<16xi32>
        %mul3A_257 = arith.muli %get3A_254, %mul3A_256 : vector<16xi32>
        %add3A_258 = arith.constant 3 : i32
        %add3A_259 = vector.broadcast %add3A_258 : i32 to vector<16xi32>
        %add3A_260 = arith.addi %add3A_248, %add3A_259 : vector<16xi32>
        %add3A_261 = arith.addi %mul3A_257, %add3A_260 : vector<16xi32>
        %swap3A_262 = arith.index_cast %mul3A_235 : i32 to index
        %swap3A_263 = tpu.vector_load %arg20[%swap3A_262] {strides = array<i32>} : memref<2048xi32, #tpu.memory_space<vmem>>, vector<16xi32>,
        %swap3A_264 = vector.shape_cast %swap3A_263 : vector<16xi32> to vector<16xi32>
        %swap3A_265 = vector.shape_cast %add3A_261 : vector<16xi32> to vector<16xi32>
        tpu.vector_store %arg20[%swap3A_262], %swap3A_265 {strides = array<i32>} : memref<2048xi32, #tpu.memory_space<vmem>>, vector<16xi32>,
        %scan3A_266 = arith.constant 0 : i32
        scf.yield %scan3A_266 : i32
      }
      %scan3A_163 = arith.constant 128 : i32
      %dma_start3A_164 = arith.constant 0 : i32
      %dma_start3A_165 = tpu.memref_slice %arg8[%dma_start3A_164] : memref<160000xf32, #tpu.memory_space<hbm>> -> memref<160000xf32, #tpu.memory_space<hbm>>
      tpu.enqueue_indirect_dma source(%dma_start3A_165 : memref<160000xf32, #tpu.memory_space<hbm>>) target(%arg22 : memref<2048xf32, #tpu.memory_space<vmem>>) offsets(%arg20 : memref<2048xi32, #tpu.memory_space<vmem>>) semaphore(%arg30 : memref<!tpu.dma_semaphore, #tpu.memory_space<semaphore_mem>>)
      %dma_wait3A_166 = arith.constant 0 : i32
      %dma_wait3A_167 = tpu.memref_slice %arg8[%dma_wait3A_166] : memref<160000xf32, #tpu.memory_space<hbm>> -> memref<160000xf32, #tpu.memory_space<hbm>>
      tpu.wait_indirect_dma semaphore(%arg30 : memref<!tpu.dma_semaphore, #tpu.memory_space<semaphore_mem>>) src(%dma_wait3A_167 : memref<160000xf32, #tpu.memory_space<hbm>>) dst(%arg22 : memref<2048xf32, #tpu.memory_space<vmem>>)
      %scan3A_168 = arith.constant 0 : i32
      %scan3A_169 = arith.constant 0 : i32
      %scan3A_170 = arith.constant 128 : i32
      %scan3A_171 = arith.addi %scan3A_169, %scan3A_170 : i32
      %scan3A_172 = arith.constant 1 : i32
      %scan3A_173 = scf.for %scan3A_232 = %scan3A_169 to %scan3A_171 step %scan3A_172 iter_args(%scan3A_233 = %scan3A_168) -> (i32)  : i32 {
        %mul3A_234 = arith.constant 16 : i32
        %mul3A_235 = arith.muli %scan3A_232, %mul3A_234 : i32
        %get3A = arith.index_cast %mul3A_235 : i32 to index
        %get3A_236 = tpu.vector_load %arg19[%get3A] {strides = array<i32>} : memref<2048xi32, #tpu.memory_space<vmem>>, vector<16xi32>,
        %get3A_237 = vector.shape_cast %get3A_236 : vector<16xi32> to vector<16xi32>
        %get3A_238 = arith.index_cast %mul3A_235 : i32 to index
        %get3A_239 = tpu.vector_load %arg22[%get3A_238] {strides = array<i32>} : memref<2048xf32, #tpu.memory_space<vmem>>, vector<16xf32>,
        %get3A_240 = vector.shape_cast %get3A_239 : vector<16xf32> to vector<16xf32>
        %get3A_241 = arith.index_cast %mul3A_235 : i32 to index
        %get3A_242 = tpu.vector_load %arg18[%get3A_241] {strides = array<i32>} : memref<2048xf32, #tpu.memory_space<vmem>>, vector<16xf32>,
        %get3A_243 = vector.shape_cast %get3A_242 : vector<16xf32> to vector<16xf32>
        %lt3A = arith.cmpf olt, %get3A_240, %get3A_243 : vector<16xf32>
        %broadcast_in_dim3A = arith.constant 4 : i32
        %broadcast_in_dim3A_244 = vector.broadcast %broadcast_in_dim3A : i32 to vector<16xi32>
        %broadcast_in_dim3A_245 = arith.constant 0 : i32
        %broadcast_in_dim3A_246 = vector.broadcast %broadcast_in_dim3A_245 : i32 to vector<16xi32>
        %select_n3A_247 = arith.select %lt3A, %broadcast_in_dim3A_244, %broadcast_in_dim3A_246 : vector<16xi1>, vector<16xi32>
        %add3A_248 = arith.addi %get3A_237, %select_n3A_247 : vector<16xi32>
        %swap3A = arith.index_cast %mul3A_235 : i32 to index
        %swap3A_249 = tpu.vector_load %arg19[%swap3A] {strides = array<i32>} : memref<2048xi32, #tpu.memory_space<vmem>>, vector<16xi32>,
        %swap3A_250 = vector.shape_cast %swap3A_249 : vector<16xi32> to vector<16xi32>
        %swap3A_251 = vector.shape_cast %add3A_248 : vector<16xi32> to vector<16xi32>
        tpu.vector_store %arg19[%swap3A], %swap3A_251 {strides = array<i32>} : memref<2048xi32, #tpu.memory_space<vmem>>, vector<16xi32>,
        %get3A_252 = arith.index_cast %mul3A_235 : i32 to index
        %get3A_253 = tpu.vector_load %arg17[%get3A_252] {strides = array<i32>} : memref<2048xi32, #tpu.memory_space<vmem>>, vector<16xi32>,
        %get3A_254 = vector.shape_cast %get3A_253 : vector<16xi32> to vector<16xi32>
        %mul3A_255 = arith.constant 32 : i32
        %mul3A_256 = vector.broadcast %mul3A_255 : i32 to vector<16xi32>
        %mul3A_257 = arith.muli %get3A_254, %mul3A_256 : vector<16xi32>
        %add3A_258 = arith.constant 1 : i32
        %add3A_259 = vector.broadcast %add3A_258 : i32 to vector<16xi32>
        %add3A_260 = arith.addi %add3A_248, %add3A_259 : vector<16xi32>
        %add3A_261 = arith.addi %mul3A_257, %add3A_260 : vector<16xi32>
        %swap3A_262 = arith.index_cast %mul3A_235 : i32 to index
        %swap3A_263 = tpu.vector_load %arg20[%swap3A_262] {strides = array<i32>} : memref<2048xi32, #tpu.memory_space<vmem>>, vector<16xi32>,
        %swap3A_264 = vector.shape_cast %swap3A_263 : vector<16xi32> to vector<16xi32>
        %swap3A_265 = vector.shape_cast %add3A_261 : vector<16xi32> to vector<16xi32>
        tpu.vector_store %arg20[%swap3A_262], %swap3A_265 {strides = array<i32>} : memref<2048xi32, #tpu.memory_space<vmem>>, vector<16xi32>,
        %scan3A_266 = arith.constant 0 : i32
        scf.yield %scan3A_266 : i32
      }
      %scan3A_174 = arith.constant 128 : i32
      %dma_start3A_175 = arith.constant 0 : i32
      %dma_start3A_176 = tpu.memref_slice %arg8[%dma_start3A_175] : memref<160000xf32, #tpu.memory_space<hbm>> -> memref<160000xf32, #tpu.memory_space<hbm>>
      tpu.enqueue_indirect_dma source(%dma_start3A_176 : memref<160000xf32, #tpu.memory_space<hbm>>) target(%arg22 : memref<2048xf32, #tpu.memory_space<vmem>>) offsets(%arg20 : memref<2048xi32, #tpu.memory_space<vmem>>) semaphore(%arg30 : memref<!tpu.dma_semaphore, #tpu.memory_space<semaphore_mem>>)
      %dma_wait3A_177 = arith.constant 0 : i32
      %dma_wait3A_178 = tpu.memref_slice %arg8[%dma_wait3A_177] : memref<160000xf32, #tpu.memory_space<hbm>> -> memref<160000xf32, #tpu.memory_space<hbm>>
      tpu.wait_indirect_dma semaphore(%arg30 : memref<!tpu.dma_semaphore, #tpu.memory_space<semaphore_mem>>) src(%dma_wait3A_178 : memref<160000xf32, #tpu.memory_space<hbm>>) dst(%arg22 : memref<2048xf32, #tpu.memory_space<vmem>>)
      %scan3A_179 = arith.constant 0 : i32
      %scan3A_180 = arith.constant 0 : i32
      %scan3A_181 = arith.constant 128 : i32
      %scan3A_182 = arith.addi %scan3A_180, %scan3A_181 : i32
      %scan3A_183 = arith.constant 1 : i32
      %scan3A_184 = scf.for %scan3A_232 = %scan3A_180 to %scan3A_182 step %scan3A_183 iter_args(%scan3A_233 = %scan3A_179) -> (i32)  : i32 {
        %mul3A_234 = arith.constant 16 : i32
        %mul3A_235 = arith.muli %scan3A_232, %mul3A_234 : i32
        %get3A = arith.index_cast %mul3A_235 : i32 to index
        %get3A_236 = tpu.vector_load %arg19[%get3A] {strides = array<i32>} : memref<2048xi32, #tpu.memory_space<vmem>>, vector<16xi32>,
        %get3A_237 = vector.shape_cast %get3A_236 : vector<16xi32> to vector<16xi32>
        %get3A_238 = arith.index_cast %mul3A_235 : i32 to index
        %get3A_239 = tpu.vector_load %arg22[%get3A_238] {strides = array<i32>} : memref<2048xf32, #tpu.memory_space<vmem>>, vector<16xf32>,
        %get3A_240 = vector.shape_cast %get3A_239 : vector<16xf32> to vector<16xf32>
        %get3A_241 = arith.index_cast %mul3A_235 : i32 to index
        %get3A_242 = tpu.vector_load %arg18[%get3A_241] {strides = array<i32>} : memref<2048xf32, #tpu.memory_space<vmem>>, vector<16xf32>,
        %get3A_243 = vector.shape_cast %get3A_242 : vector<16xf32> to vector<16xf32>
        %lt3A = arith.cmpf olt, %get3A_240, %get3A_243 : vector<16xf32>
        %broadcast_in_dim3A = arith.constant 2 : i32
        %broadcast_in_dim3A_244 = vector.broadcast %broadcast_in_dim3A : i32 to vector<16xi32>
        %broadcast_in_dim3A_245 = arith.constant 0 : i32
        %broadcast_in_dim3A_246 = vector.broadcast %broadcast_in_dim3A_245 : i32 to vector<16xi32>
        %select_n3A_247 = arith.select %lt3A, %broadcast_in_dim3A_244, %broadcast_in_dim3A_246 : vector<16xi1>, vector<16xi32>
        %add3A_248 = arith.addi %get3A_237, %select_n3A_247 : vector<16xi32>
        %swap3A = arith.index_cast %mul3A_235 : i32 to index
        %swap3A_249 = tpu.vector_load %arg19[%swap3A] {strides = array<i32>} : memref<2048xi32, #tpu.memory_space<vmem>>, vector<16xi32>,
        %swap3A_250 = vector.shape_cast %swap3A_249 : vector<16xi32> to vector<16xi32>
        %swap3A_251 = vector.shape_cast %add3A_248 : vector<16xi32> to vector<16xi32>
        tpu.vector_store %arg19[%swap3A], %swap3A_251 {strides = array<i32>} : memref<2048xi32, #tpu.memory_space<vmem>>, vector<16xi32>,
        %get3A_252 = arith.index_cast %mul3A_235 : i32 to index
        %get3A_253 = tpu.vector_load %arg17[%get3A_252] {strides = array<i32>} : memref<2048xi32, #tpu.memory_space<vmem>>, vector<16xi32>,
        %get3A_254 = vector.shape_cast %get3A_253 : vector<16xi32> to vector<16xi32>
        %mul3A_255 = arith.constant 32 : i32
        %mul3A_256 = vector.broadcast %mul3A_255 : i32 to vector<16xi32>
        %mul3A_257 = arith.muli %get3A_254, %mul3A_256 : vector<16xi32>
        %add3A_258 = arith.constant 0 : i32
        %add3A_259 = vector.broadcast %add3A_258 : i32 to vector<16xi32>
        %add3A_260 = arith.addi %add3A_248, %add3A_259 : vector<16xi32>
        %add3A_261 = arith.addi %mul3A_257, %add3A_260 : vector<16xi32>
        %swap3A_262 = arith.index_cast %mul3A_235 : i32 to index
        %swap3A_263 = tpu.vector_load %arg20[%swap3A_262] {strides = array<i32>} : memref<2048xi32, #tpu.memory_space<vmem>>, vector<16xi32>,
        %swap3A_264 = vector.shape_cast %swap3A_263 : vector<16xi32> to vector<16xi32>
        %swap3A_265 = vector.shape_cast %add3A_261 : vector<16xi32> to vector<16xi32>
        tpu.vector_store %arg20[%swap3A_262], %swap3A_265 {strides = array<i32>} : memref<2048xi32, #tpu.memory_space<vmem>>, vector<16xi32>,
        %scan3A_266 = arith.constant 0 : i32
        scf.yield %scan3A_266 : i32
      }
      %scan3A_185 = arith.constant 128 : i32
      %dma_start3A_186 = arith.constant 0 : i32
      %dma_start3A_187 = tpu.memref_slice %arg8[%dma_start3A_186] : memref<160000xf32, #tpu.memory_space<hbm>> -> memref<160000xf32, #tpu.memory_space<hbm>>
      tpu.enqueue_indirect_dma source(%dma_start3A_187 : memref<160000xf32, #tpu.memory_space<hbm>>) target(%arg22 : memref<2048xf32, #tpu.memory_space<vmem>>) offsets(%arg20 : memref<2048xi32, #tpu.memory_space<vmem>>) semaphore(%arg30 : memref<!tpu.dma_semaphore, #tpu.memory_space<semaphore_mem>>)
      %dma_wait3A_188 = arith.constant 0 : i32
      %dma_wait3A_189 = tpu.memref_slice %arg8[%dma_wait3A_188] : memref<160000xf32, #tpu.memory_space<hbm>> -> memref<160000xf32, #tpu.memory_space<hbm>>
      tpu.wait_indirect_dma semaphore(%arg30 : memref<!tpu.dma_semaphore, #tpu.memory_space<semaphore_mem>>) src(%dma_wait3A_189 : memref<160000xf32, #tpu.memory_space<hbm>>) dst(%arg22 : memref<2048xf32, #tpu.memory_space<vmem>>)
      %scan3A_190 = arith.constant 0 : i32
      %scan3A_191 = arith.constant 0 : i32
      %scan3A_192 = arith.constant 128 : i32
      %scan3A_193 = arith.addi %scan3A_191, %scan3A_192 : i32
      %scan3A_194 = arith.constant 1 : i32
      %scan3A_195 = scf.for %scan3A_232 = %scan3A_191 to %scan3A_193 step %scan3A_194 iter_args(%scan3A_233 = %scan3A_190) -> (i32)  : i32 {
        %mul3A_234 = arith.constant 16 : i32
        %mul3A_235 = arith.muli %scan3A_232, %mul3A_234 : i32
        %get3A = arith.index_cast %mul3A_235 : i32 to index
        %get3A_236 = tpu.vector_load %arg19[%get3A] {strides = array<i32>} : memref<2048xi32, #tpu.memory_space<vmem>>, vector<16xi32>,
        %get3A_237 = vector.shape_cast %get3A_236 : vector<16xi32> to vector<16xi32>
        %get3A_238 = arith.index_cast %mul3A_235 : i32 to index
        %get3A_239 = tpu.vector_load %arg22[%get3A_238] {strides = array<i32>} : memref<2048xf32, #tpu.memory_space<vmem>>, vector<16xf32>,
        %get3A_240 = vector.shape_cast %get3A_239 : vector<16xf32> to vector<16xf32>
        %get3A_241 = arith.index_cast %mul3A_235 : i32 to index
        %get3A_242 = tpu.vector_load %arg18[%get3A_241] {strides = array<i32>} : memref<2048xf32, #tpu.memory_space<vmem>>, vector<16xf32>,
        %get3A_243 = vector.shape_cast %get3A_242 : vector<16xf32> to vector<16xf32>
        %lt3A = arith.cmpf olt, %get3A_240, %get3A_243 : vector<16xf32>
        %broadcast_in_dim3A = arith.constant 1 : i32
        %broadcast_in_dim3A_244 = vector.broadcast %broadcast_in_dim3A : i32 to vector<16xi32>
        %broadcast_in_dim3A_245 = arith.constant 0 : i32
        %broadcast_in_dim3A_246 = vector.broadcast %broadcast_in_dim3A_245 : i32 to vector<16xi32>
        %select_n3A_247 = arith.select %lt3A, %broadcast_in_dim3A_244, %broadcast_in_dim3A_246 : vector<16xi1>, vector<16xi32>
        %add3A_248 = arith.addi %get3A_237, %select_n3A_247 : vector<16xi32>
        %sub3A = arith.constant 1 : i32
        %sub3A_249 = vector.broadcast %sub3A : i32 to vector<16xi32>
        %sub3A_250 = arith.subi %add3A_248, %sub3A_249 : vector<16xi32>
        %jit3A_251 = arith.constant 0 : i32
        %jit3A_252 = arith.constant 30 : i32
        %max3A = vector.broadcast %jit3A_251 : i32 to vector<16xi32>
        %max3A_253 = arith.maxsi %max3A, %sub3A_250 : vector<16xi32>
        %min3A = vector.broadcast %jit3A_252 : i32 to vector<16xi32>
        %min3A_254 = arith.minsi %min3A, %max3A_253 : vector<16xi32>
        %swap3A = arith.index_cast %mul3A_235 : i32 to index
        %swap3A_255 = tpu.vector_load %arg19[%swap3A] {strides = array<i32>} : memref<2048xi32, #tpu.memory_space<vmem>>, vector<16xi32>,
        %swap3A_256 = vector.shape_cast %swap3A_255 : vector<16xi32> to vector<16xi32>
        %swap3A_257 = vector.shape_cast %min3A_254 : vector<16xi32> to vector<16xi32>
        tpu.vector_store %arg19[%swap3A], %swap3A_257 {strides = array<i32>} : memref<2048xi32, #tpu.memory_space<vmem>>, vector<16xi32>,
        %get3A_258 = arith.index_cast %mul3A_235 : i32 to index
        %get3A_259 = tpu.vector_load %arg17[%get3A_258] {strides = array<i32>} : memref<2048xi32, #tpu.memory_space<vmem>>, vector<16xi32>,
        %get3A_260 = vector.shape_cast %get3A_259 : vector<16xi32> to vector<16xi32>
        %mul3A_261 = arith.constant 32 : i32
        %mul3A_262 = vector.broadcast %mul3A_261 : i32 to vector<16xi32>
        %mul3A_263 = arith.muli %get3A_260, %mul3A_262 : vector<16xi32>
        %add3A_264 = arith.addi %mul3A_263, %min3A_254 : vector<16xi32>
        %swap3A_265 = arith.index_cast %mul3A_235 : i32 to index
        %swap3A_266 = tpu.vector_load %arg20[%swap3A_265] {strides = array<i32>} : memref<2048xi32, #tpu.memory_space<vmem>>, vector<16xi32>,
        %swap3A_267 = vector.shape_cast %swap3A_266 : vector<16xi32> to vector<16xi32>
        %swap3A_268 = vector.shape_cast %add3A_264 : vector<16xi32> to vector<16xi32>
        tpu.vector_store %arg20[%swap3A_265], %swap3A_268 {strides = array<i32>} : memref<2048xi32, #tpu.memory_space<vmem>>, vector<16xi32>,
        %get3A_269 = arith.index_cast %mul3A_235 : i32 to index
        %get3A_270 = tpu.vector_load %arg16[%get3A_269] {strides = array<i32>} : memref<2048xi32, #tpu.memory_space<vmem>>, vector<16xi32>,
        %get3A_271 = vector.shape_cast %get3A_270 : vector<16xi32> to vector<16xi32>
        %mul3A_272 = arith.constant 32 : i32
        %mul3A_273 = vector.broadcast %mul3A_272 : i32 to vector<16xi32>
        %mul3A_274 = arith.muli %get3A_271, %mul3A_273 : vector<16xi32>
        %add3A_275 = arith.addi %mul3A_274, %min3A_254 : vector<16xi32>
        %swap3A_276 = arith.index_cast %mul3A_235 : i32 to index
        %swap3A_277 = tpu.vector_load %arg21[%swap3A_276] {strides = array<i32>} : memref<2048xi32, #tpu.memory_space<vmem>>, vector<16xi32>,
        %swap3A_278 = vector.shape_cast %swap3A_277 : vector<16xi32> to vector<16xi32>
        %swap3A_279 = vector.shape_cast %add3A_275 : vector<16xi32> to vector<16xi32>
        tpu.vector_store %arg21[%swap3A_276], %swap3A_279 {strides = array<i32>} : memref<2048xi32, #tpu.memory_space<vmem>>, vector<16xi32>,
        %scan3A_280 = arith.constant 0 : i32
        scf.yield %scan3A_280 : i32
      }
      %scan3A_196 = arith.constant 128 : i32
      %dma_start3A_197 = arith.constant 0 : i32
      %dma_start3A_198 = tpu.memref_slice %arg8[%dma_start3A_197] : memref<160000xf32, #tpu.memory_space<hbm>> -> memref<160000xf32, #tpu.memory_space<hbm>>
      tpu.enqueue_indirect_dma source(%dma_start3A_198 : memref<160000xf32, #tpu.memory_space<hbm>>) target(%arg23 : memref<2048xf32, #tpu.memory_space<vmem>>) offsets(%arg20 : memref<2048xi32, #tpu.memory_space<vmem>>) semaphore(%arg30 : memref<!tpu.dma_semaphore, #tpu.memory_space<semaphore_mem>>)
      %dma_wait3A_199 = arith.constant 0 : i32
      %dma_wait3A_200 = tpu.memref_slice %arg8[%dma_wait3A_199] : memref<160000xf32, #tpu.memory_space<hbm>> -> memref<160000xf32, #tpu.memory_space<hbm>>
      tpu.wait_indirect_dma semaphore(%arg30 : memref<!tpu.dma_semaphore, #tpu.memory_space<semaphore_mem>>) src(%dma_wait3A_200 : memref<160000xf32, #tpu.memory_space<hbm>>) dst(%arg23 : memref<2048xf32, #tpu.memory_space<vmem>>)
      %dma_start3A_201 = arith.constant 0 : i32
      %dma_start3A_202 = tpu.memref_slice %arg9[%dma_start3A_201] : memref<2560000xf32, #tpu.memory_space<hbm>> -> memref<2560000xf32, #tpu.memory_space<hbm>>
      tpu.enqueue_indirect_dma source(%dma_start3A_202 : memref<2560000xf32, #tpu.memory_space<hbm>>) target(%arg24 : memref<2048xf32, #tpu.memory_space<vmem>>) offsets(%arg21 : memref<2048xi32, #tpu.memory_space<vmem>>) semaphore(%arg30 : memref<!tpu.dma_semaphore, #tpu.memory_space<semaphore_mem>>)
      %dma_wait3A_203 = arith.constant 0 : i32
      %dma_wait3A_204 = tpu.memref_slice %arg9[%dma_wait3A_203] : memref<2560000xf32, #tpu.memory_space<hbm>> -> memref<2560000xf32, #tpu.memory_space<hbm>>
      tpu.wait_indirect_dma semaphore(%arg30 : memref<!tpu.dma_semaphore, #tpu.memory_space<semaphore_mem>>) src(%dma_wait3A_204 : memref<2560000xf32, #tpu.memory_space<hbm>>) dst(%arg24 : memref<2048xf32, #tpu.memory_space<vmem>>)
      %dma_start3A_205 = arith.constant 0 : i32
      %dma_start3A_206 = tpu.memref_slice %arg10[%dma_start3A_205] : memref<2560000xf32, #tpu.memory_space<hbm>> -> memref<2560000xf32, #tpu.memory_space<hbm>>
      tpu.enqueue_indirect_dma source(%dma_start3A_206 : memref<2560000xf32, #tpu.memory_space<hbm>>) target(%arg26 : memref<2048xf32, #tpu.memory_space<vmem>>) offsets(%arg21 : memref<2048xi32, #tpu.memory_space<vmem>>) semaphore(%arg30 : memref<!tpu.dma_semaphore, #tpu.memory_space<semaphore_mem>>)
      %dma_wait3A_207 = arith.constant 0 : i32
      %dma_wait3A_208 = tpu.memref_slice %arg10[%dma_wait3A_207] : memref<2560000xf32, #tpu.memory_space<hbm>> -> memref<2560000xf32, #tpu.memory_space<hbm>>
      tpu.wait_indirect_dma semaphore(%arg30 : memref<!tpu.dma_semaphore, #tpu.memory_space<semaphore_mem>>) src(%dma_wait3A_208 : memref<2560000xf32, #tpu.memory_space<hbm>>) dst(%arg26 : memref<2048xf32, #tpu.memory_space<vmem>>)
      %scan3A_209 = arith.constant 0 : i32
      %scan3A_210 = arith.constant 0 : i32
      %scan3A_211 = arith.constant 128 : i32
      %scan3A_212 = arith.addi %scan3A_210, %scan3A_211 : i32
      %scan3A_213 = arith.constant 1 : i32
      %scan3A_214 = scf.for %scan3A_232 = %scan3A_210 to %scan3A_212 step %scan3A_213 iter_args(%scan3A_233 = %scan3A_209) -> (i32)  : i32 {
        %mul3A_234 = arith.constant 16 : i32
        %mul3A_235 = arith.muli %scan3A_232, %mul3A_234 : i32
        %get3A = arith.index_cast %mul3A_235 : i32 to index
        %get3A_236 = tpu.vector_load %arg20[%get3A] {strides = array<i32>} : memref<2048xi32, #tpu.memory_space<vmem>>, vector<16xi32>,
        %get3A_237 = vector.shape_cast %get3A_236 : vector<16xi32> to vector<16xi32>
        %broadcast_in_dim3A = arith.constant 1 : i32
        %broadcast_in_dim3A_238 = vector.broadcast %broadcast_in_dim3A : i32 to vector<16xi32>
        %add3A_239 = arith.addi %get3A_237, %broadcast_in_dim3A_238 : vector<16xi32>
        %swap3A = arith.index_cast %mul3A_235 : i32 to index
        %swap3A_240 = tpu.vector_load %arg20[%swap3A] {strides = array<i32>} : memref<2048xi32, #tpu.memory_space<vmem>>, vector<16xi32>,
        %swap3A_241 = vector.shape_cast %swap3A_240 : vector<16xi32> to vector<16xi32>
        %swap3A_242 = vector.shape_cast %add3A_239 : vector<16xi32> to vector<16xi32>
        tpu.vector_store %arg20[%swap3A], %swap3A_242 {strides = array<i32>} : memref<2048xi32, #tpu.memory_space<vmem>>, vector<16xi32>,
        %get3A_243 = arith.index_cast %mul3A_235 : i32 to index
        %get3A_244 = tpu.vector_load %arg21[%get3A_243] {strides = array<i32>} : memref<2048xi32, #tpu.memory_space<vmem>>, vector<16xi32>,
        %get3A_245 = vector.shape_cast %get3A_244 : vector<16xi32> to vector<16xi32>
        %broadcast_in_dim3A_246 = arith.constant 1 : i32
        %broadcast_in_dim3A_247 = vector.broadcast %broadcast_in_dim3A_246 : i32 to vector<16xi32>
        %add3A_248 = arith.addi %get3A_245, %broadcast_in_dim3A_247 : vector<16xi32>
        %swap3A_249 = arith.index_cast %mul3A_235 : i32 to index
        %swap3A_250 = tpu.vector_load %arg21[%swap3A_249] {strides = array<i32>} : memref<2048xi32, #tpu.memory_space<vmem>>, vector<16xi32>,
        %swap3A_251 = vector.shape_cast %swap3A_250 : vector<16xi32> to vector<16xi32>
        %swap3A_252 = vector.shape_cast %add3A_248 : vector<16xi32> to vector<16xi32>
        tpu.vector_store %arg21[%swap3A_249], %swap3A_252 {strides = array<i32>} : memref<2048xi32, #tpu.memory_space<vmem>>, vector<16xi32>,
        %scan3A_253 = arith.constant 0 : i32
        scf.yield %scan3A_253 : i32
      }
      %scan3A_215 = arith.constant 128 : i32
      %dma_start3A_216 = arith.constant 0 : i32
      %dma_start3A_217 = tpu.memref_slice %arg8[%dma_start3A_216] : memref<160000xf32, #tpu.memory_space<hbm>> -> memref<160000xf32, #tpu.memory_space<hbm>>
      tpu.enqueue_indirect_dma source(%dma_start3A_217 : memref<160000xf32, #tpu.memory_space<hbm>>) target(%arg22 : memref<2048xf32, #tpu.memory_space<vmem>>) offsets(%arg20 : memref<2048xi32, #tpu.memory_space<vmem>>) semaphore(%arg30 : memref<!tpu.dma_semaphore, #tpu.memory_space<semaphore_mem>>)
      %dma_wait3A_218 = arith.constant 0 : i32
      %dma_wait3A_219 = tpu.memref_slice %arg8[%dma_wait3A_218] : memref<160000xf32, #tpu.memory_space<hbm>> -> memref<160000xf32, #tpu.memory_space<hbm>>
      tpu.wait_indirect_dma semaphore(%arg30 : memref<!tpu.dma_semaphore, #tpu.memory_space<semaphore_mem>>) src(%dma_wait3A_219 : memref<160000xf32, #tpu.memory_space<hbm>>) dst(%arg22 : memref<2048xf32, #tpu.memory_space<vmem>>)
      %dma_start3A_220 = arith.constant 0 : i32
      %dma_start3A_221 = tpu.memref_slice %arg9[%dma_start3A_220] : memref<2560000xf32, #tpu.memory_space<hbm>> -> memref<2560000xf32, #tpu.memory_space<hbm>>
      tpu.enqueue_indirect_dma source(%dma_start3A_221 : memref<2560000xf32, #tpu.memory_space<hbm>>) target(%arg25 : memref<2048xf32, #tpu.memory_space<vmem>>) offsets(%arg21 : memref<2048xi32, #tpu.memory_space<vmem>>) semaphore(%arg30 : memref<!tpu.dma_semaphore, #tpu.memory_space<semaphore_mem>>)
      %dma_wait3A_222 = arith.constant 0 : i32
      %dma_wait3A_223 = tpu.memref_slice %arg9[%dma_wait3A_222] : memref<2560000xf32, #tpu.memory_space<hbm>> -> memref<2560000xf32, #tpu.memory_space<hbm>>
      tpu.wait_indirect_dma semaphore(%arg30 : memref<!tpu.dma_semaphore, #tpu.memory_space<semaphore_mem>>) src(%dma_wait3A_223 : memref<2560000xf32, #tpu.memory_space<hbm>>) dst(%arg25 : memref<2048xf32, #tpu.memory_space<vmem>>)
      %scan3A_224 = arith.constant 0 : i32
      %scan3A_225 = arith.constant 0 : i32
      %scan3A_226 = arith.constant 128 : i32
      %scan3A_227 = arith.addi %scan3A_225, %scan3A_226 : i32
      %scan3A_228 = arith.constant 1 : i32
      %scan3A_229 = scf.for %scan3A_232 = %scan3A_225 to %scan3A_227 step %scan3A_228 iter_args(%scan3A_233 = %scan3A_224) -> (i32)  : i32 {
        %mul3A_234 = arith.constant 16 : i32
        %mul3A_235 = arith.muli %scan3A_232, %mul3A_234 : i32
        %get3A = arith.index_cast %mul3A_235 : i32 to index
        %get3A_236 = tpu.vector_load %arg15[%get3A] {strides = array<i32>} : memref<2048xf32, #tpu.memory_space<vmem>>, vector<16xf32>,
        %get3A_237 = vector.shape_cast %get3A_236 : vector<16xf32> to vector<16xf32>
        %get3A_238 = arith.index_cast %mul3A_235 : i32 to index
        %get3A_239 = tpu.vector_load %arg27[%get3A_238] {strides = array<i32>} : memref<2048xf32, #tpu.memory_space<vmem>>, vector<16xf32>,
        %get3A_240 = vector.shape_cast %get3A_239 : vector<16xf32> to vector<16xf32>
        %get3A_241 = arith.index_cast %mul3A_235 : i32 to index
        %get3A_242 = tpu.vector_load %arg28[%get3A_241] {strides = array<i32>} : memref<2048xf32, #tpu.memory_space<vmem>>, vector<16xf32>,
        %get3A_243 = vector.shape_cast %get3A_242 : vector<16xf32> to vector<16xf32>
        %get3A_244 = arith.index_cast %mul3A_235 : i32 to index
        %get3A_245 = tpu.vector_load %arg23[%get3A_244] {strides = array<i32>} : memref<2048xf32, #tpu.memory_space<vmem>>, vector<16xf32>,
        %get3A_246 = vector.shape_cast %get3A_245 : vector<16xf32> to vector<16xf32>
        %get3A_247 = arith.index_cast %mul3A_235 : i32 to index
        %get3A_248 = tpu.vector_load %arg22[%get3A_247] {strides = array<i32>} : memref<2048xf32, #tpu.memory_space<vmem>>, vector<16xf32>,
        %get3A_249 = vector.shape_cast %get3A_248 : vector<16xf32> to vector<16xf32>
        %sub3A = arith.subf %get3A_249, %get3A_246 : vector<16xf32>
        %mul3A_250 = arith.mulf %get3A_243, %sub3A : vector<16xf32>
        %mul3A_251 = arith.mulf %get3A_243, %get3A_246 : vector<16xf32>
        %add3A_252 = arith.addf %get3A_240, %mul3A_251 : vector<16xf32>
        %sub3A_253 = arith.subf %get3A_237, %add3A_252 : vector<16xf32>
        %max3A = arith.constant 9.99999996E-13 : f32
        %max3A_254 = vector.broadcast %max3A : f32 to vector<16xf32>
        %max3A_255 = arith.maximumf %mul3A_250, %max3A_254 : vector<16xf32>
        %div3A = arith.divf %sub3A_253, %max3A_255 : vector<16xf32>
        %jit3A_256 = arith.constant 0.000000e+00 : f32
        %jit3A_257 = arith.constant 1.000000e+00 : f32
        %max3A_258 = vector.broadcast %jit3A_256 : f32 to vector<16xf32>
        %max3A_259 = arith.maximumf %max3A_258, %div3A : vector<16xf32>
        %min3A = vector.broadcast %jit3A_257 : f32 to vector<16xf32>
        %min3A_260 = arith.minimumf %min3A, %max3A_259 : vector<16xf32>
        %get3A_261 = arith.index_cast %mul3A_235 : i32 to index
        %get3A_262 = tpu.vector_load %arg24[%get3A_261] {strides = array<i32>} : memref<2048xf32, #tpu.memory_space<vmem>>, vector<16xf32>,
        %get3A_263 = vector.shape_cast %get3A_262 : vector<16xf32> to vector<16xf32>
        %get3A_264 = arith.index_cast %mul3A_235 : i32 to index
        %get3A_265 = tpu.vector_load %arg25[%get3A_264] {strides = array<i32>} : memref<2048xf32, #tpu.memory_space<vmem>>, vector<16xf32>,
        %get3A_266 = vector.shape_cast %get3A_265 : vector<16xf32> to vector<16xf32>
        %sub3A_267 = arith.subf %get3A_266, %get3A_263 : vector<16xf32>
        %get3A_268 = arith.index_cast %mul3A_235 : i32 to index
        %get3A_269 = tpu.vector_load %arg26[%get3A_268] {strides = array<i32>} : memref<2048xf32, #tpu.memory_space<vmem>>, vector<16xf32>,
        %get3A_270 = vector.shape_cast %get3A_269 : vector<16xf32> to vector<16xf32>
        %mul3A_271 = arith.mulf %min3A_260, %mul3A_250 : vector<16xf32>
        %mul3A_272 = arith.mulf %mul3A_271, %get3A_263 : vector<16xf32>
        %add3A_273 = arith.addf %get3A_270, %mul3A_272 : vector<16xf32>
        %mul3A_274 = arith.constant 5.000000e-01 : f32
        %mul3A_275 = vector.broadcast %mul3A_274 : f32 to vector<16xf32>
        %mul3A_276 = arith.mulf %mul3A_275, %min3A_260 : vector<16xf32>
        %mul3A_277 = arith.mulf %mul3A_276, %min3A_260 : vector<16xf32>
        %mul3A_278 = arith.mulf %mul3A_277, %mul3A_250 : vector<16xf32>
        %mul3A_279 = arith.mulf %mul3A_278, %sub3A_267 : vector<16xf32>
        %add3A_280 = arith.addf %add3A_273, %mul3A_279 : vector<16xf32>
        %swap3A = arith.index_cast %mul3A_235 : i32 to index
        %swap3A_281 = tpu.vector_load %arg15[%swap3A] {strides = array<i32>} : memref<2048xf32, #tpu.memory_space<vmem>>, vector<16xf32>,
        %swap3A_282 = vector.shape_cast %swap3A_281 : vector<16xf32> to vector<16xf32>
        %swap3A_283 = vector.shape_cast %add3A_280 : vector<16xf32> to vector<16xf32>
        tpu.vector_store %arg15[%swap3A], %swap3A_283 {strides = array<i32>} : memref<2048xf32, #tpu.memory_space<vmem>>, vector<16xf32>,
        %mul3A_284 = arith.mulf %min3A_260, %sub3A_267 : vector<16xf32>
        %add3A_285 = arith.addf %get3A_263, %mul3A_284 : vector<16xf32>
        %max3A_286 = arith.constant 9.99999996E-13 : f32
        %max3A_287 = vector.broadcast %max3A_286 : f32 to vector<16xf32>
        %max3A_288 = arith.maximumf %add3A_285, %max3A_287 : vector<16xf32>
        %get3A_289 = arith.index_cast %mul3A_235 : i32 to index
        %get3A_290 = tpu.vector_load %arg29[%get3A_289] {strides = array<i32>} : memref<2048xf32, #tpu.memory_space<vmem>>, vector<16xf32>,
        %get3A_291 = vector.shape_cast %get3A_290 : vector<16xf32> to vector<16xf32>
        %mul3A_292 = arith.mulf %get3A_291, %max3A_288 : vector<16xf32>
        %swap3A_293 = arith.index_cast %mul3A_235 : i32 to index
        %swap3A_294 = tpu.vector_load %arg29[%swap3A_293] {strides = array<i32>} : memref<2048xf32, #tpu.memory_space<vmem>>, vector<16xf32>,
        %swap3A_295 = vector.shape_cast %swap3A_294 : vector<16xf32> to vector<16xf32>
        %swap3A_296 = vector.shape_cast %mul3A_292 : vector<16xf32> to vector<16xf32>
        tpu.vector_store %arg29[%swap3A_293], %swap3A_296 {strides = array<i32>} : memref<2048xf32, #tpu.memory_space<vmem>>, vector<16xf32>,
        %scan3A_297 = arith.constant 0 : i32
        scf.yield %scan3A_297 : i32
      }
      %scan3A_230 = arith.constant 128 : i32
      "tpu.region"() ({
        %run_scoped3A = tpu.sem_alloc : memref<!tpu.dma_semaphore, #tpu.memory_space<semaphore_mem>>
        %dma_start3A_232 = tpu.memref_slice %arg13[%add3A_22] : memref<524288xf32, #tpu.memory_space<hbm>> -> memref<2048xf32, #tpu.memory_space<hbm>>
        %dma_start3A_233 = tpu.memref_slice %arg13[%add3A_22] : memref<524288xf32, #tpu.memory_space<hbm>> -> memref<2048xf32, #tpu.memory_space<hbm>>
        tpu.enqueue_dma source(%arg15 : memref<2048xf32, #tpu.memory_space<vmem>>) target(%dma_start3A_233 : memref<2048xf32, #tpu.memory_space<hbm>>) target_semaphore(%run_scoped3A : memref<!tpu.dma_semaphore, #tpu.memory_space<semaphore_mem>>)
        %dma_wait3A_234 = tpu.memref_slice %arg13[%add3A_22] : memref<524288xf32, #tpu.memory_space<hbm>> -> memref<2048xf32, #tpu.memory_space<hbm>>
        %dma_wait3A_235 = tpu.memref_slice %arg13[%add3A_22] : memref<524288xf32, #tpu.memory_space<hbm>> -> memref<2048xf32, #tpu.memory_space<hbm>>
        tpu.wait_dma2 semaphore(%run_scoped3A : memref<!tpu.dma_semaphore, #tpu.memory_space<semaphore_mem>>) src(%arg15 : memref<2048xf32, #tpu.memory_space<vmem>>) dst(%dma_wait3A_235 : memref<2048xf32, #tpu.memory_space<hbm>>)
        tpu.yield
      }) : () -> ()
      "tpu.region"() ({
        %run_scoped3A = tpu.sem_alloc : memref<!tpu.dma_semaphore, #tpu.memory_space<semaphore_mem>>
        %dma_start3A_232 = tpu.memref_slice %arg14[%add3A_22] : memref<524288xf32, #tpu.memory_space<hbm>> -> memref<2048xf32, #tpu.memory_space<hbm>>
        %dma_start3A_233 = tpu.memref_slice %arg14[%add3A_22] : memref<524288xf32, #tpu.memory_space<hbm>> -> memref<2048xf32, #tpu.memory_space<hbm>>
        tpu.enqueue_dma source(%arg29 : memref<2048xf32, #tpu.memory_space<vmem>>) target(%dma_start3A_233 : memref<2048xf32, #tpu.memory_space<hbm>>) target_semaphore(%run_scoped3A : memref<!tpu.dma_semaphore, #tpu.memory_space<semaphore_mem>>)
        %dma_wait3A_234 = tpu.memref_slice %arg14[%add3A_22] : memref<524288xf32, #tpu.memory_space<hbm>> -> memref<2048xf32, #tpu.memory_space<hbm>>
        %dma_wait3A_235 = tpu.memref_slice %arg14[%add3A_22] : memref<524288xf32, #tpu.memory_space<hbm>> -> memref<2048xf32, #tpu.memory_space<hbm>>
        tpu.wait_dma2 semaphore(%run_scoped3A : memref<!tpu.dma_semaphore, #tpu.memory_space<semaphore_mem>>) src(%arg29 : memref<2048xf32, #tpu.memory_space<vmem>>) dst(%dma_wait3A_235 : memref<2048xf32, #tpu.memory_space<hbm>>)
        tpu.yield
      }) : () -> ()
      %while3A_231 = arith.constant 0 : i32
      scf.yield %while3A_231 : i32
    }
    %while3A_16 = arith.constant 1 : i32
    %while3A_17 = scf.for %while3A_18 = %while3A_13 to %while3A_9 step %while3A_16 iter_args(%while3A_19 = %while3A_15) -> (i32)  : i32 {
      %mul3A_20 = arith.constant 2048 : i32
      %mul3A_21 = arith.muli %while3A_18, %mul3A_20 : i32
      %add3A_22 = arith.addi %select_n3A, %mul3A_21 : i32
      "tpu.region"() ({
        %run_scoped3A = tpu.sem_alloc : memref<!tpu.dma_semaphore, #tpu.memory_space<semaphore_mem>>
        %dma_start3A_232 = tpu.memref_slice %arg2[%add3A_22] : memref<524288xf32, #tpu.memory_space<hbm>> -> memref<2048xf32, #tpu.memory_space<hbm>>
        %dma_start3A_233 = tpu.memref_slice %arg2[%add3A_22] : memref<524288xf32, #tpu.memory_space<hbm>> -> memref<2048xf32, #tpu.memory_space<hbm>>
        tpu.enqueue_dma source(%dma_start3A_233 : memref<2048xf32, #tpu.memory_space<hbm>>) target(%arg15 : memref<2048xf32, #tpu.memory_space<vmem>>) target_semaphore(%run_scoped3A : memref<!tpu.dma_semaphore, #tpu.memory_space<semaphore_mem>>)
        %dma_wait3A_234 = tpu.memref_slice %arg2[%add3A_22] : memref<524288xf32, #tpu.memory_space<hbm>> -> memref<2048xf32, #tpu.memory_space<hbm>>
        %dma_wait3A_235 = tpu.memref_slice %arg2[%add3A_22] : memref<524288xf32, #tpu.memory_space<hbm>> -> memref<2048xf32, #tpu.memory_space<hbm>>
        tpu.wait_dma2 semaphore(%run_scoped3A : memref<!tpu.dma_semaphore, #tpu.memory_space<semaphore_mem>>) src(%dma_wait3A_235 : memref<2048xf32, #tpu.memory_space<hbm>>) dst(%arg15 : memref<2048xf32, #tpu.memory_space<vmem>>)
        tpu.yield
      }) : () -> ()
      "tpu.region"() ({
        %run_scoped3A = tpu.sem_alloc : memref<!tpu.dma_semaphore, #tpu.memory_space<semaphore_mem>>
        %dma_start3A_232 = tpu.memref_slice %arg3[%add3A_22] : memref<524288xi32, #tpu.memory_space<hbm>> -> memref<2048xi32, #tpu.memory_space<hbm>>
        %dma_start3A_233 = tpu.memref_slice %arg3[%add3A_22] : memref<524288xi32, #tpu.memory_space<hbm>> -> memref<2048xi32, #tpu.memory_space<hbm>>
        tpu.enqueue_dma source(%dma_start3A_233 : memref<2048xi32, #tpu.memory_space<hbm>>) target(%arg16 : memref<2048xi32, #tpu.memory_space<vmem>>) target_semaphore(%run_scoped3A : memref<!tpu.dma_semaphore, #tpu.memory_space<semaphore_mem>>)
        %dma_wait3A_234 = tpu.memref_slice %arg3[%add3A_22] : memref<524288xi32, #tpu.memory_space<hbm>> -> memref<2048xi32, #tpu.memory_space<hbm>>
        %dma_wait3A_235 = tpu.memref_slice %arg3[%add3A_22] : memref<524288xi32, #tpu.memory_space<hbm>> -> memref<2048xi32, #tpu.memory_space<hbm>>
        tpu.wait_dma2 semaphore(%run_scoped3A : memref<!tpu.dma_semaphore, #tpu.memory_space<semaphore_mem>>) src(%dma_wait3A_235 : memref<2048xi32, #tpu.memory_space<hbm>>) dst(%arg16 : memref<2048xi32, #tpu.memory_space<vmem>>)
        tpu.yield
      }) : () -> ()
      "tpu.region"() ({
        %run_scoped3A = tpu.sem_alloc : memref<!tpu.dma_semaphore, #tpu.memory_space<semaphore_mem>>
        %dma_start3A_232 = tpu.memref_slice %arg4[%add3A_22] : memref<524288xi32, #tpu.memory_space<hbm>> -> memref<2048xi32, #tpu.memory_space<hbm>>
        %dma_start3A_233 = tpu.memref_slice %arg4[%add3A_22] : memref<524288xi32, #tpu.memory_space<hbm>> -> memref<2048xi32, #tpu.memory_space<hbm>>
        tpu.enqueue_dma source(%dma_start3A_233 : memref<2048xi32, #tpu.memory_space<hbm>>) target(%arg17 : memref<2048xi32, #tpu.memory_space<vmem>>) target_semaphore(%run_scoped3A : memref<!tpu.dma_semaphore, #tpu.memory_space<semaphore_mem>>)
        %dma_wait3A_234 = tpu.memref_slice %arg4[%add3A_22] : memref<524288xi32, #tpu.memory_space<hbm>> -> memref<2048xi32, #tpu.memory_space<hbm>>
        %dma_wait3A_235 = tpu.memref_slice %arg4[%add3A_22] : memref<524288xi32, #tpu.memory_space<hbm>> -> memref<2048xi32, #tpu.memory_space<hbm>>
        tpu.wait_dma2 semaphore(%run_scoped3A : memref<!tpu.dma_semaphore, #tpu.memory_space<semaphore_mem>>) src(%dma_wait3A_235 : memref<2048xi32, #tpu.memory_space<hbm>>) dst(%arg17 : memref<2048xi32, #tpu.memory_space<vmem>>)
        tpu.yield
      }) : () -> ()
      %scan3A = arith.constant 0 : i32
      %scan3A_23 = arith.constant 0 : i32
      %scan3A_24 = arith.constant 128 : i32
      %scan3A_25 = arith.addi %scan3A_23, %scan3A_24 : i32
      %scan3A_26 = arith.constant 1 : i32
      %scan3A_27 = scf.for %scan3A_232 = %scan3A_23 to %scan3A_25 step %scan3A_26 iter_args(%scan3A_233 = %scan3A) -> (i32)  : i32 {
        %mul3A_234 = arith.constant 16 : i32
        %mul3A_235 = arith.muli %scan3A_232, %mul3A_234 : i32
        %get3A = arith.index_cast %mul3A_235 : i32 to index
        %get3A_236 = tpu.vector_load %arg15[%get3A] {strides = array<i32>} : memref<2048xf32, #tpu.memory_space<vmem>>, vector<16xf32>,
        %get3A_237 = vector.shape_cast %get3A_236 : vector<16xf32> to vector<16xf32>
        %get3A_238 = arith.index_cast %mul3A_235 : i32 to index
        %get3A_239 = tpu.vector_load %arg17[%get3A_238] {strides = array<i32>} : memref<2048xi32, #tpu.memory_space<vmem>>, vector<16xi32>,
        %get3A_240 = vector.shape_cast %get3A_239 : vector<16xi32> to vector<16xi32>
        %convert_element_type3A = arith.sitofp %get3A_240 : vector<16xi32> to vector<16xf32>
        %div3A = arith.constant 5.000000e+03 : f32
        %div3A_241 = vector.broadcast %div3A : f32 to vector<16xf32>
        %div3A_242 = arith.divf %convert_element_type3A, %div3A_241 : vector<16xf32>
        %broadcast_in_dim3A = arith.constant 2.000000e-04 : f32
        %broadcast_in_dim3A_243 = vector.broadcast %broadcast_in_dim3A : f32 to vector<16xf32>
        %sub3A = arith.subf %get3A_237, %div3A_242 : vector<16xf32>
        %div3A_244 = arith.divf %sub3A, %broadcast_in_dim3A_243 : vector<16xf32>
        %swap3A = arith.index_cast %mul3A_235 : i32 to index
        %swap3A_245 = tpu.vector_load %arg18[%swap3A] {strides = array<i32>} : memref<2048xf32, #tpu.memory_space<vmem>>, vector<16xf32>,
        %swap3A_246 = vector.shape_cast %swap3A_245 : vector<16xf32> to vector<16xf32>
        %swap3A_247 = vector.shape_cast %div3A_244 : vector<16xf32> to vector<16xf32>
        tpu.vector_store %arg18[%swap3A], %swap3A_247 {strides = array<i32>} : memref<2048xf32, #tpu.memory_space<vmem>>, vector<16xf32>,
        %broadcast_in_dim3A_248 = arith.constant 0 : i32
        %broadcast_in_dim3A_249 = vector.broadcast %broadcast_in_dim3A_248 : i32 to vector<16xi32>
        %swap3A_250 = arith.index_cast %mul3A_235 : i32 to index
        %swap3A_251 = tpu.vector_load %arg19[%swap3A_250] {strides = array<i32>} : memref<2048xi32, #tpu.memory_space<vmem>>, vector<16xi32>,
        %swap3A_252 = vector.shape_cast %swap3A_251 : vector<16xi32> to vector<16xi32>
        %swap3A_253 = vector.shape_cast %broadcast_in_dim3A_249 : vector<16xi32> to vector<16xi32>
        tpu.vector_store %arg19[%swap3A_250], %swap3A_253 {strides = array<i32>} : memref<2048xi32, #tpu.memory_space<vmem>>, vector<16xi32>,
        %get3A_254 = arith.index_cast %mul3A_235 : i32 to index
        %get3A_255 = tpu.vector_load %arg17[%get3A_254] {strides = array<i32>} : memref<2048xi32, #tpu.memory_space<vmem>>, vector<16xi32>,
        %get3A_256 = vector.shape_cast %get3A_255 : vector<16xi32> to vector<16xi32>
        %mul3A_257 = arith.constant 64 : i32
        %mul3A_258 = vector.broadcast %mul3A_257 : i32 to vector<16xi32>
        %mul3A_259 = arith.muli %get3A_256, %mul3A_258 : vector<16xi32>
        %add3A_260 = arith.constant 31 : i32
        %add3A_261 = vector.broadcast %add3A_260 : i32 to vector<16xi32>
        %add3A_262 = arith.addi %mul3A_259, %add3A_261 : vector<16xi32>
        %swap3A_263 = arith.index_cast %mul3A_235 : i32 to index
        %swap3A_264 = tpu.vector_load %arg20[%swap3A_263] {strides = array<i32>} : memref<2048xi32, #tpu.memory_space<vmem>>, vector<16xi32>,
        %swap3A_265 = vector.shape_cast %swap3A_264 : vector<16xi32> to vector<16xi32>
        %swap3A_266 = vector.shape_cast %add3A_262 : vector<16xi32> to vector<16xi32>
        tpu.vector_store %arg20[%swap3A_263], %swap3A_266 {strides = array<i32>} : memref<2048xi32, #tpu.memory_space<vmem>>, vector<16xi32>,
        %scan3A_267 = arith.constant 0 : i32
        scf.yield %scan3A_267 : i32
      }
      %scan3A_28 = arith.constant 128 : i32
      %dma_start3A = arith.constant 0 : i32
      %dma_start3A_29 = tpu.memref_slice %arg5[%dma_start3A] : memref<320000xf32, #tpu.memory_space<hbm>> -> memref<320000xf32, #tpu.memory_space<hbm>>
      tpu.enqueue_indirect_dma source(%dma_start3A_29 : memref<320000xf32, #tpu.memory_space<hbm>>) target(%arg22 : memref<2048xf32, #tpu.memory_space<vmem>>) offsets(%arg20 : memref<2048xi32, #tpu.memory_space<vmem>>) semaphore(%arg30 : memref<!tpu.dma_semaphore, #tpu.memory_space<semaphore_mem>>)
      %dma_wait3A = arith.constant 0 : i32
      %dma_wait3A_30 = tpu.memref_slice %arg5[%dma_wait3A] : memref<320000xf32, #tpu.memory_space<hbm>> -> memref<320000xf32, #tpu.memory_space<hbm>>
      tpu.wait_indirect_dma semaphore(%arg30 : memref<!tpu.dma_semaphore, #tpu.memory_space<semaphore_mem>>) src(%dma_wait3A_30 : memref<320000xf32, #tpu.memory_space<hbm>>) dst(%arg22 : memref<2048xf32, #tpu.memory_space<vmem>>)
      %scan3A_31 = arith.constant 0 : i32
      %scan3A_32 = arith.constant 0 : i32
      %scan3A_33 = arith.constant 128 : i32
      %scan3A_34 = arith.addi %scan3A_32, %scan3A_33 : i32
      %scan3A_35 = arith.constant 1 : i32
      %scan3A_36 = scf.for %scan3A_232 = %scan3A_32 to %scan3A_34 step %scan3A_35 iter_args(%scan3A_233 = %scan3A_31) -> (i32)  : i32 {
        %mul3A_234 = arith.constant 16 : i32
        %mul3A_235 = arith.muli %scan3A_232, %mul3A_234 : i32
        %get3A = arith.index_cast %mul3A_235 : i32 to index
        %get3A_236 = tpu.vector_load %arg19[%get3A] {strides = array<i32>} : memref<2048xi32, #tpu.memory_space<vmem>>, vector<16xi32>,
        %get3A_237 = vector.shape_cast %get3A_236 : vector<16xi32> to vector<16xi32>
        %get3A_238 = arith.index_cast %mul3A_235 : i32 to index
        %get3A_239 = tpu.vector_load %arg22[%get3A_238] {strides = array<i32>} : memref<2048xf32, #tpu.memory_space<vmem>>, vector<16xf32>,
        %get3A_240 = vector.shape_cast %get3A_239 : vector<16xf32> to vector<16xf32>
        %get3A_241 = arith.index_cast %mul3A_235 : i32 to index
        %get3A_242 = tpu.vector_load %arg18[%get3A_241] {strides = array<i32>} : memref<2048xf32, #tpu.memory_space<vmem>>, vector<16xf32>,
        %get3A_243 = vector.shape_cast %get3A_242 : vector<16xf32> to vector<16xf32>
        %lt3A = arith.cmpf olt, %get3A_240, %get3A_243 : vector<16xf32>
        %broadcast_in_dim3A = arith.constant 32 : i32
        %broadcast_in_dim3A_244 = vector.broadcast %broadcast_in_dim3A : i32 to vector<16xi32>
        %broadcast_in_dim3A_245 = arith.constant 0 : i32
        %broadcast_in_dim3A_246 = vector.broadcast %broadcast_in_dim3A_245 : i32 to vector<16xi32>
        %select_n3A_247 = arith.select %lt3A, %broadcast_in_dim3A_244, %broadcast_in_dim3A_246 : vector<16xi1>, vector<16xi32>
        %add3A_248 = arith.addi %get3A_237, %select_n3A_247 : vector<16xi32>
        %swap3A = arith.index_cast %mul3A_235 : i32 to index
        %swap3A_249 = tpu.vector_load %arg19[%swap3A] {strides = array<i32>} : memref<2048xi32, #tpu.memory_space<vmem>>, vector<16xi32>,
        %swap3A_250 = vector.shape_cast %swap3A_249 : vector<16xi32> to vector<16xi32>
        %swap3A_251 = vector.shape_cast %add3A_248 : vector<16xi32> to vector<16xi32>
        tpu.vector_store %arg19[%swap3A], %swap3A_251 {strides = array<i32>} : memref<2048xi32, #tpu.memory_space<vmem>>, vector<16xi32>,
        %get3A_252 = arith.index_cast %mul3A_235 : i32 to index
        %get3A_253 = tpu.vector_load %arg17[%get3A_252] {strides = array<i32>} : memref<2048xi32, #tpu.memory_space<vmem>>, vector<16xi32>,
        %get3A_254 = vector.shape_cast %get3A_253 : vector<16xi32> to vector<16xi32>
        %mul3A_255 = arith.constant 64 : i32
        %mul3A_256 = vector.broadcast %mul3A_255 : i32 to vector<16xi32>
        %mul3A_257 = arith.muli %get3A_254, %mul3A_256 : vector<16xi32>
        %add3A_258 = arith.constant 15 : i32
        %add3A_259 = vector.broadcast %add3A_258 : i32 to vector<16xi32>
        %add3A_260 = arith.addi %add3A_248, %add3A_259 : vector<16xi32>
        %add3A_261 = arith.addi %mul3A_257, %add3A_260 : vector<16xi32>
        %swap3A_262 = arith.index_cast %mul3A_235 : i32 to index
        %swap3A_263 = tpu.vector_load %arg20[%swap3A_262] {strides = array<i32>} : memref<2048xi32, #tpu.memory_space<vmem>>, vector<16xi32>,
        %swap3A_264 = vector.shape_cast %swap3A_263 : vector<16xi32> to vector<16xi32>
        %swap3A_265 = vector.shape_cast %add3A_261 : vector<16xi32> to vector<16xi32>
        tpu.vector_store %arg20[%swap3A_262], %swap3A_265 {strides = array<i32>} : memref<2048xi32, #tpu.memory_space<vmem>>, vector<16xi32>,
        %scan3A_266 = arith.constant 0 : i32
        scf.yield %scan3A_266 : i32
      }
      %scan3A_37 = arith.constant 128 : i32
      %dma_start3A_38 = arith.constant 0 : i32
      %dma_start3A_39 = tpu.memref_slice %arg5[%dma_start3A_38] : memref<320000xf32, #tpu.memory_space<hbm>> -> memref<320000xf32, #tpu.memory_space<hbm>>
      tpu.enqueue_indirect_dma source(%dma_start3A_39 : memref<320000xf32, #tpu.memory_space<hbm>>) target(%arg22 : memref<2048xf32, #tpu.memory_space<vmem>>) offsets(%arg20 : memref<2048xi32, #tpu.memory_space<vmem>>) semaphore(%arg30 : memref<!tpu.dma_semaphore, #tpu.memory_space<semaphore_mem>>)
      %dma_wait3A_40 = arith.constant 0 : i32
      %dma_wait3A_41 = tpu.memref_slice %arg5[%dma_wait3A_40] : memref<320000xf32, #tpu.memory_space<hbm>> -> memref<320000xf32, #tpu.memory_space<hbm>>
      tpu.wait_indirect_dma semaphore(%arg30 : memref<!tpu.dma_semaphore, #tpu.memory_space<semaphore_mem>>) src(%dma_wait3A_41 : memref<320000xf32, #tpu.memory_space<hbm>>) dst(%arg22 : memref<2048xf32, #tpu.memory_space<vmem>>)
      %scan3A_42 = arith.constant 0 : i32
      %scan3A_43 = arith.constant 0 : i32
      %scan3A_44 = arith.constant 128 : i32
      %scan3A_45 = arith.addi %scan3A_43, %scan3A_44 : i32
      %scan3A_46 = arith.constant 1 : i32
      %scan3A_47 = scf.for %scan3A_232 = %scan3A_43 to %scan3A_45 step %scan3A_46 iter_args(%scan3A_233 = %scan3A_42) -> (i32)  : i32 {
        %mul3A_234 = arith.constant 16 : i32
        %mul3A_235 = arith.muli %scan3A_232, %mul3A_234 : i32
        %get3A = arith.index_cast %mul3A_235 : i32 to index
        %get3A_236 = tpu.vector_load %arg19[%get3A] {strides = array<i32>} : memref<2048xi32, #tpu.memory_space<vmem>>, vector<16xi32>,
        %get3A_237 = vector.shape_cast %get3A_236 : vector<16xi32> to vector<16xi32>
        %get3A_238 = arith.index_cast %mul3A_235 : i32 to index
        %get3A_239 = tpu.vector_load %arg22[%get3A_238] {strides = array<i32>} : memref<2048xf32, #tpu.memory_space<vmem>>, vector<16xf32>,
        %get3A_240 = vector.shape_cast %get3A_239 : vector<16xf32> to vector<16xf32>
        %get3A_241 = arith.index_cast %mul3A_235 : i32 to index
        %get3A_242 = tpu.vector_load %arg18[%get3A_241] {strides = array<i32>} : memref<2048xf32, #tpu.memory_space<vmem>>, vector<16xf32>,
        %get3A_243 = vector.shape_cast %get3A_242 : vector<16xf32> to vector<16xf32>
        %lt3A = arith.cmpf olt, %get3A_240, %get3A_243 : vector<16xf32>
        %broadcast_in_dim3A = arith.constant 16 : i32
        %broadcast_in_dim3A_244 = vector.broadcast %broadcast_in_dim3A : i32 to vector<16xi32>
        %broadcast_in_dim3A_245 = arith.constant 0 : i32
        %broadcast_in_dim3A_246 = vector.broadcast %broadcast_in_dim3A_245 : i32 to vector<16xi32>
        %select_n3A_247 = arith.select %lt3A, %broadcast_in_dim3A_244, %broadcast_in_dim3A_246 : vector<16xi1>, vector<16xi32>
        %add3A_248 = arith.addi %get3A_237, %select_n3A_247 : vector<16xi32>
        %swap3A = arith.index_cast %mul3A_235 : i32 to index
        %swap3A_249 = tpu.vector_load %arg19[%swap3A] {strides = array<i32>} : memref<2048xi32, #tpu.memory_space<vmem>>, vector<16xi32>,
        %swap3A_250 = vector.shape_cast %swap3A_249 : vector<16xi32> to vector<16xi32>
        %swap3A_251 = vector.shape_cast %add3A_248 : vector<16xi32> to vector<16xi32>
        tpu.vector_store %arg19[%swap3A], %swap3A_251 {strides = array<i32>} : memref<2048xi32, #tpu.memory_space<vmem>>, vector<16xi32>,
        %get3A_252 = arith.index_cast %mul3A_235 : i32 to index
        %get3A_253 = tpu.vector_load %arg17[%get3A_252] {strides = array<i32>} : memref<2048xi32, #tpu.memory_space<vmem>>, vector<16xi32>,
        %get3A_254 = vector.shape_cast %get3A_253 : vector<16xi32> to vector<16xi32>
        %mul3A_255 = arith.constant 64 : i32
        %mul3A_256 = vector.broadcast %mul3A_255 : i32 to vector<16xi32>
        %mul3A_257 = arith.muli %get3A_254, %mul3A_256 : vector<16xi32>
        %add3A_258 = arith.constant 7 : i32
        %add3A_259 = vector.broadcast %add3A_258 : i32 to vector<16xi32>
        %add3A_260 = arith.addi %add3A_248, %add3A_259 : vector<16xi32>
        %add3A_261 = arith.addi %mul3A_257, %add3A_260 : vector<16xi32>
        %swap3A_262 = arith.index_cast %mul3A_235 : i32 to index
        %swap3A_263 = tpu.vector_load %arg20[%swap3A_262] {strides = array<i32>} : memref<2048xi32, #tpu.memory_space<vmem>>, vector<16xi32>,
        %swap3A_264 = vector.shape_cast %swap3A_263 : vector<16xi32> to vector<16xi32>
        %swap3A_265 = vector.shape_cast %add3A_261 : vector<16xi32> to vector<16xi32>
        tpu.vector_store %arg20[%swap3A_262], %swap3A_265 {strides = array<i32>} : memref<2048xi32, #tpu.memory_space<vmem>>, vector<16xi32>,
        %scan3A_266 = arith.constant 0 : i32
        scf.yield %scan3A_266 : i32
      }
      %scan3A_48 = arith.constant 128 : i32
      %dma_start3A_49 = arith.constant 0 : i32
      %dma_start3A_50 = tpu.memref_slice %arg5[%dma_start3A_49] : memref<320000xf32, #tpu.memory_space<hbm>> -> memref<320000xf32, #tpu.memory_space<hbm>>
      tpu.enqueue_indirect_dma source(%dma_start3A_50 : memref<320000xf32, #tpu.memory_space<hbm>>) target(%arg22 : memref<2048xf32, #tpu.memory_space<vmem>>) offsets(%arg20 : memref<2048xi32, #tpu.memory_space<vmem>>) semaphore(%arg30 : memref<!tpu.dma_semaphore, #tpu.memory_space<semaphore_mem>>)
      %dma_wait3A_51 = arith.constant 0 : i32
      %dma_wait3A_52 = tpu.memref_slice %arg5[%dma_wait3A_51] : memref<320000xf32, #tpu.memory_space<hbm>> -> memref<320000xf32, #tpu.memory_space<hbm>>
      tpu.wait_indirect_dma semaphore(%arg30 : memref<!tpu.dma_semaphore, #tpu.memory_space<semaphore_mem>>) src(%dma_wait3A_52 : memref<320000xf32, #tpu.memory_space<hbm>>) dst(%arg22 : memref<2048xf32, #tpu.memory_space<vmem>>)
      %scan3A_53 = arith.constant 0 : i32
      %scan3A_54 = arith.constant 0 : i32
      %scan3A_55 = arith.constant 128 : i32
      %scan3A_56 = arith.addi %scan3A_54, %scan3A_55 : i32
      %scan3A_57 = arith.constant 1 : i32
      %scan3A_58 = scf.for %scan3A_232 = %scan3A_54 to %scan3A_56 step %scan3A_57 iter_args(%scan3A_233 = %scan3A_53) -> (i32)  : i32 {
        %mul3A_234 = arith.constant 16 : i32
        %mul3A_235 = arith.muli %scan3A_232, %mul3A_234 : i32
        %get3A = arith.index_cast %mul3A_235 : i32 to index
        %get3A_236 = tpu.vector_load %arg19[%get3A] {strides = array<i32>} : memref<2048xi32, #tpu.memory_space<vmem>>, vector<16xi32>,
        %get3A_237 = vector.shape_cast %get3A_236 : vector<16xi32> to vector<16xi32>
        %get3A_238 = arith.index_cast %mul3A_235 : i32 to index
        %get3A_239 = tpu.vector_load %arg22[%get3A_238] {strides = array<i32>} : memref<2048xf32, #tpu.memory_space<vmem>>, vector<16xf32>,
        %get3A_240 = vector.shape_cast %get3A_239 : vector<16xf32> to vector<16xf32>
        %get3A_241 = arith.index_cast %mul3A_235 : i32 to index
        %get3A_242 = tpu.vector_load %arg18[%get3A_241] {strides = array<i32>} : memref<2048xf32, #tpu.memory_space<vmem>>, vector<16xf32>,
        %get3A_243 = vector.shape_cast %get3A_242 : vector<16xf32> to vector<16xf32>
        %lt3A = arith.cmpf olt, %get3A_240, %get3A_243 : vector<16xf32>
        %broadcast_in_dim3A = arith.constant 8 : i32
        %broadcast_in_dim3A_244 = vector.broadcast %broadcast_in_dim3A : i32 to vector<16xi32>
        %broadcast_in_dim3A_245 = arith.constant 0 : i32
        %broadcast_in_dim3A_246 = vector.broadcast %broadcast_in_dim3A_245 : i32 to vector<16xi32>
        %select_n3A_247 = arith.select %lt3A, %broadcast_in_dim3A_244, %broadcast_in_dim3A_246 : vector<16xi1>, vector<16xi32>
        %add3A_248 = arith.addi %get3A_237, %select_n3A_247 : vector<16xi32>
        %swap3A = arith.index_cast %mul3A_235 : i32 to index
        %swap3A_249 = tpu.vector_load %arg19[%swap3A] {strides = array<i32>} : memref<2048xi32, #tpu.memory_space<vmem>>, vector<16xi32>,
        %swap3A_250 = vector.shape_cast %swap3A_249 : vector<16xi32> to vector<16xi32>
        %swap3A_251 = vector.shape_cast %add3A_248 : vector<16xi32> to vector<16xi32>
        tpu.vector_store %arg19[%swap3A], %swap3A_251 {strides = array<i32>} : memref<2048xi32, #tpu.memory_space<vmem>>, vector<16xi32>,
        %get3A_252 = arith.index_cast %mul3A_235 : i32 to index
        %get3A_253 = tpu.vector_load %arg17[%get3A_252] {strides = array<i32>} : memref<2048xi32, #tpu.memory_space<vmem>>, vector<16xi32>,
        %get3A_254 = vector.shape_cast %get3A_253 : vector<16xi32> to vector<16xi32>
        %mul3A_255 = arith.constant 64 : i32
        %mul3A_256 = vector.broadcast %mul3A_255 : i32 to vector<16xi32>
        %mul3A_257 = arith.muli %get3A_254, %mul3A_256 : vector<16xi32>
        %add3A_258 = arith.constant 3 : i32
        %add3A_259 = vector.broadcast %add3A_258 : i32 to vector<16xi32>
        %add3A_260 = arith.addi %add3A_248, %add3A_259 : vector<16xi32>
        %add3A_261 = arith.addi %mul3A_257, %add3A_260 : vector<16xi32>
        %swap3A_262 = arith.index_cast %mul3A_235 : i32 to index
        %swap3A_263 = tpu.vector_load %arg20[%swap3A_262] {strides = array<i32>} : memref<2048xi32, #tpu.memory_space<vmem>>, vector<16xi32>,
        %swap3A_264 = vector.shape_cast %swap3A_263 : vector<16xi32> to vector<16xi32>
        %swap3A_265 = vector.shape_cast %add3A_261 : vector<16xi32> to vector<16xi32>
        tpu.vector_store %arg20[%swap3A_262], %swap3A_265 {strides = array<i32>} : memref<2048xi32, #tpu.memory_space<vmem>>, vector<16xi32>,
        %scan3A_266 = arith.constant 0 : i32
        scf.yield %scan3A_266 : i32
      }
      %scan3A_59 = arith.constant 128 : i32
      %dma_start3A_60 = arith.constant 0 : i32
      %dma_start3A_61 = tpu.memref_slice %arg5[%dma_start3A_60] : memref<320000xf32, #tpu.memory_space<hbm>> -> memref<320000xf32, #tpu.memory_space<hbm>>
      tpu.enqueue_indirect_dma source(%dma_start3A_61 : memref<320000xf32, #tpu.memory_space<hbm>>) target(%arg22 : memref<2048xf32, #tpu.memory_space<vmem>>) offsets(%arg20 : memref<2048xi32, #tpu.memory_space<vmem>>) semaphore(%arg30 : memref<!tpu.dma_semaphore, #tpu.memory_space<semaphore_mem>>)
      %dma_wait3A_62 = arith.constant 0 : i32
      %dma_wait3A_63 = tpu.memref_slice %arg5[%dma_wait3A_62] : memref<320000xf32, #tpu.memory_space<hbm>> -> memref<320000xf32, #tpu.memory_space<hbm>>
      tpu.wait_indirect_dma semaphore(%arg30 : memref<!tpu.dma_semaphore, #tpu.memory_space<semaphore_mem>>) src(%dma_wait3A_63 : memref<320000xf32, #tpu.memory_space<hbm>>) dst(%arg22 : memref<2048xf32, #tpu.memory_space<vmem>>)
      %scan3A_64 = arith.constant 0 : i32
      %scan3A_65 = arith.constant 0 : i32
      %scan3A_66 = arith.constant 128 : i32
      %scan3A_67 = arith.addi %scan3A_65, %scan3A_66 : i32
      %scan3A_68 = arith.constant 1 : i32
      %scan3A_69 = scf.for %scan3A_232 = %scan3A_65 to %scan3A_67 step %scan3A_68 iter_args(%scan3A_233 = %scan3A_64) -> (i32)  : i32 {
        %mul3A_234 = arith.constant 16 : i32
        %mul3A_235 = arith.muli %scan3A_232, %mul3A_234 : i32
        %get3A = arith.index_cast %mul3A_235 : i32 to index
        %get3A_236 = tpu.vector_load %arg19[%get3A] {strides = array<i32>} : memref<2048xi32, #tpu.memory_space<vmem>>, vector<16xi32>,
        %get3A_237 = vector.shape_cast %get3A_236 : vector<16xi32> to vector<16xi32>
        %get3A_238 = arith.index_cast %mul3A_235 : i32 to index
        %get3A_239 = tpu.vector_load %arg22[%get3A_238] {strides = array<i32>} : memref<2048xf32, #tpu.memory_space<vmem>>, vector<16xf32>,
        %get3A_240 = vector.shape_cast %get3A_239 : vector<16xf32> to vector<16xf32>
        %get3A_241 = arith.index_cast %mul3A_235 : i32 to index
        %get3A_242 = tpu.vector_load %arg18[%get3A_241] {strides = array<i32>} : memref<2048xf32, #tpu.memory_space<vmem>>, vector<16xf32>,
        %get3A_243 = vector.shape_cast %get3A_242 : vector<16xf32> to vector<16xf32>
        %lt3A = arith.cmpf olt, %get3A_240, %get3A_243 : vector<16xf32>
        %broadcast_in_dim3A = arith.constant 4 : i32
        %broadcast_in_dim3A_244 = vector.broadcast %broadcast_in_dim3A : i32 to vector<16xi32>
        %broadcast_in_dim3A_245 = arith.constant 0 : i32
        %broadcast_in_dim3A_246 = vector.broadcast %broadcast_in_dim3A_245 : i32 to vector<16xi32>
        %select_n3A_247 = arith.select %lt3A, %broadcast_in_dim3A_244, %broadcast_in_dim3A_246 : vector<16xi1>, vector<16xi32>
        %add3A_248 = arith.addi %get3A_237, %select_n3A_247 : vector<16xi32>
        %swap3A = arith.index_cast %mul3A_235 : i32 to index
        %swap3A_249 = tpu.vector_load %arg19[%swap3A] {strides = array<i32>} : memref<2048xi32, #tpu.memory_space<vmem>>, vector<16xi32>,
        %swap3A_250 = vector.shape_cast %swap3A_249 : vector<16xi32> to vector<16xi32>
        %swap3A_251 = vector.shape_cast %add3A_248 : vector<16xi32> to vector<16xi32>
        tpu.vector_store %arg19[%swap3A], %swap3A_251 {strides = array<i32>} : memref<2048xi32, #tpu.memory_space<vmem>>, vector<16xi32>,
        %get3A_252 = arith.index_cast %mul3A_235 : i32 to index
        %get3A_253 = tpu.vector_load %arg17[%get3A_252] {strides = array<i32>} : memref<2048xi32, #tpu.memory_space<vmem>>, vector<16xi32>,
        %get3A_254 = vector.shape_cast %get3A_253 : vector<16xi32> to vector<16xi32>
        %mul3A_255 = arith.constant 64 : i32
        %mul3A_256 = vector.broadcast %mul3A_255 : i32 to vector<16xi32>
        %mul3A_257 = arith.muli %get3A_254, %mul3A_256 : vector<16xi32>
        %add3A_258 = arith.constant 1 : i32
        %add3A_259 = vector.broadcast %add3A_258 : i32 to vector<16xi32>
        %add3A_260 = arith.addi %add3A_248, %add3A_259 : vector<16xi32>
        %add3A_261 = arith.addi %mul3A_257, %add3A_260 : vector<16xi32>
        %swap3A_262 = arith.index_cast %mul3A_235 : i32 to index
        %swap3A_263 = tpu.vector_load %arg20[%swap3A_262] {strides = array<i32>} : memref<2048xi32, #tpu.memory_space<vmem>>, vector<16xi32>,
        %swap3A_264 = vector.shape_cast %swap3A_263 : vector<16xi32> to vector<16xi32>
        %swap3A_265 = vector.shape_cast %add3A_261 : vector<16xi32> to vector<16xi32>
        tpu.vector_store %arg20[%swap3A_262], %swap3A_265 {strides = array<i32>} : memref<2048xi32, #tpu.memory_space<vmem>>, vector<16xi32>,
        %scan3A_266 = arith.constant 0 : i32
        scf.yield %scan3A_266 : i32
      }
      %scan3A_70 = arith.constant 128 : i32
      %dma_start3A_71 = arith.constant 0 : i32
      %dma_start3A_72 = tpu.memref_slice %arg5[%dma_start3A_71] : memref<320000xf32, #tpu.memory_space<hbm>> -> memref<320000xf32, #tpu.memory_space<hbm>>
      tpu.enqueue_indirect_dma source(%dma_start3A_72 : memref<320000xf32, #tpu.memory_space<hbm>>) target(%arg22 : memref<2048xf32, #tpu.memory_space<vmem>>) offsets(%arg20 : memref<2048xi32, #tpu.memory_space<vmem>>) semaphore(%arg30 : memref<!tpu.dma_semaphore, #tpu.memory_space<semaphore_mem>>)
      %dma_wait3A_73 = arith.constant 0 : i32
      %dma_wait3A_74 = tpu.memref_slice %arg5[%dma_wait3A_73] : memref<320000xf32, #tpu.memory_space<hbm>> -> memref<320000xf32, #tpu.memory_space<hbm>>
      tpu.wait_indirect_dma semaphore(%arg30 : memref<!tpu.dma_semaphore, #tpu.memory_space<semaphore_mem>>) src(%dma_wait3A_74 : memref<320000xf32, #tpu.memory_space<hbm>>) dst(%arg22 : memref<2048xf32, #tpu.memory_space<vmem>>)
      %scan3A_75 = arith.constant 0 : i32
      %scan3A_76 = arith.constant 0 : i32
      %scan3A_77 = arith.constant 128 : i32
      %scan3A_78 = arith.addi %scan3A_76, %scan3A_77 : i32
      %scan3A_79 = arith.constant 1 : i32
      %scan3A_80 = scf.for %scan3A_232 = %scan3A_76 to %scan3A_78 step %scan3A_79 iter_args(%scan3A_233 = %scan3A_75) -> (i32)  : i32 {
        %mul3A_234 = arith.constant 16 : i32
        %mul3A_235 = arith.muli %scan3A_232, %mul3A_234 : i32
        %get3A = arith.index_cast %mul3A_235 : i32 to index
        %get3A_236 = tpu.vector_load %arg19[%get3A] {strides = array<i32>} : memref<2048xi32, #tpu.memory_space<vmem>>, vector<16xi32>,
        %get3A_237 = vector.shape_cast %get3A_236 : vector<16xi32> to vector<16xi32>
        %get3A_238 = arith.index_cast %mul3A_235 : i32 to index
        %get3A_239 = tpu.vector_load %arg22[%get3A_238] {strides = array<i32>} : memref<2048xf32, #tpu.memory_space<vmem>>, vector<16xf32>,
        %get3A_240 = vector.shape_cast %get3A_239 : vector<16xf32> to vector<16xf32>
        %get3A_241 = arith.index_cast %mul3A_235 : i32 to index
        %get3A_242 = tpu.vector_load %arg18[%get3A_241] {strides = array<i32>} : memref<2048xf32, #tpu.memory_space<vmem>>, vector<16xf32>,
        %get3A_243 = vector.shape_cast %get3A_242 : vector<16xf32> to vector<16xf32>
        %lt3A = arith.cmpf olt, %get3A_240, %get3A_243 : vector<16xf32>
        %broadcast_in_dim3A = arith.constant 2 : i32
        %broadcast_in_dim3A_244 = vector.broadcast %broadcast_in_dim3A : i32 to vector<16xi32>
        %broadcast_in_dim3A_245 = arith.constant 0 : i32
        %broadcast_in_dim3A_246 = vector.broadcast %broadcast_in_dim3A_245 : i32 to vector<16xi32>
        %select_n3A_247 = arith.select %lt3A, %broadcast_in_dim3A_244, %broadcast_in_dim3A_246 : vector<16xi1>, vector<16xi32>
        %add3A_248 = arith.addi %get3A_237, %select_n3A_247 : vector<16xi32>
        %swap3A = arith.index_cast %mul3A_235 : i32 to index
        %swap3A_249 = tpu.vector_load %arg19[%swap3A] {strides = array<i32>} : memref<2048xi32, #tpu.memory_space<vmem>>, vector<16xi32>,
        %swap3A_250 = vector.shape_cast %swap3A_249 : vector<16xi32> to vector<16xi32>
        %swap3A_251 = vector.shape_cast %add3A_248 : vector<16xi32> to vector<16xi32>
        tpu.vector_store %arg19[%swap3A], %swap3A_251 {strides = array<i32>} : memref<2048xi32, #tpu.memory_space<vmem>>, vector<16xi32>,
        %get3A_252 = arith.index_cast %mul3A_235 : i32 to index
        %get3A_253 = tpu.vector_load %arg17[%get3A_252] {strides = array<i32>} : memref<2048xi32, #tpu.memory_space<vmem>>, vector<16xi32>,
        %get3A_254 = vector.shape_cast %get3A_253 : vector<16xi32> to vector<16xi32>
        %mul3A_255 = arith.constant 64 : i32
        %mul3A_256 = vector.broadcast %mul3A_255 : i32 to vector<16xi32>
        %mul3A_257 = arith.muli %get3A_254, %mul3A_256 : vector<16xi32>
        %add3A_258 = arith.constant 0 : i32
        %add3A_259 = vector.broadcast %add3A_258 : i32 to vector<16xi32>
        %add3A_260 = arith.addi %add3A_248, %add3A_259 : vector<16xi32>
        %add3A_261 = arith.addi %mul3A_257, %add3A_260 : vector<16xi32>
        %swap3A_262 = arith.index_cast %mul3A_235 : i32 to index
        %swap3A_263 = tpu.vector_load %arg20[%swap3A_262] {strides = array<i32>} : memref<2048xi32, #tpu.memory_space<vmem>>, vector<16xi32>,
        %swap3A_264 = vector.shape_cast %swap3A_263 : vector<16xi32> to vector<16xi32>
        %swap3A_265 = vector.shape_cast %add3A_261 : vector<16xi32> to vector<16xi32>
        tpu.vector_store %arg20[%swap3A_262], %swap3A_265 {strides = array<i32>} : memref<2048xi32, #tpu.memory_space<vmem>>, vector<16xi32>,
        %scan3A_266 = arith.constant 0 : i32
        scf.yield %scan3A_266 : i32
      }
      %scan3A_81 = arith.constant 128 : i32
      %dma_start3A_82 = arith.constant 0 : i32
      %dma_start3A_83 = tpu.memref_slice %arg5[%dma_start3A_82] : memref<320000xf32, #tpu.memory_space<hbm>> -> memref<320000xf32, #tpu.memory_space<hbm>>
      tpu.enqueue_indirect_dma source(%dma_start3A_83 : memref<320000xf32, #tpu.memory_space<hbm>>) target(%arg22 : memref<2048xf32, #tpu.memory_space<vmem>>) offsets(%arg20 : memref<2048xi32, #tpu.memory_space<vmem>>) semaphore(%arg30 : memref<!tpu.dma_semaphore, #tpu.memory_space<semaphore_mem>>)
      %dma_wait3A_84 = arith.constant 0 : i32
      %dma_wait3A_85 = tpu.memref_slice %arg5[%dma_wait3A_84] : memref<320000xf32, #tpu.memory_space<hbm>> -> memref<320000xf32, #tpu.memory_space<hbm>>
      tpu.wait_indirect_dma semaphore(%arg30 : memref<!tpu.dma_semaphore, #tpu.memory_space<semaphore_mem>>) src(%dma_wait3A_85 : memref<320000xf32, #tpu.memory_space<hbm>>) dst(%arg22 : memref<2048xf32, #tpu.memory_space<vmem>>)
      %scan3A_86 = arith.constant 0 : i32
      %scan3A_87 = arith.constant 0 : i32
      %scan3A_88 = arith.constant 128 : i32
      %scan3A_89 = arith.addi %scan3A_87, %scan3A_88 : i32
      %scan3A_90 = arith.constant 1 : i32
      %scan3A_91 = scf.for %scan3A_232 = %scan3A_87 to %scan3A_89 step %scan3A_90 iter_args(%scan3A_233 = %scan3A_86) -> (i32)  : i32 {
        %mul3A_234 = arith.constant 16 : i32
        %mul3A_235 = arith.muli %scan3A_232, %mul3A_234 : i32
        %get3A = arith.index_cast %mul3A_235 : i32 to index
        %get3A_236 = tpu.vector_load %arg19[%get3A] {strides = array<i32>} : memref<2048xi32, #tpu.memory_space<vmem>>, vector<16xi32>,
        %get3A_237 = vector.shape_cast %get3A_236 : vector<16xi32> to vector<16xi32>
        %get3A_238 = arith.index_cast %mul3A_235 : i32 to index
        %get3A_239 = tpu.vector_load %arg22[%get3A_238] {strides = array<i32>} : memref<2048xf32, #tpu.memory_space<vmem>>, vector<16xf32>,
        %get3A_240 = vector.shape_cast %get3A_239 : vector<16xf32> to vector<16xf32>
        %get3A_241 = arith.index_cast %mul3A_235 : i32 to index
        %get3A_242 = tpu.vector_load %arg18[%get3A_241] {strides = array<i32>} : memref<2048xf32, #tpu.memory_space<vmem>>, vector<16xf32>,
        %get3A_243 = vector.shape_cast %get3A_242 : vector<16xf32> to vector<16xf32>
        %lt3A = arith.cmpf olt, %get3A_240, %get3A_243 : vector<16xf32>
        %broadcast_in_dim3A = arith.constant 1 : i32
        %broadcast_in_dim3A_244 = vector.broadcast %broadcast_in_dim3A : i32 to vector<16xi32>
        %broadcast_in_dim3A_245 = arith.constant 0 : i32
        %broadcast_in_dim3A_246 = vector.broadcast %broadcast_in_dim3A_245 : i32 to vector<16xi32>
        %select_n3A_247 = arith.select %lt3A, %broadcast_in_dim3A_244, %broadcast_in_dim3A_246 : vector<16xi1>, vector<16xi32>
        %add3A_248 = arith.addi %get3A_237, %select_n3A_247 : vector<16xi32>
        %sub3A = arith.constant 1 : i32
        %sub3A_249 = vector.broadcast %sub3A : i32 to vector<16xi32>
        %sub3A_250 = arith.subi %add3A_248, %sub3A_249 : vector<16xi32>
        %jit3A_251 = arith.constant 0 : i32
        %jit3A_252 = arith.constant 62 : i32
        %max3A = vector.broadcast %jit3A_251 : i32 to vector<16xi32>
        %max3A_253 = arith.maxsi %max3A, %sub3A_250 : vector<16xi32>
        %min3A = vector.broadcast %jit3A_252 : i32 to vector<16xi32>
        %min3A_254 = arith.minsi %min3A, %max3A_253 : vector<16xi32>
        %swap3A = arith.index_cast %mul3A_235 : i32 to index
        %swap3A_255 = tpu.vector_load %arg19[%swap3A] {strides = array<i32>} : memref<2048xi32, #tpu.memory_space<vmem>>, vector<16xi32>,
        %swap3A_256 = vector.shape_cast %swap3A_255 : vector<16xi32> to vector<16xi32>
        %swap3A_257 = vector.shape_cast %min3A_254 : vector<16xi32> to vector<16xi32>
        tpu.vector_store %arg19[%swap3A], %swap3A_257 {strides = array<i32>} : memref<2048xi32, #tpu.memory_space<vmem>>, vector<16xi32>,
        %get3A_258 = arith.index_cast %mul3A_235 : i32 to index
        %get3A_259 = tpu.vector_load %arg17[%get3A_258] {strides = array<i32>} : memref<2048xi32, #tpu.memory_space<vmem>>, vector<16xi32>,
        %get3A_260 = vector.shape_cast %get3A_259 : vector<16xi32> to vector<16xi32>
        %mul3A_261 = arith.constant 64 : i32
        %mul3A_262 = vector.broadcast %mul3A_261 : i32 to vector<16xi32>
        %mul3A_263 = arith.muli %get3A_260, %mul3A_262 : vector<16xi32>
        %add3A_264 = arith.addi %mul3A_263, %min3A_254 : vector<16xi32>
        %swap3A_265 = arith.index_cast %mul3A_235 : i32 to index
        %swap3A_266 = tpu.vector_load %arg20[%swap3A_265] {strides = array<i32>} : memref<2048xi32, #tpu.memory_space<vmem>>, vector<16xi32>,
        %swap3A_267 = vector.shape_cast %swap3A_266 : vector<16xi32> to vector<16xi32>
        %swap3A_268 = vector.shape_cast %add3A_264 : vector<16xi32> to vector<16xi32>
        tpu.vector_store %arg20[%swap3A_265], %swap3A_268 {strides = array<i32>} : memref<2048xi32, #tpu.memory_space<vmem>>, vector<16xi32>,
        %get3A_269 = arith.index_cast %mul3A_235 : i32 to index
        %get3A_270 = tpu.vector_load %arg16[%get3A_269] {strides = array<i32>} : memref<2048xi32, #tpu.memory_space<vmem>>, vector<16xi32>,
        %get3A_271 = vector.shape_cast %get3A_270 : vector<16xi32> to vector<16xi32>
        %mul3A_272 = arith.constant 64 : i32
        %mul3A_273 = vector.broadcast %mul3A_272 : i32 to vector<16xi32>
        %mul3A_274 = arith.muli %get3A_271, %mul3A_273 : vector<16xi32>
        %add3A_275 = arith.addi %mul3A_274, %min3A_254 : vector<16xi32>
        %swap3A_276 = arith.index_cast %mul3A_235 : i32 to index
        %swap3A_277 = tpu.vector_load %arg21[%swap3A_276] {strides = array<i32>} : memref<2048xi32, #tpu.memory_space<vmem>>, vector<16xi32>,
        %swap3A_278 = vector.shape_cast %swap3A_277 : vector<16xi32> to vector<16xi32>
        %swap3A_279 = vector.shape_cast %add3A_275 : vector<16xi32> to vector<16xi32>
        tpu.vector_store %arg21[%swap3A_276], %swap3A_279 {strides = array<i32>} : memref<2048xi32, #tpu.memory_space<vmem>>, vector<16xi32>,
        %scan3A_280 = arith.constant 0 : i32
        scf.yield %scan3A_280 : i32
      }
      %scan3A_92 = arith.constant 128 : i32
      %dma_start3A_93 = arith.constant 0 : i32
      %dma_start3A_94 = tpu.memref_slice %arg5[%dma_start3A_93] : memref<320000xf32, #tpu.memory_space<hbm>> -> memref<320000xf32, #tpu.memory_space<hbm>>
      tpu.enqueue_indirect_dma source(%dma_start3A_94 : memref<320000xf32, #tpu.memory_space<hbm>>) target(%arg23 : memref<2048xf32, #tpu.memory_space<vmem>>) offsets(%arg20 : memref<2048xi32, #tpu.memory_space<vmem>>) semaphore(%arg30 : memref<!tpu.dma_semaphore, #tpu.memory_space<semaphore_mem>>)
      %dma_wait3A_95 = arith.constant 0 : i32
      %dma_wait3A_96 = tpu.memref_slice %arg5[%dma_wait3A_95] : memref<320000xf32, #tpu.memory_space<hbm>> -> memref<320000xf32, #tpu.memory_space<hbm>>
      tpu.wait_indirect_dma semaphore(%arg30 : memref<!tpu.dma_semaphore, #tpu.memory_space<semaphore_mem>>) src(%dma_wait3A_96 : memref<320000xf32, #tpu.memory_space<hbm>>) dst(%arg23 : memref<2048xf32, #tpu.memory_space<vmem>>)
      %dma_start3A_97 = arith.constant 0 : i32
      %dma_start3A_98 = tpu.memref_slice %arg6[%dma_start3A_97] : memref<5120000xf32, #tpu.memory_space<hbm>> -> memref<5120000xf32, #tpu.memory_space<hbm>>
      tpu.enqueue_indirect_dma source(%dma_start3A_98 : memref<5120000xf32, #tpu.memory_space<hbm>>) target(%arg24 : memref<2048xf32, #tpu.memory_space<vmem>>) offsets(%arg21 : memref<2048xi32, #tpu.memory_space<vmem>>) semaphore(%arg30 : memref<!tpu.dma_semaphore, #tpu.memory_space<semaphore_mem>>)
      %dma_wait3A_99 = arith.constant 0 : i32
      %dma_wait3A_100 = tpu.memref_slice %arg6[%dma_wait3A_99] : memref<5120000xf32, #tpu.memory_space<hbm>> -> memref<5120000xf32, #tpu.memory_space<hbm>>
      tpu.wait_indirect_dma semaphore(%arg30 : memref<!tpu.dma_semaphore, #tpu.memory_space<semaphore_mem>>) src(%dma_wait3A_100 : memref<5120000xf32, #tpu.memory_space<hbm>>) dst(%arg24 : memref<2048xf32, #tpu.memory_space<vmem>>)
      %dma_start3A_101 = arith.constant 0 : i32
      %dma_start3A_102 = tpu.memref_slice %arg7[%dma_start3A_101] : memref<5120000xf32, #tpu.memory_space<hbm>> -> memref<5120000xf32, #tpu.memory_space<hbm>>
      tpu.enqueue_indirect_dma source(%dma_start3A_102 : memref<5120000xf32, #tpu.memory_space<hbm>>) target(%arg26 : memref<2048xf32, #tpu.memory_space<vmem>>) offsets(%arg21 : memref<2048xi32, #tpu.memory_space<vmem>>) semaphore(%arg30 : memref<!tpu.dma_semaphore, #tpu.memory_space<semaphore_mem>>)
      %dma_wait3A_103 = arith.constant 0 : i32
      %dma_wait3A_104 = tpu.memref_slice %arg7[%dma_wait3A_103] : memref<5120000xf32, #tpu.memory_space<hbm>> -> memref<5120000xf32, #tpu.memory_space<hbm>>
      tpu.wait_indirect_dma semaphore(%arg30 : memref<!tpu.dma_semaphore, #tpu.memory_space<semaphore_mem>>) src(%dma_wait3A_104 : memref<5120000xf32, #tpu.memory_space<hbm>>) dst(%arg26 : memref<2048xf32, #tpu.memory_space<vmem>>)
      %scan3A_105 = arith.constant 0 : i32
      %scan3A_106 = arith.constant 0 : i32
      %scan3A_107 = arith.constant 128 : i32
      %scan3A_108 = arith.addi %scan3A_106, %scan3A_107 : i32
      %scan3A_109 = arith.constant 1 : i32
      %scan3A_110 = scf.for %scan3A_232 = %scan3A_106 to %scan3A_108 step %scan3A_109 iter_args(%scan3A_233 = %scan3A_105) -> (i32)  : i32 {
        %mul3A_234 = arith.constant 16 : i32
        %mul3A_235 = arith.muli %scan3A_232, %mul3A_234 : i32
        %get3A = arith.index_cast %mul3A_235 : i32 to index
        %get3A_236 = tpu.vector_load %arg20[%get3A] {strides = array<i32>} : memref<2048xi32, #tpu.memory_space<vmem>>, vector<16xi32>,
        %get3A_237 = vector.shape_cast %get3A_236 : vector<16xi32> to vector<16xi32>
        %broadcast_in_dim3A = arith.constant 1 : i32
        %broadcast_in_dim3A_238 = vector.broadcast %broadcast_in_dim3A : i32 to vector<16xi32>
        %add3A_239 = arith.addi %get3A_237, %broadcast_in_dim3A_238 : vector<16xi32>
        %swap3A = arith.index_cast %mul3A_235 : i32 to index
        %swap3A_240 = tpu.vector_load %arg20[%swap3A] {strides = array<i32>} : memref<2048xi32, #tpu.memory_space<vmem>>, vector<16xi32>,
        %swap3A_241 = vector.shape_cast %swap3A_240 : vector<16xi32> to vector<16xi32>
        %swap3A_242 = vector.shape_cast %add3A_239 : vector<16xi32> to vector<16xi32>
        tpu.vector_store %arg20[%swap3A], %swap3A_242 {strides = array<i32>} : memref<2048xi32, #tpu.memory_space<vmem>>, vector<16xi32>,
        %get3A_243 = arith.index_cast %mul3A_235 : i32 to index
        %get3A_244 = tpu.vector_load %arg21[%get3A_243] {strides = array<i32>} : memref<2048xi32, #tpu.memory_space<vmem>>, vector<16xi32>,
        %get3A_245 = vector.shape_cast %get3A_244 : vector<16xi32> to vector<16xi32>
        %broadcast_in_dim3A_246 = arith.constant 1 : i32
        %broadcast_in_dim3A_247 = vector.broadcast %broadcast_in_dim3A_246 : i32 to vector<16xi32>
        %add3A_248 = arith.addi %get3A_245, %broadcast_in_dim3A_247 : vector<16xi32>
        %swap3A_249 = arith.index_cast %mul3A_235 : i32 to index
        %swap3A_250 = tpu.vector_load %arg21[%swap3A_249] {strides = array<i32>} : memref<2048xi32, #tpu.memory_space<vmem>>, vector<16xi32>,
        %swap3A_251 = vector.shape_cast %swap3A_250 : vector<16xi32> to vector<16xi32>
        %swap3A_252 = vector.shape_cast %add3A_248 : vector<16xi32> to vector<16xi32>
        tpu.vector_store %arg21[%swap3A_249], %swap3A_252 {strides = array<i32>} : memref<2048xi32, #tpu.memory_space<vmem>>, vector<16xi32>,
        %scan3A_253 = arith.constant 0 : i32
        scf.yield %scan3A_253 : i32
      }
      %scan3A_111 = arith.constant 128 : i32
      %dma_start3A_112 = arith.constant 0 : i32
      %dma_start3A_113 = tpu.memref_slice %arg5[%dma_start3A_112] : memref<320000xf32, #tpu.memory_space<hbm>> -> memref<320000xf32, #tpu.memory_space<hbm>>
      tpu.enqueue_indirect_dma source(%dma_start3A_113 : memref<320000xf32, #tpu.memory_space<hbm>>) target(%arg22 : memref<2048xf32, #tpu.memory_space<vmem>>) offsets(%arg20 : memref<2048xi32, #tpu.memory_space<vmem>>) semaphore(%arg30 : memref<!tpu.dma_semaphore, #tpu.memory_space<semaphore_mem>>)
      %dma_wait3A_114 = arith.constant 0 : i32
      %dma_wait3A_115 = tpu.memref_slice %arg5[%dma_wait3A_114] : memref<320000xf32, #tpu.memory_space<hbm>> -> memref<320000xf32, #tpu.memory_space<hbm>>
      tpu.wait_indirect_dma semaphore(%arg30 : memref<!tpu.dma_semaphore, #tpu.memory_space<semaphore_mem>>) src(%dma_wait3A_115 : memref<320000xf32, #tpu.memory_space<hbm>>) dst(%arg22 : memref<2048xf32, #tpu.memory_space<vmem>>)
      %dma_start3A_116 = arith.constant 0 : i32
      %dma_start3A_117 = tpu.memref_slice %arg6[%dma_start3A_116] : memref<5120000xf32, #tpu.memory_space<hbm>> -> memref<5120000xf32, #tpu.memory_space<hbm>>
      tpu.enqueue_indirect_dma source(%dma_start3A_117 : memref<5120000xf32, #tpu.memory_space<hbm>>) target(%arg25 : memref<2048xf32, #tpu.memory_space<vmem>>) offsets(%arg21 : memref<2048xi32, #tpu.memory_space<vmem>>) semaphore(%arg30 : memref<!tpu.dma_semaphore, #tpu.memory_space<semaphore_mem>>)
      %dma_wait3A_118 = arith.constant 0 : i32
      %dma_wait3A_119 = tpu.memref_slice %arg6[%dma_wait3A_118] : memref<5120000xf32, #tpu.memory_space<hbm>> -> memref<5120000xf32, #tpu.memory_space<hbm>>
      tpu.wait_indirect_dma semaphore(%arg30 : memref<!tpu.dma_semaphore, #tpu.memory_space<semaphore_mem>>) src(%dma_wait3A_119 : memref<5120000xf32, #tpu.memory_space<hbm>>) dst(%arg25 : memref<2048xf32, #tpu.memory_space<vmem>>)
      %scan3A_120 = arith.constant 0 : i32
      %scan3A_121 = arith.constant 0 : i32
      %scan3A_122 = arith.constant 128 : i32
      %scan3A_123 = arith.addi %scan3A_121, %scan3A_122 : i32
      %scan3A_124 = arith.constant 1 : i32
      %scan3A_125 = scf.for %scan3A_232 = %scan3A_121 to %scan3A_123 step %scan3A_124 iter_args(%scan3A_233 = %scan3A_120) -> (i32)  : i32 {
        %mul3A_234 = arith.constant 16 : i32
        %mul3A_235 = arith.muli %scan3A_232, %mul3A_234 : i32
        %get3A = arith.index_cast %mul3A_235 : i32 to index
        %get3A_236 = tpu.vector_load %arg15[%get3A] {strides = array<i32>} : memref<2048xf32, #tpu.memory_space<vmem>>, vector<16xf32>,
        %get3A_237 = vector.shape_cast %get3A_236 : vector<16xf32> to vector<16xf32>
        %get3A_238 = arith.index_cast %mul3A_235 : i32 to index
        %get3A_239 = tpu.vector_load %arg17[%get3A_238] {strides = array<i32>} : memref<2048xi32, #tpu.memory_space<vmem>>, vector<16xi32>,
        %get3A_240 = vector.shape_cast %get3A_239 : vector<16xi32> to vector<16xi32>
        %convert_element_type3A = arith.sitofp %get3A_240 : vector<16xi32> to vector<16xf32>
        %div3A = arith.constant 5.000000e+03 : f32
        %div3A_241 = vector.broadcast %div3A : f32 to vector<16xf32>
        %div3A_242 = arith.divf %convert_element_type3A, %div3A_241 : vector<16xf32>
        %broadcast_in_dim3A = arith.constant 2.000000e-04 : f32
        %broadcast_in_dim3A_243 = vector.broadcast %broadcast_in_dim3A : f32 to vector<16xf32>
        %get3A_244 = arith.index_cast %mul3A_235 : i32 to index
        %get3A_245 = tpu.vector_load %arg23[%get3A_244] {strides = array<i32>} : memref<2048xf32, #tpu.memory_space<vmem>>, vector<16xf32>,
        %get3A_246 = vector.shape_cast %get3A_245 : vector<16xf32> to vector<16xf32>
        %get3A_247 = arith.index_cast %mul3A_235 : i32 to index
        %get3A_248 = tpu.vector_load %arg22[%get3A_247] {strides = array<i32>} : memref<2048xf32, #tpu.memory_space<vmem>>, vector<16xf32>,
        %get3A_249 = vector.shape_cast %get3A_248 : vector<16xf32> to vector<16xf32>
        %sub3A = arith.subf %get3A_249, %get3A_246 : vector<16xf32>
        %mul3A_250 = arith.mulf %broadcast_in_dim3A_243, %sub3A : vector<16xf32>
        %mul3A_251 = arith.mulf %broadcast_in_dim3A_243, %get3A_246 : vector<16xf32>
        %add3A_252 = arith.addf %div3A_242, %mul3A_251 : vector<16xf32>
        %sub3A_253 = arith.subf %get3A_237, %add3A_252 : vector<16xf32>
        %max3A = arith.constant 9.99999996E-13 : f32
        %max3A_254 = vector.broadcast %max3A : f32 to vector<16xf32>
        %max3A_255 = arith.maximumf %mul3A_250, %max3A_254 : vector<16xf32>
        %div3A_256 = arith.divf %sub3A_253, %max3A_255 : vector<16xf32>
        %jit3A_257 = arith.constant 0.000000e+00 : f32
        %jit3A_258 = arith.constant 1.000000e+00 : f32
        %max3A_259 = vector.broadcast %jit3A_257 : f32 to vector<16xf32>
        %max3A_260 = arith.maximumf %max3A_259, %div3A_256 : vector<16xf32>
        %min3A = vector.broadcast %jit3A_258 : f32 to vector<16xf32>
        %min3A_261 = arith.minimumf %min3A, %max3A_260 : vector<16xf32>
        %get3A_262 = arith.index_cast %mul3A_235 : i32 to index
        %get3A_263 = tpu.vector_load %arg24[%get3A_262] {strides = array<i32>} : memref<2048xf32, #tpu.memory_space<vmem>>, vector<16xf32>,
        %get3A_264 = vector.shape_cast %get3A_263 : vector<16xf32> to vector<16xf32>
        %get3A_265 = arith.index_cast %mul3A_235 : i32 to index
        %get3A_266 = tpu.vector_load %arg25[%get3A_265] {strides = array<i32>} : memref<2048xf32, #tpu.memory_space<vmem>>, vector<16xf32>,
        %get3A_267 = vector.shape_cast %get3A_266 : vector<16xf32> to vector<16xf32>
        %sub3A_268 = arith.subf %get3A_267, %get3A_264 : vector<16xf32>
        %get3A_269 = arith.index_cast %mul3A_235 : i32 to index
        %get3A_270 = tpu.vector_load %arg26[%get3A_269] {strides = array<i32>} : memref<2048xf32, #tpu.memory_space<vmem>>, vector<16xf32>,
        %get3A_271 = vector.shape_cast %get3A_270 : vector<16xf32> to vector<16xf32>
        %mul3A_272 = arith.mulf %min3A_261, %mul3A_250 : vector<16xf32>
        %mul3A_273 = arith.mulf %mul3A_272, %get3A_264 : vector<16xf32>
        %add3A_274 = arith.addf %get3A_271, %mul3A_273 : vector<16xf32>
        %mul3A_275 = arith.constant 5.000000e-01 : f32
        %mul3A_276 = vector.broadcast %mul3A_275 : f32 to vector<16xf32>
        %mul3A_277 = arith.mulf %mul3A_276, %min3A_261 : vector<16xf32>
        %mul3A_278 = arith.mulf %mul3A_277, %min3A_261 : vector<16xf32>
        %mul3A_279 = arith.mulf %mul3A_278, %mul3A_250 : vector<16xf32>
        %mul3A_280 = arith.mulf %mul3A_279, %sub3A_268 : vector<16xf32>
        %add3A_281 = arith.addf %add3A_274, %mul3A_280 : vector<16xf32>
        %swap3A = arith.index_cast %mul3A_235 : i32 to index
        %swap3A_282 = tpu.vector_load %arg15[%swap3A] {strides = array<i32>} : memref<2048xf32, #tpu.memory_space<vmem>>, vector<16xf32>,
        %swap3A_283 = vector.shape_cast %swap3A_282 : vector<16xf32> to vector<16xf32>
        %swap3A_284 = vector.shape_cast %add3A_281 : vector<16xf32> to vector<16xf32>
        tpu.vector_store %arg15[%swap3A], %swap3A_284 {strides = array<i32>} : memref<2048xf32, #tpu.memory_space<vmem>>, vector<16xf32>,
        %mul3A_285 = arith.mulf %min3A_261, %sub3A_268 : vector<16xf32>
        %add3A_286 = arith.addf %get3A_264, %mul3A_285 : vector<16xf32>
        %max3A_287 = arith.constant 9.99999996E-13 : f32
        %max3A_288 = vector.broadcast %max3A_287 : f32 to vector<16xf32>
        %max3A_289 = arith.maximumf %add3A_286, %max3A_288 : vector<16xf32>
        %swap3A_290 = arith.index_cast %mul3A_235 : i32 to index
        %swap3A_291 = tpu.vector_load %arg29[%swap3A_290] {strides = array<i32>} : memref<2048xf32, #tpu.memory_space<vmem>>, vector<16xf32>,
        %swap3A_292 = vector.shape_cast %swap3A_291 : vector<16xf32> to vector<16xf32>
        %swap3A_293 = vector.shape_cast %max3A_289 : vector<16xf32> to vector<16xf32>
        tpu.vector_store %arg29[%swap3A_290], %swap3A_293 {strides = array<i32>} : memref<2048xf32, #tpu.memory_space<vmem>>, vector<16xf32>,
        %scan3A_294 = arith.constant 0 : i32
        scf.yield %scan3A_294 : i32
      }
      %scan3A_126 = arith.constant 128 : i32
      %dma_start3A_127 = arith.constant 0 : i32
      %dma_start3A_128 = tpu.memref_slice %arg11[%dma_start3A_127] : memref<80000xf32, #tpu.memory_space<hbm>> -> memref<80000xf32, #tpu.memory_space<hbm>>
      tpu.enqueue_indirect_dma source(%dma_start3A_128 : memref<80000xf32, #tpu.memory_space<hbm>>) target(%arg27 : memref<2048xf32, #tpu.memory_space<vmem>>) offsets(%arg16 : memref<2048xi32, #tpu.memory_space<vmem>>) semaphore(%arg30 : memref<!tpu.dma_semaphore, #tpu.memory_space<semaphore_mem>>)
      %dma_wait3A_129 = arith.constant 0 : i32
      %dma_wait3A_130 = tpu.memref_slice %arg11[%dma_wait3A_129] : memref<80000xf32, #tpu.memory_space<hbm>> -> memref<80000xf32, #tpu.memory_space<hbm>>
      tpu.wait_indirect_dma semaphore(%arg30 : memref<!tpu.dma_semaphore, #tpu.memory_space<semaphore_mem>>) src(%dma_wait3A_130 : memref<80000xf32, #tpu.memory_space<hbm>>) dst(%arg27 : memref<2048xf32, #tpu.memory_space<vmem>>)
      %dma_start3A_131 = arith.constant 0 : i32
      %dma_start3A_132 = tpu.memref_slice %arg12[%dma_start3A_131] : memref<80000xf32, #tpu.memory_space<hbm>> -> memref<80000xf32, #tpu.memory_space<hbm>>
      tpu.enqueue_indirect_dma source(%dma_start3A_132 : memref<80000xf32, #tpu.memory_space<hbm>>) target(%arg28 : memref<2048xf32, #tpu.memory_space<vmem>>) offsets(%arg16 : memref<2048xi32, #tpu.memory_space<vmem>>) semaphore(%arg30 : memref<!tpu.dma_semaphore, #tpu.memory_space<semaphore_mem>>)
      %dma_wait3A_133 = arith.constant 0 : i32
      %dma_wait3A_134 = tpu.memref_slice %arg12[%dma_wait3A_133] : memref<80000xf32, #tpu.memory_space<hbm>> -> memref<80000xf32, #tpu.memory_space<hbm>>
      tpu.wait_indirect_dma semaphore(%arg30 : memref<!tpu.dma_semaphore, #tpu.memory_space<semaphore_mem>>) src(%dma_wait3A_134 : memref<80000xf32, #tpu.memory_space<hbm>>) dst(%arg28 : memref<2048xf32, #tpu.memory_space<vmem>>)
      %scan3A_135 = arith.constant 0 : i32
      %scan3A_136 = arith.constant 0 : i32
      %scan3A_137 = arith.constant 128 : i32
      %scan3A_138 = arith.addi %scan3A_136, %scan3A_137 : i32
      %scan3A_139 = arith.constant 1 : i32
      %scan3A_140 = scf.for %scan3A_232 = %scan3A_136 to %scan3A_138 step %scan3A_139 iter_args(%scan3A_233 = %scan3A_135) -> (i32)  : i32 {
        %mul3A_234 = arith.constant 16 : i32
        %mul3A_235 = arith.muli %scan3A_232, %mul3A_234 : i32
        %get3A = arith.index_cast %mul3A_235 : i32 to index
        %get3A_236 = tpu.vector_load %arg15[%get3A] {strides = array<i32>} : memref<2048xf32, #tpu.memory_space<vmem>>, vector<16xf32>,
        %get3A_237 = vector.shape_cast %get3A_236 : vector<16xf32> to vector<16xf32>
        %get3A_238 = arith.index_cast %mul3A_235 : i32 to index
        %get3A_239 = tpu.vector_load %arg27[%get3A_238] {strides = array<i32>} : memref<2048xf32, #tpu.memory_space<vmem>>, vector<16xf32>,
        %get3A_240 = vector.shape_cast %get3A_239 : vector<16xf32> to vector<16xf32>
        %get3A_241 = arith.index_cast %mul3A_235 : i32 to index
        %get3A_242 = tpu.vector_load %arg28[%get3A_241] {strides = array<i32>} : memref<2048xf32, #tpu.memory_space<vmem>>, vector<16xf32>,
        %get3A_243 = vector.shape_cast %get3A_242 : vector<16xf32> to vector<16xf32>
        %sub3A = arith.subf %get3A_237, %get3A_240 : vector<16xf32>
        %div3A = arith.divf %sub3A, %get3A_243 : vector<16xf32>
        %swap3A = arith.index_cast %mul3A_235 : i32 to index
        %swap3A_244 = tpu.vector_load %arg18[%swap3A] {strides = array<i32>} : memref<2048xf32, #tpu.memory_space<vmem>>, vector<16xf32>,
        %swap3A_245 = vector.shape_cast %swap3A_244 : vector<16xf32> to vector<16xf32>
        %swap3A_246 = vector.shape_cast %div3A : vector<16xf32> to vector<16xf32>
        tpu.vector_store %arg18[%swap3A], %swap3A_246 {strides = array<i32>} : memref<2048xf32, #tpu.memory_space<vmem>>, vector<16xf32>,
        %broadcast_in_dim3A = arith.constant 0 : i32
        %broadcast_in_dim3A_247 = vector.broadcast %broadcast_in_dim3A : i32 to vector<16xi32>
        %swap3A_248 = arith.index_cast %mul3A_235 : i32 to index
        %swap3A_249 = tpu.vector_load %arg19[%swap3A_248] {strides = array<i32>} : memref<2048xi32, #tpu.memory_space<vmem>>, vector<16xi32>,
        %swap3A_250 = vector.shape_cast %swap3A_249 : vector<16xi32> to vector<16xi32>
        %swap3A_251 = vector.shape_cast %broadcast_in_dim3A_247 : vector<16xi32> to vector<16xi32>
        tpu.vector_store %arg19[%swap3A_248], %swap3A_251 {strides = array<i32>} : memref<2048xi32, #tpu.memory_space<vmem>>, vector<16xi32>,
        %get3A_252 = arith.index_cast %mul3A_235 : i32 to index
        %get3A_253 = tpu.vector_load %arg17[%get3A_252] {strides = array<i32>} : memref<2048xi32, #tpu.memory_space<vmem>>, vector<16xi32>,
        %get3A_254 = vector.shape_cast %get3A_253 : vector<16xi32> to vector<16xi32>
        %mul3A_255 = arith.constant 32 : i32
        %mul3A_256 = vector.broadcast %mul3A_255 : i32 to vector<16xi32>
        %mul3A_257 = arith.muli %get3A_254, %mul3A_256 : vector<16xi32>
        %add3A_258 = arith.constant 15 : i32
        %add3A_259 = vector.broadcast %add3A_258 : i32 to vector<16xi32>
        %add3A_260 = arith.addi %mul3A_257, %add3A_259 : vector<16xi32>
        %swap3A_261 = arith.index_cast %mul3A_235 : i32 to index
        %swap3A_262 = tpu.vector_load %arg20[%swap3A_261] {strides = array<i32>} : memref<2048xi32, #tpu.memory_space<vmem>>, vector<16xi32>,
        %swap3A_263 = vector.shape_cast %swap3A_262 : vector<16xi32> to vector<16xi32>
        %swap3A_264 = vector.shape_cast %add3A_260 : vector<16xi32> to vector<16xi32>
        tpu.vector_store %arg20[%swap3A_261], %swap3A_264 {strides = array<i32>} : memref<2048xi32, #tpu.memory_space<vmem>>, vector<16xi32>,
        %scan3A_265 = arith.constant 0 : i32
        scf.yield %scan3A_265 : i32
      }
      %scan3A_141 = arith.constant 128 : i32
      %dma_start3A_142 = arith.constant 0 : i32
      %dma_start3A_143 = tpu.memref_slice %arg8[%dma_start3A_142] : memref<160000xf32, #tpu.memory_space<hbm>> -> memref<160000xf32, #tpu.memory_space<hbm>>
      tpu.enqueue_indirect_dma source(%dma_start3A_143 : memref<160000xf32, #tpu.memory_space<hbm>>) target(%arg22 : memref<2048xf32, #tpu.memory_space<vmem>>) offsets(%arg20 : memref<2048xi32, #tpu.memory_space<vmem>>) semaphore(%arg30 : memref<!tpu.dma_semaphore, #tpu.memory_space<semaphore_mem>>)
      %dma_wait3A_144 = arith.constant 0 : i32
      %dma_wait3A_145 = tpu.memref_slice %arg8[%dma_wait3A_144] : memref<160000xf32, #tpu.memory_space<hbm>> -> memref<160000xf32, #tpu.memory_space<hbm>>
      tpu.wait_indirect_dma semaphore(%arg30 : memref<!tpu.dma_semaphore, #tpu.memory_space<semaphore_mem>>) src(%dma_wait3A_145 : memref<160000xf32, #tpu.memory_space<hbm>>) dst(%arg22 : memref<2048xf32, #tpu.memory_space<vmem>>)
      %scan3A_146 = arith.constant 0 : i32
      %scan3A_147 = arith.constant 0 : i32
      %scan3A_148 = arith.constant 128 : i32
      %scan3A_149 = arith.addi %scan3A_147, %scan3A_148 : i32
      %scan3A_150 = arith.constant 1 : i32
      %scan3A_151 = scf.for %scan3A_232 = %scan3A_147 to %scan3A_149 step %scan3A_150 iter_args(%scan3A_233 = %scan3A_146) -> (i32)  : i32 {
        %mul3A_234 = arith.constant 16 : i32
        %mul3A_235 = arith.muli %scan3A_232, %mul3A_234 : i32
        %get3A = arith.index_cast %mul3A_235 : i32 to index
        %get3A_236 = tpu.vector_load %arg19[%get3A] {strides = array<i32>} : memref<2048xi32, #tpu.memory_space<vmem>>, vector<16xi32>,
        %get3A_237 = vector.shape_cast %get3A_236 : vector<16xi32> to vector<16xi32>
        %get3A_238 = arith.index_cast %mul3A_235 : i32 to index
        %get3A_239 = tpu.vector_load %arg22[%get3A_238] {strides = array<i32>} : memref<2048xf32, #tpu.memory_space<vmem>>, vector<16xf32>,
        %get3A_240 = vector.shape_cast %get3A_239 : vector<16xf32> to vector<16xf32>
        %get3A_241 = arith.index_cast %mul3A_235 : i32 to index
        %get3A_242 = tpu.vector_load %arg18[%get3A_241] {strides = array<i32>} : memref<2048xf32, #tpu.memory_space<vmem>>, vector<16xf32>,
        %get3A_243 = vector.shape_cast %get3A_242 : vector<16xf32> to vector<16xf32>
        %lt3A = arith.cmpf olt, %get3A_240, %get3A_243 : vector<16xf32>
        %broadcast_in_dim3A = arith.constant 16 : i32
        %broadcast_in_dim3A_244 = vector.broadcast %broadcast_in_dim3A : i32 to vector<16xi32>
        %broadcast_in_dim3A_245 = arith.constant 0 : i32
        %broadcast_in_dim3A_246 = vector.broadcast %broadcast_in_dim3A_245 : i32 to vector<16xi32>
        %select_n3A_247 = arith.select %lt3A, %broadcast_in_dim3A_244, %broadcast_in_dim3A_246 : vector<16xi1>, vector<16xi32>
        %add3A_248 = arith.addi %get3A_237, %select_n3A_247 : vector<16xi32>
        %swap3A = arith.index_cast %mul3A_235 : i32 to index
        %swap3A_249 = tpu.vector_load %arg19[%swap3A] {strides = array<i32>} : memref<2048xi32, #tpu.memory_space<vmem>>, vector<16xi32>,
        %swap3A_250 = vector.shape_cast %swap3A_249 : vector<16xi32> to vector<16xi32>
        %swap3A_251 = vector.shape_cast %add3A_248 : vector<16xi32> to vector<16xi32>
        tpu.vector_store %arg19[%swap3A], %swap3A_251 {strides = array<i32>} : memref<2048xi32, #tpu.memory_space<vmem>>, vector<16xi32>,
        %get3A_252 = arith.index_cast %mul3A_235 : i32 to index
        %get3A_253 = tpu.vector_load %arg17[%get3A_252] {strides = array<i32>} : memref<2048xi32, #tpu.memory_space<vmem>>, vector<16xi32>,
        %get3A_254 = vector.shape_cast %get3A_253 : vector<16xi32> to vector<16xi32>
        %mul3A_255 = arith.constant 32 : i32
        %mul3A_256 = vector.broadcast %mul3A_255 : i32 to vector<16xi32>
        %mul3A_257 = arith.muli %get3A_254, %mul3A_256 : vector<16xi32>
        %add3A_258 = arith.constant 7 : i32
        %add3A_259 = vector.broadcast %add3A_258 : i32 to vector<16xi32>
        %add3A_260 = arith.addi %add3A_248, %add3A_259 : vector<16xi32>
        %add3A_261 = arith.addi %mul3A_257, %add3A_260 : vector<16xi32>
        %swap3A_262 = arith.index_cast %mul3A_235 : i32 to index
        %swap3A_263 = tpu.vector_load %arg20[%swap3A_262] {strides = array<i32>} : memref<2048xi32, #tpu.memory_space<vmem>>, vector<16xi32>,
        %swap3A_264 = vector.shape_cast %swap3A_263 : vector<16xi32> to vector<16xi32>
        %swap3A_265 = vector.shape_cast %add3A_261 : vector<16xi32> to vector<16xi32>
        tpu.vector_store %arg20[%swap3A_262], %swap3A_265 {strides = array<i32>} : memref<2048xi32, #tpu.memory_space<vmem>>, vector<16xi32>,
        %scan3A_266 = arith.constant 0 : i32
        scf.yield %scan3A_266 : i32
      }
      %scan3A_152 = arith.constant 128 : i32
      %dma_start3A_153 = arith.constant 0 : i32
      %dma_start3A_154 = tpu.memref_slice %arg8[%dma_start3A_153] : memref<160000xf32, #tpu.memory_space<hbm>> -> memref<160000xf32, #tpu.memory_space<hbm>>
      tpu.enqueue_indirect_dma source(%dma_start3A_154 : memref<160000xf32, #tpu.memory_space<hbm>>) target(%arg22 : memref<2048xf32, #tpu.memory_space<vmem>>) offsets(%arg20 : memref<2048xi32, #tpu.memory_space<vmem>>) semaphore(%arg30 : memref<!tpu.dma_semaphore, #tpu.memory_space<semaphore_mem>>)
      %dma_wait3A_155 = arith.constant 0 : i32
      %dma_wait3A_156 = tpu.memref_slice %arg8[%dma_wait3A_155] : memref<160000xf32, #tpu.memory_space<hbm>> -> memref<160000xf32, #tpu.memory_space<hbm>>
      tpu.wait_indirect_dma semaphore(%arg30 : memref<!tpu.dma_semaphore, #tpu.memory_space<semaphore_mem>>) src(%dma_wait3A_156 : memref<160000xf32, #tpu.memory_space<hbm>>) dst(%arg22 : memref<2048xf32, #tpu.memory_space<vmem>>)
      %scan3A_157 = arith.constant 0 : i32
      %scan3A_158 = arith.constant 0 : i32
      %scan3A_159 = arith.constant 128 : i32
      %scan3A_160 = arith.addi %scan3A_158, %scan3A_159 : i32
      %scan3A_161 = arith.constant 1 : i32
      %scan3A_162 = scf.for %scan3A_232 = %scan3A_158 to %scan3A_160 step %scan3A_161 iter_args(%scan3A_233 = %scan3A_157) -> (i32)  : i32 {
        %mul3A_234 = arith.constant 16 : i32
        %mul3A_235 = arith.muli %scan3A_232, %mul3A_234 : i32
        %get3A = arith.index_cast %mul3A_235 : i32 to index
        %get3A_236 = tpu.vector_load %arg19[%get3A] {strides = array<i32>} : memref<2048xi32, #tpu.memory_space<vmem>>, vector<16xi32>,
        %get3A_237 = vector.shape_cast %get3A_236 : vector<16xi32> to vector<16xi32>
        %get3A_238 = arith.index_cast %mul3A_235 : i32 to index
        %get3A_239 = tpu.vector_load %arg22[%get3A_238] {strides = array<i32>} : memref<2048xf32, #tpu.memory_space<vmem>>, vector<16xf32>,
        %get3A_240 = vector.shape_cast %get3A_239 : vector<16xf32> to vector<16xf32>
        %get3A_241 = arith.index_cast %mul3A_235 : i32 to index
        %get3A_242 = tpu.vector_load %arg18[%get3A_241] {strides = array<i32>} : memref<2048xf32, #tpu.memory_space<vmem>>, vector<16xf32>,
        %get3A_243 = vector.shape_cast %get3A_242 : vector<16xf32> to vector<16xf32>
        %lt3A = arith.cmpf olt, %get3A_240, %get3A_243 : vector<16xf32>
        %broadcast_in_dim3A = arith.constant 8 : i32
        %broadcast_in_dim3A_244 = vector.broadcast %broadcast_in_dim3A : i32 to vector<16xi32>
        %broadcast_in_dim3A_245 = arith.constant 0 : i32
        %broadcast_in_dim3A_246 = vector.broadcast %broadcast_in_dim3A_245 : i32 to vector<16xi32>
        %select_n3A_247 = arith.select %lt3A, %broadcast_in_dim3A_244, %broadcast_in_dim3A_246 : vector<16xi1>, vector<16xi32>
        %add3A_248 = arith.addi %get3A_237, %select_n3A_247 : vector<16xi32>
        %swap3A = arith.index_cast %mul3A_235 : i32 to index
        %swap3A_249 = tpu.vector_load %arg19[%swap3A] {strides = array<i32>} : memref<2048xi32, #tpu.memory_space<vmem>>, vector<16xi32>,
        %swap3A_250 = vector.shape_cast %swap3A_249 : vector<16xi32> to vector<16xi32>
        %swap3A_251 = vector.shape_cast %add3A_248 : vector<16xi32> to vector<16xi32>
        tpu.vector_store %arg19[%swap3A], %swap3A_251 {strides = array<i32>} : memref<2048xi32, #tpu.memory_space<vmem>>, vector<16xi32>,
        %get3A_252 = arith.index_cast %mul3A_235 : i32 to index
        %get3A_253 = tpu.vector_load %arg17[%get3A_252] {strides = array<i32>} : memref<2048xi32, #tpu.memory_space<vmem>>, vector<16xi32>,
        %get3A_254 = vector.shape_cast %get3A_253 : vector<16xi32> to vector<16xi32>
        %mul3A_255 = arith.constant 32 : i32
        %mul3A_256 = vector.broadcast %mul3A_255 : i32 to vector<16xi32>
        %mul3A_257 = arith.muli %get3A_254, %mul3A_256 : vector<16xi32>
        %add3A_258 = arith.constant 3 : i32
        %add3A_259 = vector.broadcast %add3A_258 : i32 to vector<16xi32>
        %add3A_260 = arith.addi %add3A_248, %add3A_259 : vector<16xi32>
        %add3A_261 = arith.addi %mul3A_257, %add3A_260 : vector<16xi32>
        %swap3A_262 = arith.index_cast %mul3A_235 : i32 to index
        %swap3A_263 = tpu.vector_load %arg20[%swap3A_262] {strides = array<i32>} : memref<2048xi32, #tpu.memory_space<vmem>>, vector<16xi32>,
        %swap3A_264 = vector.shape_cast %swap3A_263 : vector<16xi32> to vector<16xi32>
        %swap3A_265 = vector.shape_cast %add3A_261 : vector<16xi32> to vector<16xi32>
        tpu.vector_store %arg20[%swap3A_262], %swap3A_265 {strides = array<i32>} : memref<2048xi32, #tpu.memory_space<vmem>>, vector<16xi32>,
        %scan3A_266 = arith.constant 0 : i32
        scf.yield %scan3A_266 : i32
      }
      %scan3A_163 = arith.constant 128 : i32
      %dma_start3A_164 = arith.constant 0 : i32
      %dma_start3A_165 = tpu.memref_slice %arg8[%dma_start3A_164] : memref<160000xf32, #tpu.memory_space<hbm>> -> memref<160000xf32, #tpu.memory_space<hbm>>
      tpu.enqueue_indirect_dma source(%dma_start3A_165 : memref<160000xf32, #tpu.memory_space<hbm>>) target(%arg22 : memref<2048xf32, #tpu.memory_space<vmem>>) offsets(%arg20 : memref<2048xi32, #tpu.memory_space<vmem>>) semaphore(%arg30 : memref<!tpu.dma_semaphore, #tpu.memory_space<semaphore_mem>>)
      %dma_wait3A_166 = arith.constant 0 : i32
      %dma_wait3A_167 = tpu.memref_slice %arg8[%dma_wait3A_166] : memref<160000xf32, #tpu.memory_space<hbm>> -> memref<160000xf32, #tpu.memory_space<hbm>>
      tpu.wait_indirect_dma semaphore(%arg30 : memref<!tpu.dma_semaphore, #tpu.memory_space<semaphore_mem>>) src(%dma_wait3A_167 : memref<160000xf32, #tpu.memory_space<hbm>>) dst(%arg22 : memref<2048xf32, #tpu.memory_space<vmem>>)
      %scan3A_168 = arith.constant 0 : i32
      %scan3A_169 = arith.constant 0 : i32
      %scan3A_170 = arith.constant 128 : i32
      %scan3A_171 = arith.addi %scan3A_169, %scan3A_170 : i32
      %scan3A_172 = arith.constant 1 : i32
      %scan3A_173 = scf.for %scan3A_232 = %scan3A_169 to %scan3A_171 step %scan3A_172 iter_args(%scan3A_233 = %scan3A_168) -> (i32)  : i32 {
        %mul3A_234 = arith.constant 16 : i32
        %mul3A_235 = arith.muli %scan3A_232, %mul3A_234 : i32
        %get3A = arith.index_cast %mul3A_235 : i32 to index
        %get3A_236 = tpu.vector_load %arg19[%get3A] {strides = array<i32>} : memref<2048xi32, #tpu.memory_space<vmem>>, vector<16xi32>,
        %get3A_237 = vector.shape_cast %get3A_236 : vector<16xi32> to vector<16xi32>
        %get3A_238 = arith.index_cast %mul3A_235 : i32 to index
        %get3A_239 = tpu.vector_load %arg22[%get3A_238] {strides = array<i32>} : memref<2048xf32, #tpu.memory_space<vmem>>, vector<16xf32>,
        %get3A_240 = vector.shape_cast %get3A_239 : vector<16xf32> to vector<16xf32>
        %get3A_241 = arith.index_cast %mul3A_235 : i32 to index
        %get3A_242 = tpu.vector_load %arg18[%get3A_241] {strides = array<i32>} : memref<2048xf32, #tpu.memory_space<vmem>>, vector<16xf32>,
        %get3A_243 = vector.shape_cast %get3A_242 : vector<16xf32> to vector<16xf32>
        %lt3A = arith.cmpf olt, %get3A_240, %get3A_243 : vector<16xf32>
        %broadcast_in_dim3A = arith.constant 4 : i32
        %broadcast_in_dim3A_244 = vector.broadcast %broadcast_in_dim3A : i32 to vector<16xi32>
        %broadcast_in_dim3A_245 = arith.constant 0 : i32
        %broadcast_in_dim3A_246 = vector.broadcast %broadcast_in_dim3A_245 : i32 to vector<16xi32>
        %select_n3A_247 = arith.select %lt3A, %broadcast_in_dim3A_244, %broadcast_in_dim3A_246 : vector<16xi1>, vector<16xi32>
        %add3A_248 = arith.addi %get3A_237, %select_n3A_247 : vector<16xi32>
        %swap3A = arith.index_cast %mul3A_235 : i32 to index
        %swap3A_249 = tpu.vector_load %arg19[%swap3A] {strides = array<i32>} : memref<2048xi32, #tpu.memory_space<vmem>>, vector<16xi32>,
        %swap3A_250 = vector.shape_cast %swap3A_249 : vector<16xi32> to vector<16xi32>
        %swap3A_251 = vector.shape_cast %add3A_248 : vector<16xi32> to vector<16xi32>
        tpu.vector_store %arg19[%swap3A], %swap3A_251 {strides = array<i32>} : memref<2048xi32, #tpu.memory_space<vmem>>, vector<16xi32>,
        %get3A_252 = arith.index_cast %mul3A_235 : i32 to index
        %get3A_253 = tpu.vector_load %arg17[%get3A_252] {strides = array<i32>} : memref<2048xi32, #tpu.memory_space<vmem>>, vector<16xi32>,
        %get3A_254 = vector.shape_cast %get3A_253 : vector<16xi32> to vector<16xi32>
        %mul3A_255 = arith.constant 32 : i32
        %mul3A_256 = vector.broadcast %mul3A_255 : i32 to vector<16xi32>
        %mul3A_257 = arith.muli %get3A_254, %mul3A_256 : vector<16xi32>
        %add3A_258 = arith.constant 1 : i32
        %add3A_259 = vector.broadcast %add3A_258 : i32 to vector<16xi32>
        %add3A_260 = arith.addi %add3A_248, %add3A_259 : vector<16xi32>
        %add3A_261 = arith.addi %mul3A_257, %add3A_260 : vector<16xi32>
        %swap3A_262 = arith.index_cast %mul3A_235 : i32 to index
        %swap3A_263 = tpu.vector_load %arg20[%swap3A_262] {strides = array<i32>} : memref<2048xi32, #tpu.memory_space<vmem>>, vector<16xi32>,
        %swap3A_264 = vector.shape_cast %swap3A_263 : vector<16xi32> to vector<16xi32>
        %swap3A_265 = vector.shape_cast %add3A_261 : vector<16xi32> to vector<16xi32>
        tpu.vector_store %arg20[%swap3A_262], %swap3A_265 {strides = array<i32>} : memref<2048xi32, #tpu.memory_space<vmem>>, vector<16xi32>,
        %scan3A_266 = arith.constant 0 : i32
        scf.yield %scan3A_266 : i32
      }
      %scan3A_174 = arith.constant 128 : i32
      %dma_start3A_175 = arith.constant 0 : i32
      %dma_start3A_176 = tpu.memref_slice %arg8[%dma_start3A_175] : memref<160000xf32, #tpu.memory_space<hbm>> -> memref<160000xf32, #tpu.memory_space<hbm>>
      tpu.enqueue_indirect_dma source(%dma_start3A_176 : memref<160000xf32, #tpu.memory_space<hbm>>) target(%arg22 : memref<2048xf32, #tpu.memory_space<vmem>>) offsets(%arg20 : memref<2048xi32, #tpu.memory_space<vmem>>) semaphore(%arg30 : memref<!tpu.dma_semaphore, #tpu.memory_space<semaphore_mem>>)
      %dma_wait3A_177 = arith.constant 0 : i32
      %dma_wait3A_178 = tpu.memref_slice %arg8[%dma_wait3A_177] : memref<160000xf32, #tpu.memory_space<hbm>> -> memref<160000xf32, #tpu.memory_space<hbm>>
      tpu.wait_indirect_dma semaphore(%arg30 : memref<!tpu.dma_semaphore, #tpu.memory_space<semaphore_mem>>) src(%dma_wait3A_178 : memref<160000xf32, #tpu.memory_space<hbm>>) dst(%arg22 : memref<2048xf32, #tpu.memory_space<vmem>>)
      %scan3A_179 = arith.constant 0 : i32
      %scan3A_180 = arith.constant 0 : i32
      %scan3A_181 = arith.constant 128 : i32
      %scan3A_182 = arith.addi %scan3A_180, %scan3A_181 : i32
      %scan3A_183 = arith.constant 1 : i32
      %scan3A_184 = scf.for %scan3A_232 = %scan3A_180 to %scan3A_182 step %scan3A_183 iter_args(%scan3A_233 = %scan3A_179) -> (i32)  : i32 {
        %mul3A_234 = arith.constant 16 : i32
        %mul3A_235 = arith.muli %scan3A_232, %mul3A_234 : i32
        %get3A = arith.index_cast %mul3A_235 : i32 to index
        %get3A_236 = tpu.vector_load %arg19[%get3A] {strides = array<i32>} : memref<2048xi32, #tpu.memory_space<vmem>>, vector<16xi32>,
        %get3A_237 = vector.shape_cast %get3A_236 : vector<16xi32> to vector<16xi32>
        %get3A_238 = arith.index_cast %mul3A_235 : i32 to index
        %get3A_239 = tpu.vector_load %arg22[%get3A_238] {strides = array<i32>} : memref<2048xf32, #tpu.memory_space<vmem>>, vector<16xf32>,
        %get3A_240 = vector.shape_cast %get3A_239 : vector<16xf32> to vector<16xf32>
        %get3A_241 = arith.index_cast %mul3A_235 : i32 to index
        %get3A_242 = tpu.vector_load %arg18[%get3A_241] {strides = array<i32>} : memref<2048xf32, #tpu.memory_space<vmem>>, vector<16xf32>,
        %get3A_243 = vector.shape_cast %get3A_242 : vector<16xf32> to vector<16xf32>
        %lt3A = arith.cmpf olt, %get3A_240, %get3A_243 : vector<16xf32>
        %broadcast_in_dim3A = arith.constant 2 : i32
        %broadcast_in_dim3A_244 = vector.broadcast %broadcast_in_dim3A : i32 to vector<16xi32>
        %broadcast_in_dim3A_245 = arith.constant 0 : i32
        %broadcast_in_dim3A_246 = vector.broadcast %broadcast_in_dim3A_245 : i32 to vector<16xi32>
        %select_n3A_247 = arith.select %lt3A, %broadcast_in_dim3A_244, %broadcast_in_dim3A_246 : vector<16xi1>, vector<16xi32>
        %add3A_248 = arith.addi %get3A_237, %select_n3A_247 : vector<16xi32>
        %swap3A = arith.index_cast %mul3A_235 : i32 to index
        %swap3A_249 = tpu.vector_load %arg19[%swap3A] {strides = array<i32>} : memref<2048xi32, #tpu.memory_space<vmem>>, vector<16xi32>,
        %swap3A_250 = vector.shape_cast %swap3A_249 : vector<16xi32> to vector<16xi32>
        %swap3A_251 = vector.shape_cast %add3A_248 : vector<16xi32> to vector<16xi32>
        tpu.vector_store %arg19[%swap3A], %swap3A_251 {strides = array<i32>} : memref<2048xi32, #tpu.memory_space<vmem>>, vector<16xi32>,
        %get3A_252 = arith.index_cast %mul3A_235 : i32 to index
        %get3A_253 = tpu.vector_load %arg17[%get3A_252] {strides = array<i32>} : memref<2048xi32, #tpu.memory_space<vmem>>, vector<16xi32>,
        %get3A_254 = vector.shape_cast %get3A_253 : vector<16xi32> to vector<16xi32>
        %mul3A_255 = arith.constant 32 : i32
        %mul3A_256 = vector.broadcast %mul3A_255 : i32 to vector<16xi32>
        %mul3A_257 = arith.muli %get3A_254, %mul3A_256 : vector<16xi32>
        %add3A_258 = arith.constant 0 : i32
        %add3A_259 = vector.broadcast %add3A_258 : i32 to vector<16xi32>
        %add3A_260 = arith.addi %add3A_248, %add3A_259 : vector<16xi32>
        %add3A_261 = arith.addi %mul3A_257, %add3A_260 : vector<16xi32>
        %swap3A_262 = arith.index_cast %mul3A_235 : i32 to index
        %swap3A_263 = tpu.vector_load %arg20[%swap3A_262] {strides = array<i32>} : memref<2048xi32, #tpu.memory_space<vmem>>, vector<16xi32>,
        %swap3A_264 = vector.shape_cast %swap3A_263 : vector<16xi32> to vector<16xi32>
        %swap3A_265 = vector.shape_cast %add3A_261 : vector<16xi32> to vector<16xi32>
        tpu.vector_store %arg20[%swap3A_262], %swap3A_265 {strides = array<i32>} : memref<2048xi32, #tpu.memory_space<vmem>>, vector<16xi32>,
        %scan3A_266 = arith.constant 0 : i32
        scf.yield %scan3A_266 : i32
      }
      %scan3A_185 = arith.constant 128 : i32
      %dma_start3A_186 = arith.constant 0 : i32
      %dma_start3A_187 = tpu.memref_slice %arg8[%dma_start3A_186] : memref<160000xf32, #tpu.memory_space<hbm>> -> memref<160000xf32, #tpu.memory_space<hbm>>
      tpu.enqueue_indirect_dma source(%dma_start3A_187 : memref<160000xf32, #tpu.memory_space<hbm>>) target(%arg22 : memref<2048xf32, #tpu.memory_space<vmem>>) offsets(%arg20 : memref<2048xi32, #tpu.memory_space<vmem>>) semaphore(%arg30 : memref<!tpu.dma_semaphore, #tpu.memory_space<semaphore_mem>>)
      %dma_wait3A_188 = arith.constant 0 : i32
      %dma_wait3A_189 = tpu.memref_slice %arg8[%dma_wait3A_188] : memref<160000xf32, #tpu.memory_space<hbm>> -> memref<160000xf32, #tpu.memory_space<hbm>>
      tpu.wait_indirect_dma semaphore(%arg30 : memref<!tpu.dma_semaphore, #tpu.memory_space<semaphore_mem>>) src(%dma_wait3A_189 : memref<160000xf32, #tpu.memory_space<hbm>>) dst(%arg22 : memref<2048xf32, #tpu.memory_space<vmem>>)
      %scan3A_190 = arith.constant 0 : i32
      %scan3A_191 = arith.constant 0 : i32
      %scan3A_192 = arith.constant 128 : i32
      %scan3A_193 = arith.addi %scan3A_191, %scan3A_192 : i32
      %scan3A_194 = arith.constant 1 : i32
      %scan3A_195 = scf.for %scan3A_232 = %scan3A_191 to %scan3A_193 step %scan3A_194 iter_args(%scan3A_233 = %scan3A_190) -> (i32)  : i32 {
        %mul3A_234 = arith.constant 16 : i32
        %mul3A_235 = arith.muli %scan3A_232, %mul3A_234 : i32
        %get3A = arith.index_cast %mul3A_235 : i32 to index
        %get3A_236 = tpu.vector_load %arg19[%get3A] {strides = array<i32>} : memref<2048xi32, #tpu.memory_space<vmem>>, vector<16xi32>,
        %get3A_237 = vector.shape_cast %get3A_236 : vector<16xi32> to vector<16xi32>
        %get3A_238 = arith.index_cast %mul3A_235 : i32 to index
        %get3A_239 = tpu.vector_load %arg22[%get3A_238] {strides = array<i32>} : memref<2048xf32, #tpu.memory_space<vmem>>, vector<16xf32>,
        %get3A_240 = vector.shape_cast %get3A_239 : vector<16xf32> to vector<16xf32>
        %get3A_241 = arith.index_cast %mul3A_235 : i32 to index
        %get3A_242 = tpu.vector_load %arg18[%get3A_241] {strides = array<i32>} : memref<2048xf32, #tpu.memory_space<vmem>>, vector<16xf32>,
        %get3A_243 = vector.shape_cast %get3A_242 : vector<16xf32> to vector<16xf32>
        %lt3A = arith.cmpf olt, %get3A_240, %get3A_243 : vector<16xf32>
        %broadcast_in_dim3A = arith.constant 1 : i32
        %broadcast_in_dim3A_244 = vector.broadcast %broadcast_in_dim3A : i32 to vector<16xi32>
        %broadcast_in_dim3A_245 = arith.constant 0 : i32
        %broadcast_in_dim3A_246 = vector.broadcast %broadcast_in_dim3A_245 : i32 to vector<16xi32>
        %select_n3A_247 = arith.select %lt3A, %broadcast_in_dim3A_244, %broadcast_in_dim3A_246 : vector<16xi1>, vector<16xi32>
        %add3A_248 = arith.addi %get3A_237, %select_n3A_247 : vector<16xi32>
        %sub3A = arith.constant 1 : i32
        %sub3A_249 = vector.broadcast %sub3A : i32 to vector<16xi32>
        %sub3A_250 = arith.subi %add3A_248, %sub3A_249 : vector<16xi32>
        %jit3A_251 = arith.constant 0 : i32
        %jit3A_252 = arith.constant 30 : i32
        %max3A = vector.broadcast %jit3A_251 : i32 to vector<16xi32>
        %max3A_253 = arith.maxsi %max3A, %sub3A_250 : vector<16xi32>
        %min3A = vector.broadcast %jit3A_252 : i32 to vector<16xi32>
        %min3A_254 = arith.minsi %min3A, %max3A_253 : vector<16xi32>
        %swap3A = arith.index_cast %mul3A_235 : i32 to index
        %swap3A_255 = tpu.vector_load %arg19[%swap3A] {strides = array<i32>} : memref<2048xi32, #tpu.memory_space<vmem>>, vector<16xi32>,
        %swap3A_256 = vector.shape_cast %swap3A_255 : vector<16xi32> to vector<16xi32>
        %swap3A_257 = vector.shape_cast %min3A_254 : vector<16xi32> to vector<16xi32>
        tpu.vector_store %arg19[%swap3A], %swap3A_257 {strides = array<i32>} : memref<2048xi32, #tpu.memory_space<vmem>>, vector<16xi32>,
        %get3A_258 = arith.index_cast %mul3A_235 : i32 to index
        %get3A_259 = tpu.vector_load %arg17[%get3A_258] {strides = array<i32>} : memref<2048xi32, #tpu.memory_space<vmem>>, vector<16xi32>,
        %get3A_260 = vector.shape_cast %get3A_259 : vector<16xi32> to vector<16xi32>
        %mul3A_261 = arith.constant 32 : i32
        %mul3A_262 = vector.broadcast %mul3A_261 : i32 to vector<16xi32>
        %mul3A_263 = arith.muli %get3A_260, %mul3A_262 : vector<16xi32>
        %add3A_264 = arith.addi %mul3A_263, %min3A_254 : vector<16xi32>
        %swap3A_265 = arith.index_cast %mul3A_235 : i32 to index
        %swap3A_266 = tpu.vector_load %arg20[%swap3A_265] {strides = array<i32>} : memref<2048xi32, #tpu.memory_space<vmem>>, vector<16xi32>,
        %swap3A_267 = vector.shape_cast %swap3A_266 : vector<16xi32> to vector<16xi32>
        %swap3A_268 = vector.shape_cast %add3A_264 : vector<16xi32> to vector<16xi32>
        tpu.vector_store %arg20[%swap3A_265], %swap3A_268 {strides = array<i32>} : memref<2048xi32, #tpu.memory_space<vmem>>, vector<16xi32>,
        %get3A_269 = arith.index_cast %mul3A_235 : i32 to index
        %get3A_270 = tpu.vector_load %arg16[%get3A_269] {strides = array<i32>} : memref<2048xi32, #tpu.memory_space<vmem>>, vector<16xi32>,
        %get3A_271 = vector.shape_cast %get3A_270 : vector<16xi32> to vector<16xi32>
        %mul3A_272 = arith.constant 32 : i32
        %mul3A_273 = vector.broadcast %mul3A_272 : i32 to vector<16xi32>
        %mul3A_274 = arith.muli %get3A_271, %mul3A_273 : vector<16xi32>
        %add3A_275 = arith.addi %mul3A_274, %min3A_254 : vector<16xi32>
        %swap3A_276 = arith.index_cast %mul3A_235 : i32 to index
        %swap3A_277 = tpu.vector_load %arg21[%swap3A_276] {strides = array<i32>} : memref<2048xi32, #tpu.memory_space<vmem>>, vector<16xi32>,
        %swap3A_278 = vector.shape_cast %swap3A_277 : vector<16xi32> to vector<16xi32>
        %swap3A_279 = vector.shape_cast %add3A_275 : vector<16xi32> to vector<16xi32>
        tpu.vector_store %arg21[%swap3A_276], %swap3A_279 {strides = array<i32>} : memref<2048xi32, #tpu.memory_space<vmem>>, vector<16xi32>,
        %scan3A_280 = arith.constant 0 : i32
        scf.yield %scan3A_280 : i32
      }
      %scan3A_196 = arith.constant 128 : i32
      %dma_start3A_197 = arith.constant 0 : i32
      %dma_start3A_198 = tpu.memref_slice %arg8[%dma_start3A_197] : memref<160000xf32, #tpu.memory_space<hbm>> -> memref<160000xf32, #tpu.memory_space<hbm>>
      tpu.enqueue_indirect_dma source(%dma_start3A_198 : memref<160000xf32, #tpu.memory_space<hbm>>) target(%arg23 : memref<2048xf32, #tpu.memory_space<vmem>>) offsets(%arg20 : memref<2048xi32, #tpu.memory_space<vmem>>) semaphore(%arg30 : memref<!tpu.dma_semaphore, #tpu.memory_space<semaphore_mem>>)
      %dma_wait3A_199 = arith.constant 0 : i32
      %dma_wait3A_200 = tpu.memref_slice %arg8[%dma_wait3A_199] : memref<160000xf32, #tpu.memory_space<hbm>> -> memref<160000xf32, #tpu.memory_space<hbm>>
      tpu.wait_indirect_dma semaphore(%arg30 : memref<!tpu.dma_semaphore, #tpu.memory_space<semaphore_mem>>) src(%dma_wait3A_200 : memref<160000xf32, #tpu.memory_space<hbm>>) dst(%arg23 : memref<2048xf32, #tpu.memory_space<vmem>>)
      %dma_start3A_201 = arith.constant 0 : i32
      %dma_start3A_202 = tpu.memref_slice %arg9[%dma_start3A_201] : memref<2560000xf32, #tpu.memory_space<hbm>> -> memref<2560000xf32, #tpu.memory_space<hbm>>
      tpu.enqueue_indirect_dma source(%dma_start3A_202 : memref<2560000xf32, #tpu.memory_space<hbm>>) target(%arg24 : memref<2048xf32, #tpu.memory_space<vmem>>) offsets(%arg21 : memref<2048xi32, #tpu.memory_space<vmem>>) semaphore(%arg30 : memref<!tpu.dma_semaphore, #tpu.memory_space<semaphore_mem>>)
      %dma_wait3A_203 = arith.constant 0 : i32
      %dma_wait3A_204 = tpu.memref_slice %arg9[%dma_wait3A_203] : memref<2560000xf32, #tpu.memory_space<hbm>> -> memref<2560000xf32, #tpu.memory_space<hbm>>
      tpu.wait_indirect_dma semaphore(%arg30 : memref<!tpu.dma_semaphore, #tpu.memory_space<semaphore_mem>>) src(%dma_wait3A_204 : memref<2560000xf32, #tpu.memory_space<hbm>>) dst(%arg24 : memref<2048xf32, #tpu.memory_space<vmem>>)
      %dma_start3A_205 = arith.constant 0 : i32
      %dma_start3A_206 = tpu.memref_slice %arg10[%dma_start3A_205] : memref<2560000xf32, #tpu.memory_space<hbm>> -> memref<2560000xf32, #tpu.memory_space<hbm>>
      tpu.enqueue_indirect_dma source(%dma_start3A_206 : memref<2560000xf32, #tpu.memory_space<hbm>>) target(%arg26 : memref<2048xf32, #tpu.memory_space<vmem>>) offsets(%arg21 : memref<2048xi32, #tpu.memory_space<vmem>>) semaphore(%arg30 : memref<!tpu.dma_semaphore, #tpu.memory_space<semaphore_mem>>)
      %dma_wait3A_207 = arith.constant 0 : i32
      %dma_wait3A_208 = tpu.memref_slice %arg10[%dma_wait3A_207] : memref<2560000xf32, #tpu.memory_space<hbm>> -> memref<2560000xf32, #tpu.memory_space<hbm>>
      tpu.wait_indirect_dma semaphore(%arg30 : memref<!tpu.dma_semaphore, #tpu.memory_space<semaphore_mem>>) src(%dma_wait3A_208 : memref<2560000xf32, #tpu.memory_space<hbm>>) dst(%arg26 : memref<2048xf32, #tpu.memory_space<vmem>>)
      %scan3A_209 = arith.constant 0 : i32
      %scan3A_210 = arith.constant 0 : i32
      %scan3A_211 = arith.constant 128 : i32
      %scan3A_212 = arith.addi %scan3A_210, %scan3A_211 : i32
      %scan3A_213 = arith.constant 1 : i32
      %scan3A_214 = scf.for %scan3A_232 = %scan3A_210 to %scan3A_212 step %scan3A_213 iter_args(%scan3A_233 = %scan3A_209) -> (i32)  : i32 {
        %mul3A_234 = arith.constant 16 : i32
        %mul3A_235 = arith.muli %scan3A_232, %mul3A_234 : i32
        %get3A = arith.index_cast %mul3A_235 : i32 to index
        %get3A_236 = tpu.vector_load %arg20[%get3A] {strides = array<i32>} : memref<2048xi32, #tpu.memory_space<vmem>>, vector<16xi32>,
        %get3A_237 = vector.shape_cast %get3A_236 : vector<16xi32> to vector<16xi32>
        %broadcast_in_dim3A = arith.constant 1 : i32
        %broadcast_in_dim3A_238 = vector.broadcast %broadcast_in_dim3A : i32 to vector<16xi32>
        %add3A_239 = arith.addi %get3A_237, %broadcast_in_dim3A_238 : vector<16xi32>
        %swap3A = arith.index_cast %mul3A_235 : i32 to index
        %swap3A_240 = tpu.vector_load %arg20[%swap3A] {strides = array<i32>} : memref<2048xi32, #tpu.memory_space<vmem>>, vector<16xi32>,
        %swap3A_241 = vector.shape_cast %swap3A_240 : vector<16xi32> to vector<16xi32>
        %swap3A_242 = vector.shape_cast %add3A_239 : vector<16xi32> to vector<16xi32>
        tpu.vector_store %arg20[%swap3A], %swap3A_242 {strides = array<i32>} : memref<2048xi32, #tpu.memory_space<vmem>>, vector<16xi32>,
        %get3A_243 = arith.index_cast %mul3A_235 : i32 to index
        %get3A_244 = tpu.vector_load %arg21[%get3A_243] {strides = array<i32>} : memref<2048xi32, #tpu.memory_space<vmem>>, vector<16xi32>,
        %get3A_245 = vector.shape_cast %get3A_244 : vector<16xi32> to vector<16xi32>
        %broadcast_in_dim3A_246 = arith.constant 1 : i32
        %broadcast_in_dim3A_247 = vector.broadcast %broadcast_in_dim3A_246 : i32 to vector<16xi32>
        %add3A_248 = arith.addi %get3A_245, %broadcast_in_dim3A_247 : vector<16xi32>
        %swap3A_249 = arith.index_cast %mul3A_235 : i32 to index
        %swap3A_250 = tpu.vector_load %arg21[%swap3A_249] {strides = array<i32>} : memref<2048xi32, #tpu.memory_space<vmem>>, vector<16xi32>,
        %swap3A_251 = vector.shape_cast %swap3A_250 : vector<16xi32> to vector<16xi32>
        %swap3A_252 = vector.shape_cast %add3A_248 : vector<16xi32> to vector<16xi32>
        tpu.vector_store %arg21[%swap3A_249], %swap3A_252 {strides = array<i32>} : memref<2048xi32, #tpu.memory_space<vmem>>, vector<16xi32>,
        %scan3A_253 = arith.constant 0 : i32
        scf.yield %scan3A_253 : i32
      }
      %scan3A_215 = arith.constant 128 : i32
      %dma_start3A_216 = arith.constant 0 : i32
      %dma_start3A_217 = tpu.memref_slice %arg8[%dma_start3A_216] : memref<160000xf32, #tpu.memory_space<hbm>> -> memref<160000xf32, #tpu.memory_space<hbm>>
      tpu.enqueue_indirect_dma source(%dma_start3A_217 : memref<160000xf32, #tpu.memory_space<hbm>>) target(%arg22 : memref<2048xf32, #tpu.memory_space<vmem>>) offsets(%arg20 : memref<2048xi32, #tpu.memory_space<vmem>>) semaphore(%arg30 : memref<!tpu.dma_semaphore, #tpu.memory_space<semaphore_mem>>)
      %dma_wait3A_218 = arith.constant 0 : i32
      %dma_wait3A_219 = tpu.memref_slice %arg8[%dma_wait3A_218] : memref<160000xf32, #tpu.memory_space<hbm>> -> memref<160000xf32, #tpu.memory_space<hbm>>
      tpu.wait_indirect_dma semaphore(%arg30 : memref<!tpu.dma_semaphore, #tpu.memory_space<semaphore_mem>>) src(%dma_wait3A_219 : memref<160000xf32, #tpu.memory_space<hbm>>) dst(%arg22 : memref<2048xf32, #tpu.memory_space<vmem>>)
      %dma_start3A_220 = arith.constant 0 : i32
      %dma_start3A_221 = tpu.memref_slice %arg9[%dma_start3A_220] : memref<2560000xf32, #tpu.memory_space<hbm>> -> memref<2560000xf32, #tpu.memory_space<hbm>>
      tpu.enqueue_indirect_dma source(%dma_start3A_221 : memref<2560000xf32, #tpu.memory_space<hbm>>) target(%arg25 : memref<2048xf32, #tpu.memory_space<vmem>>) offsets(%arg21 : memref<2048xi32, #tpu.memory_space<vmem>>) semaphore(%arg30 : memref<!tpu.dma_semaphore, #tpu.memory_space<semaphore_mem>>)
      %dma_wait3A_222 = arith.constant 0 : i32
      %dma_wait3A_223 = tpu.memref_slice %arg9[%dma_wait3A_222] : memref<2560000xf32, #tpu.memory_space<hbm>> -> memref<2560000xf32, #tpu.memory_space<hbm>>
      tpu.wait_indirect_dma semaphore(%arg30 : memref<!tpu.dma_semaphore, #tpu.memory_space<semaphore_mem>>) src(%dma_wait3A_223 : memref<2560000xf32, #tpu.memory_space<hbm>>) dst(%arg25 : memref<2048xf32, #tpu.memory_space<vmem>>)
      %scan3A_224 = arith.constant 0 : i32
      %scan3A_225 = arith.constant 0 : i32
      %scan3A_226 = arith.constant 128 : i32
      %scan3A_227 = arith.addi %scan3A_225, %scan3A_226 : i32
      %scan3A_228 = arith.constant 1 : i32
      %scan3A_229 = scf.for %scan3A_232 = %scan3A_225 to %scan3A_227 step %scan3A_228 iter_args(%scan3A_233 = %scan3A_224) -> (i32)  : i32 {
        %mul3A_234 = arith.constant 16 : i32
        %mul3A_235 = arith.muli %scan3A_232, %mul3A_234 : i32
        %get3A = arith.index_cast %mul3A_235 : i32 to index
        %get3A_236 = tpu.vector_load %arg15[%get3A] {strides = array<i32>} : memref<2048xf32, #tpu.memory_space<vmem>>, vector<16xf32>,
        %get3A_237 = vector.shape_cast %get3A_236 : vector<16xf32> to vector<16xf32>
        %get3A_238 = arith.index_cast %mul3A_235 : i32 to index
        %get3A_239 = tpu.vector_load %arg27[%get3A_238] {strides = array<i32>} : memref<2048xf32, #tpu.memory_space<vmem>>, vector<16xf32>,
        %get3A_240 = vector.shape_cast %get3A_239 : vector<16xf32> to vector<16xf32>
        %get3A_241 = arith.index_cast %mul3A_235 : i32 to index
        %get3A_242 = tpu.vector_load %arg28[%get3A_241] {strides = array<i32>} : memref<2048xf32, #tpu.memory_space<vmem>>, vector<16xf32>,
        %get3A_243 = vector.shape_cast %get3A_242 : vector<16xf32> to vector<16xf32>
        %get3A_244 = arith.index_cast %mul3A_235 : i32 to index
        %get3A_245 = tpu.vector_load %arg23[%get3A_244] {strides = array<i32>} : memref<2048xf32, #tpu.memory_space<vmem>>, vector<16xf32>,
        %get3A_246 = vector.shape_cast %get3A_245 : vector<16xf32> to vector<16xf32>
        %get3A_247 = arith.index_cast %mul3A_235 : i32 to index
        %get3A_248 = tpu.vector_load %arg22[%get3A_247] {strides = array<i32>} : memref<2048xf32, #tpu.memory_space<vmem>>, vector<16xf32>,
        %get3A_249 = vector.shape_cast %get3A_248 : vector<16xf32> to vector<16xf32>
        %sub3A = arith.subf %get3A_249, %get3A_246 : vector<16xf32>
        %mul3A_250 = arith.mulf %get3A_243, %sub3A : vector<16xf32>
        %mul3A_251 = arith.mulf %get3A_243, %get3A_246 : vector<16xf32>
        %add3A_252 = arith.addf %get3A_240, %mul3A_251 : vector<16xf32>
        %sub3A_253 = arith.subf %get3A_237, %add3A_252 : vector<16xf32>
        %max3A = arith.constant 9.99999996E-13 : f32
        %max3A_254 = vector.broadcast %max3A : f32 to vector<16xf32>
        %max3A_255 = arith.maximumf %mul3A_250, %max3A_254 : vector<16xf32>
        %div3A = arith.divf %sub3A_253, %max3A_255 : vector<16xf32>
        %jit3A_256 = arith.constant 0.000000e+00 : f32
        %jit3A_257 = arith.constant 1.000000e+00 : f32
        %max3A_258 = vector.broadcast %jit3A_256 : f32 to vector<16xf32>
        %max3A_259 = arith.maximumf %max3A_258, %div3A : vector<16xf32>
        %min3A = vector.broadcast %jit3A_257 : f32 to vector<16xf32>
        %min3A_260 = arith.minimumf %min3A, %max3A_259 : vector<16xf32>
        %get3A_261 = arith.index_cast %mul3A_235 : i32 to index
        %get3A_262 = tpu.vector_load %arg24[%get3A_261] {strides = array<i32>} : memref<2048xf32, #tpu.memory_space<vmem>>, vector<16xf32>,
        %get3A_263 = vector.shape_cast %get3A_262 : vector<16xf32> to vector<16xf32>
        %get3A_264 = arith.index_cast %mul3A_235 : i32 to index
        %get3A_265 = tpu.vector_load %arg25[%get3A_264] {strides = array<i32>} : memref<2048xf32, #tpu.memory_space<vmem>>, vector<16xf32>,
        %get3A_266 = vector.shape_cast %get3A_265 : vector<16xf32> to vector<16xf32>
        %sub3A_267 = arith.subf %get3A_266, %get3A_263 : vector<16xf32>
        %get3A_268 = arith.index_cast %mul3A_235 : i32 to index
        %get3A_269 = tpu.vector_load %arg26[%get3A_268] {strides = array<i32>} : memref<2048xf32, #tpu.memory_space<vmem>>, vector<16xf32>,
        %get3A_270 = vector.shape_cast %get3A_269 : vector<16xf32> to vector<16xf32>
        %mul3A_271 = arith.mulf %min3A_260, %mul3A_250 : vector<16xf32>
        %mul3A_272 = arith.mulf %mul3A_271, %get3A_263 : vector<16xf32>
        %add3A_273 = arith.addf %get3A_270, %mul3A_272 : vector<16xf32>
        %mul3A_274 = arith.constant 5.000000e-01 : f32
        %mul3A_275 = vector.broadcast %mul3A_274 : f32 to vector<16xf32>
        %mul3A_276 = arith.mulf %mul3A_275, %min3A_260 : vector<16xf32>
        %mul3A_277 = arith.mulf %mul3A_276, %min3A_260 : vector<16xf32>
        %mul3A_278 = arith.mulf %mul3A_277, %mul3A_250 : vector<16xf32>
        %mul3A_279 = arith.mulf %mul3A_278, %sub3A_267 : vector<16xf32>
        %add3A_280 = arith.addf %add3A_273, %mul3A_279 : vector<16xf32>
        %swap3A = arith.index_cast %mul3A_235 : i32 to index
        %swap3A_281 = tpu.vector_load %arg15[%swap3A] {strides = array<i32>} : memref<2048xf32, #tpu.memory_space<vmem>>, vector<16xf32>,
        %swap3A_282 = vector.shape_cast %swap3A_281 : vector<16xf32> to vector<16xf32>
        %swap3A_283 = vector.shape_cast %add3A_280 : vector<16xf32> to vector<16xf32>
        tpu.vector_store %arg15[%swap3A], %swap3A_283 {strides = array<i32>} : memref<2048xf32, #tpu.memory_space<vmem>>, vector<16xf32>,
        %mul3A_284 = arith.mulf %min3A_260, %sub3A_267 : vector<16xf32>
        %add3A_285 = arith.addf %get3A_263, %mul3A_284 : vector<16xf32>
        %max3A_286 = arith.constant 9.99999996E-13 : f32
        %max3A_287 = vector.broadcast %max3A_286 : f32 to vector<16xf32>
        %max3A_288 = arith.maximumf %add3A_285, %max3A_287 : vector<16xf32>
        %get3A_289 = arith.index_cast %mul3A_235 : i32 to index
        %get3A_290 = tpu.vector_load %arg29[%get3A_289] {strides = array<i32>} : memref<2048xf32, #tpu.memory_space<vmem>>, vector<16xf32>,
        %get3A_291 = vector.shape_cast %get3A_290 : vector<16xf32> to vector<16xf32>
        %mul3A_292 = arith.mulf %get3A_291, %max3A_288 : vector<16xf32>
        %swap3A_293 = arith.index_cast %mul3A_235 : i32 to index
        %swap3A_294 = tpu.vector_load %arg29[%swap3A_293] {strides = array<i32>} : memref<2048xf32, #tpu.memory_space<vmem>>, vector<16xf32>,
        %swap3A_295 = vector.shape_cast %swap3A_294 : vector<16xf32> to vector<16xf32>
        %swap3A_296 = vector.shape_cast %mul3A_292 : vector<16xf32> to vector<16xf32>
        tpu.vector_store %arg29[%swap3A_293], %swap3A_296 {strides = array<i32>} : memref<2048xf32, #tpu.memory_space<vmem>>, vector<16xf32>,
        %scan3A_297 = arith.constant 0 : i32
        scf.yield %scan3A_297 : i32
      }
      %scan3A_230 = arith.constant 128 : i32
      "tpu.region"() ({
        %run_scoped3A = tpu.sem_alloc : memref<!tpu.dma_semaphore, #tpu.memory_space<semaphore_mem>>
        %dma_start3A_232 = tpu.memref_slice %arg13[%add3A_22] : memref<524288xf32, #tpu.memory_space<hbm>> -> memref<2048xf32, #tpu.memory_space<hbm>>
        %dma_start3A_233 = tpu.memref_slice %arg13[%add3A_22] : memref<524288xf32, #tpu.memory_space<hbm>> -> memref<2048xf32, #tpu.memory_space<hbm>>
        tpu.enqueue_dma source(%arg15 : memref<2048xf32, #tpu.memory_space<vmem>>) target(%dma_start3A_233 : memref<2048xf32, #tpu.memory_space<hbm>>) target_semaphore(%run_scoped3A : memref<!tpu.dma_semaphore, #tpu.memory_space<semaphore_mem>>)
        %dma_wait3A_234 = tpu.memref_slice %arg13[%add3A_22] : memref<524288xf32, #tpu.memory_space<hbm>> -> memref<2048xf32, #tpu.memory_space<hbm>>
        %dma_wait3A_235 = tpu.memref_slice %arg13[%add3A_22] : memref<524288xf32, #tpu.memory_space<hbm>> -> memref<2048xf32, #tpu.memory_space<hbm>>
        tpu.wait_dma2 semaphore(%run_scoped3A : memref<!tpu.dma_semaphore, #tpu.memory_space<semaphore_mem>>) src(%arg15 : memref<2048xf32, #tpu.memory_space<vmem>>) dst(%dma_wait3A_235 : memref<2048xf32, #tpu.memory_space<hbm>>)
        tpu.yield
      }) : () -> ()
      "tpu.region"() ({
        %run_scoped3A = tpu.sem_alloc : memref<!tpu.dma_semaphore, #tpu.memory_space<semaphore_mem>>
        %dma_start3A_232 = tpu.memref_slice %arg14[%add3A_22] : memref<524288xf32, #tpu.memory_space<hbm>> -> memref<2048xf32, #tpu.memory_space<hbm>>
        %dma_start3A_233 = tpu.memref_slice %arg14[%add3A_22] : memref<524288xf32, #tpu.memory_space<hbm>> -> memref<2048xf32, #tpu.memory_space<hbm>>
        tpu.enqueue_dma source(%arg29 : memref<2048xf32, #tpu.memory_space<vmem>>) target(%dma_start3A_233 : memref<2048xf32, #tpu.memory_space<hbm>>) target_semaphore(%run_scoped3A : memref<!tpu.dma_semaphore, #tpu.memory_space<semaphore_mem>>)
        %dma_wait3A_234 = tpu.memref_slice %arg14[%add3A_22] : memref<524288xf32, #tpu.memory_space<hbm>> -> memref<2048xf32, #tpu.memory_space<hbm>>
        %dma_wait3A_235 = tpu.memref_slice %arg14[%add3A_22] : memref<524288xf32, #tpu.memory_space<hbm>> -> memref<2048xf32, #tpu.memory_space<hbm>>
        tpu.wait_dma2 semaphore(%run_scoped3A : memref<!tpu.dma_semaphore, #tpu.memory_space<semaphore_mem>>) src(%arg29 : memref<2048xf32, #tpu.memory_space<vmem>>) dst(%dma_wait3A_235 : memref<2048xf32, #tpu.memory_space<hbm>>)
        tpu.yield
      }) : () -> ()
      %while3A_231 = arith.constant 0 : i32
      scf.yield %while3A_231 : i32
    }
    return
  }
}

module attributes {stable_mosaic.version = 14 : i64} {
  func.func @_prep0_kernel(%arg0: i32, %arg1: memref<5000x64xf32, #tpu.memory_space<vmem>>, %arg2: memref<5000x63xf32, #tpu.memory_space<vmem>>, %arg3: memref<1x5000x64xf32, #tpu.memory_space<vmem>>, %arg4: memref<1x5000x64xf32, #tpu.memory_space<vmem>>, %arg5: memref<1x5000x64xf32, #tpu.memory_space<vmem>>, %arg6: memref<1x5000x1xf32, #tpu.memory_space<vmem>>, %arg7: memref<5000x64xf32, #tpu.memory_space<vmem>>) attributes {dimension_semantics = [#tpu.dimension_semantics<arbitrary>], iteration_bounds = array<i64: 16>, scalar_prefetch = 0 : i64, scratch_operands = 0 : i64, tpu.core_type = #tpu.core_type<tc>, window_params = [{pipeline_mode = #tpu.pipeline_mode<synchronous>, transform_indices = @transform_0, window_bounds = array<i64: 5000, 64>}, {pipeline_mode = #tpu.pipeline_mode<synchronous>, transform_indices = @transform_1, window_bounds = array<i64: 5000, 63>}, {transform_indices = @transform_2, window_bounds = array<i64: 1, 5000, 64>}, {transform_indices = @transform_3, window_bounds = array<i64: 1, 5000, 64>}, {transform_indices = @transform_4, window_bounds = array<i64: 1, 5000, 64>}, {transform_indices = @transform_5, window_bounds = array<i64: 1, 5000, 1>}, {pipeline_mode = #tpu.pipeline_mode<synchronous>, transform_indices = @transform_6, window_bounds = array<i64: 5000, 64>}]} {
    %broadcast_in_dim3A = arith.constant 0.000000e+00 : f32
    %broadcast_in_dim3A_0 = vector.broadcast %broadcast_in_dim3A : f32 to vector<5000x1xf32>
    %get3A = arith.constant 0 : index
    %get3A_1 = arith.constant 0 : index
    %get3A_2 = vector.load %arg2[%get3A, %get3A_1] : memref<5000x63xf32, #tpu.memory_space<vmem>>, vector<5000x63xf32>
    %reduce_max3A = arith.constant dense<0xFF800000> : vector<5000xf32>
    %reduce_max3A_3 = vector.multi_reduction <maximumf>, %get3A_2, %reduce_max3A [1] : vector<5000x63xf32> to vector<5000xf32>
    %broadcast_in_dim3A_4 = vector.shape_cast %reduce_max3A_3 : vector<5000xf32> to vector<5000x1xf32>
    %sub3A = vector.broadcast %broadcast_in_dim3A_4 : vector<5000x1xf32> to vector<5000x63xf32>
    %sub3A_5 = arith.subf %get3A_2, %sub3A : vector<5000x63xf32>
    %exp3A = math.exp %sub3A_5 : vector<5000x63xf32>
    %reduce_sum3A = arith.constant dense<0.000000e+00> : vector<5000xf32>
    %reduce_sum3A_6 = vector.multi_reduction <add>, %exp3A, %reduce_sum3A [1] : vector<5000x63xf32> to vector<5000xf32>
    %broadcast_in_dim3A_7 = vector.shape_cast %reduce_sum3A_6 : vector<5000xf32> to vector<5000x1xf32>
    %div3A = vector.broadcast %broadcast_in_dim3A_7 : vector<5000x1xf32> to vector<5000x63xf32>
    %div3A_8 = arith.divf %exp3A, %div3A : vector<5000x63xf32>
    %concatenate3A = tpu.concatenate %broadcast_in_dim3A_0, %div3A_8 in 1 : vector<5000x1xf32>, vector<5000x63xf32> -> vector<5000x64xf32>
    %broadcast_in_dim3A_9 = arith.constant 0.000000e+00 : f32
    %broadcast_in_dim3A_10 = vector.broadcast %broadcast_in_dim3A_9 : f32 to vector<5000x1xf32>
    %slice3A = vector.extract_strided_slice %concatenate3A {offsets = [0, 0], sizes = [5000, 63], strides = [1, 1]} : vector<5000x64xf32> to vector<5000x63xf32>
    %concatenate3A_11 = tpu.concatenate %broadcast_in_dim3A_10, %slice3A in 1 : vector<5000x1xf32>, vector<5000x63xf32> -> vector<5000x64xf32>
    %add3A = arith.addf %concatenate3A, %concatenate3A_11 : vector<5000x64xf32>
    %broadcast_in_dim3A_12 = arith.constant 0.000000e+00 : f32
    %broadcast_in_dim3A_13 = vector.broadcast %broadcast_in_dim3A_12 : f32 to vector<5000x2xf32>
    %slice3A_14 = vector.extract_strided_slice %add3A {offsets = [0, 0], sizes = [5000, 62], strides = [1, 1]} : vector<5000x64xf32> to vector<5000x62xf32>
    %concatenate3A_15 = tpu.concatenate %broadcast_in_dim3A_13, %slice3A_14 in 1 : vector<5000x2xf32>, vector<5000x62xf32> -> vector<5000x64xf32>
    %add3A_16 = arith.addf %add3A, %concatenate3A_15 : vector<5000x64xf32>
    %broadcast_in_dim3A_17 = arith.constant 0.000000e+00 : f32
    %broadcast_in_dim3A_18 = vector.broadcast %broadcast_in_dim3A_17 : f32 to vector<5000x4xf32>
    %slice3A_19 = vector.extract_strided_slice %add3A_16 {offsets = [0, 0], sizes = [5000, 60], strides = [1, 1]} : vector<5000x64xf32> to vector<5000x60xf32>
    %concatenate3A_20 = tpu.concatenate %broadcast_in_dim3A_18, %slice3A_19 in 1 : vector<5000x4xf32>, vector<5000x60xf32> -> vector<5000x64xf32>
    %add3A_21 = arith.addf %add3A_16, %concatenate3A_20 : vector<5000x64xf32>
    %broadcast_in_dim3A_22 = arith.constant 0.000000e+00 : f32
    %broadcast_in_dim3A_23 = vector.broadcast %broadcast_in_dim3A_22 : f32 to vector<5000x8xf32>
    %slice3A_24 = vector.extract_strided_slice %add3A_21 {offsets = [0, 0], sizes = [5000, 56], strides = [1, 1]} : vector<5000x64xf32> to vector<5000x56xf32>
    %concatenate3A_25 = tpu.concatenate %broadcast_in_dim3A_23, %slice3A_24 in 1 : vector<5000x8xf32>, vector<5000x56xf32> -> vector<5000x64xf32>
    %add3A_26 = arith.addf %add3A_21, %concatenate3A_25 : vector<5000x64xf32>
    %broadcast_in_dim3A_27 = arith.constant 0.000000e+00 : f32
    %broadcast_in_dim3A_28 = vector.broadcast %broadcast_in_dim3A_27 : f32 to vector<5000x16xf32>
    %slice3A_29 = vector.extract_strided_slice %add3A_26 {offsets = [0, 0], sizes = [5000, 48], strides = [1, 1]} : vector<5000x64xf32> to vector<5000x48xf32>
    %concatenate3A_30 = tpu.concatenate %broadcast_in_dim3A_28, %slice3A_29 in 1 : vector<5000x16xf32>, vector<5000x48xf32> -> vector<5000x64xf32>
    %add3A_31 = arith.addf %add3A_26, %concatenate3A_30 : vector<5000x64xf32>
    %broadcast_in_dim3A_32 = arith.constant 0.000000e+00 : f32
    %broadcast_in_dim3A_33 = vector.broadcast %broadcast_in_dim3A_32 : f32 to vector<5000x32xf32>
    %slice3A_34 = vector.extract_strided_slice %add3A_31 {offsets = [0, 0], sizes = [5000, 32], strides = [1, 1]} : vector<5000x64xf32> to vector<5000x32xf32>
    %concatenate3A_35 = tpu.concatenate %broadcast_in_dim3A_33, %slice3A_34 in 1 : vector<5000x32xf32>, vector<5000x32xf32> -> vector<5000x64xf32>
    %add3A_36 = arith.addf %add3A_31, %concatenate3A_35 : vector<5000x64xf32>
    %swap3A = arith.constant 0 : index
    %swap3A_37 = arith.constant 0 : index
    %swap3A_38 = vector.load %arg7[%swap3A, %swap3A_37] : memref<5000x64xf32, #tpu.memory_space<vmem>>, vector<5000x64xf32>
    tpu.vector_store %arg7[%swap3A, %swap3A_37], %add3A_36 {strides = array<i32>} : memref<5000x64xf32, #tpu.memory_space<vmem>>, vector<5000x64xf32>,
    %get3A_39 = arith.constant 0 : index
    %get3A_40 = arith.constant 0 : index
    %get3A_41 = vector.load %arg1[%get3A_39, %get3A_40] : memref<5000x64xf32, #tpu.memory_space<vmem>>, vector<5000x64xf32>
    %get3A_42 = arith.constant 0 : index
    %get3A_43 = arith.constant 0 : index
    %get3A_44 = arith.constant 0 : index
    %get3A_45 = vector.load %arg3[%get3A_42, %get3A_43, %get3A_44] : memref<1x5000x64xf32, #tpu.memory_space<vmem>>, vector<1x5000x64xf32>
    %get3A_46 = vector.shape_cast %get3A_45 : vector<1x5000x64xf32> to vector<5000x64xf32>
    %add3A_47 = arith.addf %get3A_41, %get3A_46 : vector<5000x64xf32>
    %exp3A_48 = math.exp %add3A_47 : vector<5000x64xf32>
    %slice3A_49 = vector.extract_strided_slice %exp3A_48 {offsets = [0, 0], sizes = [5000, 63], strides = [1, 1]} : vector<5000x64xf32> to vector<5000x63xf32>
    %slice3A_50 = vector.extract_strided_slice %exp3A_48 {offsets = [0, 1], sizes = [5000, 63], strides = [1, 1]} : vector<5000x64xf32> to vector<5000x63xf32>
    %add3A_51 = arith.addf %slice3A_49, %slice3A_50 : vector<5000x63xf32>
    %mul3A = arith.constant 5.000000e-01 : f32
    %mul3A_52 = vector.broadcast %mul3A : f32 to vector<5000x63xf32>
    %mul3A_53 = arith.mulf %add3A_51, %mul3A_52 : vector<5000x63xf32>
    %mul3A_54 = arith.mulf %mul3A_53, %div3A_8 : vector<5000x63xf32>
    %reduce_sum3A_55 = arith.constant dense<0.000000e+00> : vector<5000xf32>
    %reduce_sum3A_56 = vector.multi_reduction <add>, %mul3A_54, %reduce_sum3A_55 [1] : vector<5000x63xf32> to vector<5000xf32>
    %broadcast_in_dim3A_57 = vector.shape_cast %reduce_sum3A_56 : vector<5000xf32> to vector<5000x1xf32>
    %mul3A_58 = arith.constant 2.000000e-04 : f32
    %mul3A_59 = vector.broadcast %mul3A_58 : f32 to vector<5000x1xf32>
    %mul3A_60 = arith.mulf %broadcast_in_dim3A_57, %mul3A_59 : vector<5000x1xf32>
    %reduce_sum3A_61 = vector.shape_cast %mul3A_60 : vector<5000x1xf32> to vector<1x5000x1xf32>
    %reduce_sum3A_62 = arith.constant dense<0.000000e+00> : vector<1xf32>
    %reduce_sum3A_63 = vector.multi_reduction <add>, %reduce_sum3A_61, %reduce_sum3A_62 [1, 2] : vector<1x5000x1xf32> to vector<1xf32>
    %reduce_sum3A_64 = vector.shape_cast %reduce_sum3A_63 : vector<1xf32> to vector<1x1x1xf32>
    %reduce_sum3A_65 = vector.extract %reduce_sum3A_64[0, 0, 0] : f32 from vector<1x1x1xf32>
    %div3A_66 = vector.broadcast %reduce_sum3A_65 : f32 to vector<5000x64xf32>
    %div3A_67 = arith.divf %exp3A_48, %div3A_66 : vector<5000x64xf32>
    %swap3A_68 = arith.constant 0 : index
    %swap3A_69 = arith.constant 0 : index
    %swap3A_70 = arith.constant 0 : index
    %swap3A_71 = vector.load %arg4[%swap3A_68, %swap3A_69, %swap3A_70] : memref<1x5000x64xf32, #tpu.memory_space<vmem>>, vector<1x5000x64xf32>
    %swap3A_72 = vector.shape_cast %swap3A_71 : vector<1x5000x64xf32> to vector<5000x64xf32>
    %swap3A_73 = vector.shape_cast %div3A_67 : vector<5000x64xf32> to vector<1x5000x64xf32>
    tpu.vector_store %arg4[%swap3A_68, %swap3A_69, %swap3A_70], %swap3A_73 {strides = array<i32>} : memref<1x5000x64xf32, #tpu.memory_space<vmem>>, vector<1x5000x64xf32>,
    %div3A_74 = vector.broadcast %reduce_sum3A_65 : f32 to vector<5000x1xf32>
    %div3A_75 = arith.divf %mul3A_60, %div3A_74 : vector<5000x1xf32>
    %swap3A_76 = arith.constant 0 : index
    %swap3A_77 = arith.constant 0 : index
    %swap3A_78 = arith.constant 0 : index
    %swap3A_79 = vector.load %arg6[%swap3A_76, %swap3A_77, %swap3A_78] : memref<1x5000x1xf32, #tpu.memory_space<vmem>>, vector<1x5000x1xf32>
    %swap3A_80 = vector.shape_cast %swap3A_79 : vector<1x5000x1xf32> to vector<5000x1xf32>
    %swap3A_81 = vector.shape_cast %div3A_75 : vector<5000x1xf32> to vector<1x5000x1xf32>
    tpu.vector_store %arg6[%swap3A_76, %swap3A_77, %swap3A_78], %swap3A_81 {strides = array<i32>} : memref<1x5000x1xf32, #tpu.memory_space<vmem>>, vector<1x5000x1xf32>,
    %div3A_82 = vector.broadcast %reduce_sum3A_65 : f32 to vector<5000x63xf32>
    %div3A_83 = arith.divf %mul3A_54, %div3A_82 : vector<5000x63xf32>
    %concatenate3A_84 = tpu.concatenate %broadcast_in_dim3A_0, %div3A_83 in 1 : vector<5000x1xf32>, vector<5000x63xf32> -> vector<5000x64xf32>
    %broadcast_in_dim3A_85 = arith.constant 0.000000e+00 : f32
    %broadcast_in_dim3A_86 = vector.broadcast %broadcast_in_dim3A_85 : f32 to vector<5000x1xf32>
    %slice3A_87 = vector.extract_strided_slice %concatenate3A_84 {offsets = [0, 0], sizes = [5000, 63], strides = [1, 1]} : vector<5000x64xf32> to vector<5000x63xf32>
    %concatenate3A_88 = tpu.concatenate %broadcast_in_dim3A_86, %slice3A_87 in 1 : vector<5000x1xf32>, vector<5000x63xf32> -> vector<5000x64xf32>
    %add3A_89 = arith.addf %concatenate3A_84, %concatenate3A_88 : vector<5000x64xf32>
    %broadcast_in_dim3A_90 = arith.constant 0.000000e+00 : f32
    %broadcast_in_dim3A_91 = vector.broadcast %broadcast_in_dim3A_90 : f32 to vector<5000x2xf32>
    %slice3A_92 = vector.extract_strided_slice %add3A_89 {offsets = [0, 0], sizes = [5000, 62], strides = [1, 1]} : vector<5000x64xf32> to vector<5000x62xf32>
    %concatenate3A_93 = tpu.concatenate %broadcast_in_dim3A_91, %slice3A_92 in 1 : vector<5000x2xf32>, vector<5000x62xf32> -> vector<5000x64xf32>
    %add3A_94 = arith.addf %add3A_89, %concatenate3A_93 : vector<5000x64xf32>
    %broadcast_in_dim3A_95 = arith.constant 0.000000e+00 : f32
    %broadcast_in_dim3A_96 = vector.broadcast %broadcast_in_dim3A_95 : f32 to vector<5000x4xf32>
    %slice3A_97 = vector.extract_strided_slice %add3A_94 {offsets = [0, 0], sizes = [5000, 60], strides = [1, 1]} : vector<5000x64xf32> to vector<5000x60xf32>
    %concatenate3A_98 = tpu.concatenate %broadcast_in_dim3A_96, %slice3A_97 in 1 : vector<5000x4xf32>, vector<5000x60xf32> -> vector<5000x64xf32>
    %add3A_99 = arith.addf %add3A_94, %concatenate3A_98 : vector<5000x64xf32>
    %broadcast_in_dim3A_100 = arith.constant 0.000000e+00 : f32
    %broadcast_in_dim3A_101 = vector.broadcast %broadcast_in_dim3A_100 : f32 to vector<5000x8xf32>
    %slice3A_102 = vector.extract_strided_slice %add3A_99 {offsets = [0, 0], sizes = [5000, 56], strides = [1, 1]} : vector<5000x64xf32> to vector<5000x56xf32>
    %concatenate3A_103 = tpu.concatenate %broadcast_in_dim3A_101, %slice3A_102 in 1 : vector<5000x8xf32>, vector<5000x56xf32> -> vector<5000x64xf32>
    %add3A_104 = arith.addf %add3A_99, %concatenate3A_103 : vector<5000x64xf32>
    %broadcast_in_dim3A_105 = arith.constant 0.000000e+00 : f32
    %broadcast_in_dim3A_106 = vector.broadcast %broadcast_in_dim3A_105 : f32 to vector<5000x16xf32>
    %slice3A_107 = vector.extract_strided_slice %add3A_104 {offsets = [0, 0], sizes = [5000, 48], strides = [1, 1]} : vector<5000x64xf32> to vector<5000x48xf32>
    %concatenate3A_108 = tpu.concatenate %broadcast_in_dim3A_106, %slice3A_107 in 1 : vector<5000x16xf32>, vector<5000x48xf32> -> vector<5000x64xf32>
    %add3A_109 = arith.addf %add3A_104, %concatenate3A_108 : vector<5000x64xf32>
    %broadcast_in_dim3A_110 = arith.constant 0.000000e+00 : f32
    %broadcast_in_dim3A_111 = vector.broadcast %broadcast_in_dim3A_110 : f32 to vector<5000x32xf32>
    %slice3A_112 = vector.extract_strided_slice %add3A_109 {offsets = [0, 0], sizes = [5000, 32], strides = [1, 1]} : vector<5000x64xf32> to vector<5000x32xf32>
    %concatenate3A_113 = tpu.concatenate %broadcast_in_dim3A_111, %slice3A_112 in 1 : vector<5000x32xf32>, vector<5000x32xf32> -> vector<5000x64xf32>
    %add3A_114 = arith.addf %add3A_109, %concatenate3A_113 : vector<5000x64xf32>
    %mul3A_115 = arith.constant 2.000000e-04 : f32
    %mul3A_116 = vector.broadcast %mul3A_115 : f32 to vector<5000x64xf32>
    %mul3A_117 = arith.mulf %add3A_114, %mul3A_116 : vector<5000x64xf32>
    %swap3A_118 = arith.constant 0 : index
    %swap3A_119 = arith.constant 0 : index
    %swap3A_120 = arith.constant 0 : index
    %swap3A_121 = vector.load %arg5[%swap3A_118, %swap3A_119, %swap3A_120] : memref<1x5000x64xf32, #tpu.memory_space<vmem>>, vector<1x5000x64xf32>
    %swap3A_122 = vector.shape_cast %swap3A_121 : vector<1x5000x64xf32> to vector<5000x64xf32>
    %swap3A_123 = vector.shape_cast %mul3A_117 : vector<5000x64xf32> to vector<1x5000x64xf32>
    tpu.vector_store %arg5[%swap3A_118, %swap3A_119, %swap3A_120], %swap3A_123 {strides = array<i32>} : memref<1x5000x64xf32, #tpu.memory_space<vmem>>, vector<1x5000x64xf32>,
    return
  }
  func.func @transform_0(%arg0: i32) -> (i32, i32) {
    %c0_i32 = arith.constant 0 : i32
    %c0_i32_0 = arith.constant 0 : i32
    %c0_i32_1 = arith.constant 0 : i32
    return %c0_i32, %c0_i32_0 : i32, i32
  }
  func.func @transform_1(%arg0: i32) -> (i32, i32) {
    %c0_i32 = arith.constant 0 : i32
    %c0_i32_0 = arith.constant 0 : i32
    %c0_i32_1 = arith.constant 0 : i32
    return %c0_i32, %c0_i32_0 : i32, i32
  }
  func.func @transform_2(%arg0: i32) -> (i32, i32, i32) {
    %c0_i32 = arith.constant 0 : i32
    %c0_i32_0 = arith.constant 0 : i32
    %c0_i32_1 = arith.constant 0 : i32
    return %arg0, %c0_i32, %c0_i32_0 : i32, i32, i32
  }
  func.func @transform_3(%arg0: i32) -> (i32, i32, i32) {
    %c0_i32 = arith.constant 0 : i32
    %c0_i32_0 = arith.constant 0 : i32
    %c0_i32_1 = arith.constant 0 : i32
    return %arg0, %c0_i32, %c0_i32_0 : i32, i32, i32
  }
  func.func @transform_4(%arg0: i32) -> (i32, i32, i32) {
    %c0_i32 = arith.constant 0 : i32
    %c0_i32_0 = arith.constant 0 : i32
    %c0_i32_1 = arith.constant 0 : i32
    return %arg0, %c0_i32, %c0_i32_0 : i32, i32, i32
  }
  func.func @transform_5(%arg0: i32) -> (i32, i32, i32) {
    %c0_i32 = arith.constant 0 : i32
    %c0_i32_0 = arith.constant 0 : i32
    %c0_i32_1 = arith.constant 0 : i32
    return %arg0, %c0_i32, %c0_i32_0 : i32, i32, i32
  }
  func.func @transform_6(%arg0: i32) -> (i32, i32) {
    %c0_i32 = arith.constant 0 : i32
    %c0_i32_0 = arith.constant 0 : i32
    %c0_i32_1 = arith.constant 0 : i32
    return %c0_i32, %c0_i32_0 : i32, i32
  }
}

module attributes {stable_mosaic.version = 14 : i64} {
  func.func @_prep1_kernel(%arg0: i32, %arg1: memref<5000x32xf32, #tpu.memory_space<vmem>>, %arg2: memref<5000x31xf32, #tpu.memory_space<vmem>>, %arg3: memref<1x5000x32xf32, #tpu.memory_space<vmem>>, %arg4: memref<1x5000x1xf32, #tpu.memory_space<vmem>>, %arg5: memref<1x5000x32xf32, #tpu.memory_space<vmem>>, %arg6: memref<1x5000x32xf32, #tpu.memory_space<vmem>>, %arg7: memref<1x5000x1xf32, #tpu.memory_space<vmem>>, %arg8: memref<5000x32xf32, #tpu.memory_space<vmem>>) attributes {dimension_semantics = [#tpu.dimension_semantics<arbitrary>], iteration_bounds = array<i64: 16>, scalar_prefetch = 0 : i64, scratch_operands = 0 : i64, tpu.core_type = #tpu.core_type<tc>, window_params = [{pipeline_mode = #tpu.pipeline_mode<synchronous>, transform_indices = @transform_0, window_bounds = array<i64: 5000, 32>}, {pipeline_mode = #tpu.pipeline_mode<synchronous>, transform_indices = @transform_1, window_bounds = array<i64: 5000, 31>}, {transform_indices = @transform_2, window_bounds = array<i64: 1, 5000, 32>}, {transform_indices = @transform_3, window_bounds = array<i64: 1, 5000, 1>}, {transform_indices = @transform_4, window_bounds = array<i64: 1, 5000, 32>}, {transform_indices = @transform_5, window_bounds = array<i64: 1, 5000, 32>}, {transform_indices = @transform_6, window_bounds = array<i64: 1, 5000, 1>}, {pipeline_mode = #tpu.pipeline_mode<synchronous>, transform_indices = @transform_7, window_bounds = array<i64: 5000, 32>}]} {
    %broadcast_in_dim3A = arith.constant 0.000000e+00 : f32
    %broadcast_in_dim3A_0 = vector.broadcast %broadcast_in_dim3A : f32 to vector<5000x1xf32>
    %get3A = arith.constant 0 : index
    %get3A_1 = arith.constant 0 : index
    %get3A_2 = arith.constant 0 : index
    %get3A_3 = vector.load %arg4[%get3A, %get3A_1, %get3A_2] : memref<1x5000x1xf32, #tpu.memory_space<vmem>>, vector<1x5000x1xf32>
    %get3A_4 = vector.shape_cast %get3A_3 : vector<1x5000x1xf32> to vector<5000x1xf32>
    %get3A_5 = arith.constant 0 : index
    %get3A_6 = arith.constant 0 : index
    %get3A_7 = vector.load %arg2[%get3A_5, %get3A_6] : memref<5000x31xf32, #tpu.memory_space<vmem>>, vector<5000x31xf32>
    %reduce_max3A = arith.constant dense<0xFF800000> : vector<5000xf32>
    %reduce_max3A_8 = vector.multi_reduction <maximumf>, %get3A_7, %reduce_max3A [1] : vector<5000x31xf32> to vector<5000xf32>
    %broadcast_in_dim3A_9 = vector.shape_cast %reduce_max3A_8 : vector<5000xf32> to vector<5000x1xf32>
    %sub3A = vector.broadcast %broadcast_in_dim3A_9 : vector<5000x1xf32> to vector<5000x31xf32>
    %sub3A_10 = arith.subf %get3A_7, %sub3A : vector<5000x31xf32>
    %exp3A = math.exp %sub3A_10 : vector<5000x31xf32>
    %reduce_sum3A = arith.constant dense<0.000000e+00> : vector<5000xf32>
    %reduce_sum3A_11 = vector.multi_reduction <add>, %exp3A, %reduce_sum3A [1] : vector<5000x31xf32> to vector<5000xf32>
    %broadcast_in_dim3A_12 = vector.shape_cast %reduce_sum3A_11 : vector<5000xf32> to vector<5000x1xf32>
    %div3A = vector.broadcast %broadcast_in_dim3A_12 : vector<5000x1xf32> to vector<5000x31xf32>
    %div3A_13 = arith.divf %exp3A, %div3A : vector<5000x31xf32>
    %concatenate3A = tpu.concatenate %broadcast_in_dim3A_0, %div3A_13 in 1 : vector<5000x1xf32>, vector<5000x31xf32> -> vector<5000x32xf32>
    %broadcast_in_dim3A_14 = arith.constant 0.000000e+00 : f32
    %broadcast_in_dim3A_15 = vector.broadcast %broadcast_in_dim3A_14 : f32 to vector<5000x1xf32>
    %slice3A = vector.extract_strided_slice %concatenate3A {offsets = [0, 0], sizes = [5000, 31], strides = [1, 1]} : vector<5000x32xf32> to vector<5000x31xf32>
    %concatenate3A_16 = tpu.concatenate %broadcast_in_dim3A_15, %slice3A in 1 : vector<5000x1xf32>, vector<5000x31xf32> -> vector<5000x32xf32>
    %add3A = arith.addf %concatenate3A, %concatenate3A_16 : vector<5000x32xf32>
    %broadcast_in_dim3A_17 = arith.constant 0.000000e+00 : f32
    %broadcast_in_dim3A_18 = vector.broadcast %broadcast_in_dim3A_17 : f32 to vector<5000x2xf32>
    %slice3A_19 = vector.extract_strided_slice %add3A {offsets = [0, 0], sizes = [5000, 30], strides = [1, 1]} : vector<5000x32xf32> to vector<5000x30xf32>
    %concatenate3A_20 = tpu.concatenate %broadcast_in_dim3A_18, %slice3A_19 in 1 : vector<5000x2xf32>, vector<5000x30xf32> -> vector<5000x32xf32>
    %add3A_21 = arith.addf %add3A, %concatenate3A_20 : vector<5000x32xf32>
    %broadcast_in_dim3A_22 = arith.constant 0.000000e+00 : f32
    %broadcast_in_dim3A_23 = vector.broadcast %broadcast_in_dim3A_22 : f32 to vector<5000x4xf32>
    %slice3A_24 = vector.extract_strided_slice %add3A_21 {offsets = [0, 0], sizes = [5000, 28], strides = [1, 1]} : vector<5000x32xf32> to vector<5000x28xf32>
    %concatenate3A_25 = tpu.concatenate %broadcast_in_dim3A_23, %slice3A_24 in 1 : vector<5000x4xf32>, vector<5000x28xf32> -> vector<5000x32xf32>
    %add3A_26 = arith.addf %add3A_21, %concatenate3A_25 : vector<5000x32xf32>
    %broadcast_in_dim3A_27 = arith.constant 0.000000e+00 : f32
    %broadcast_in_dim3A_28 = vector.broadcast %broadcast_in_dim3A_27 : f32 to vector<5000x8xf32>
    %slice3A_29 = vector.extract_strided_slice %add3A_26 {offsets = [0, 0], sizes = [5000, 24], strides = [1, 1]} : vector<5000x32xf32> to vector<5000x24xf32>
    %concatenate3A_30 = tpu.concatenate %broadcast_in_dim3A_28, %slice3A_29 in 1 : vector<5000x8xf32>, vector<5000x24xf32> -> vector<5000x32xf32>
    %add3A_31 = arith.addf %add3A_26, %concatenate3A_30 : vector<5000x32xf32>
    %broadcast_in_dim3A_32 = arith.constant 0.000000e+00 : f32
    %broadcast_in_dim3A_33 = vector.broadcast %broadcast_in_dim3A_32 : f32 to vector<5000x16xf32>
    %slice3A_34 = vector.extract_strided_slice %add3A_31 {offsets = [0, 0], sizes = [5000, 16], strides = [1, 1]} : vector<5000x32xf32> to vector<5000x16xf32>
    %concatenate3A_35 = tpu.concatenate %broadcast_in_dim3A_33, %slice3A_34 in 1 : vector<5000x16xf32>, vector<5000x16xf32> -> vector<5000x32xf32>
    %add3A_36 = arith.addf %add3A_31, %concatenate3A_35 : vector<5000x32xf32>
    %swap3A = arith.constant 0 : index
    %swap3A_37 = arith.constant 0 : index
    %swap3A_38 = vector.load %arg8[%swap3A, %swap3A_37] : memref<5000x32xf32, #tpu.memory_space<vmem>>, vector<5000x32xf32>
    tpu.vector_store %arg8[%swap3A, %swap3A_37], %add3A_36 {strides = array<i32>} : memref<5000x32xf32, #tpu.memory_space<vmem>>, vector<5000x32xf32>,
    %get3A_39 = arith.constant 0 : index
    %get3A_40 = arith.constant 0 : index
    %get3A_41 = vector.load %arg1[%get3A_39, %get3A_40] : memref<5000x32xf32, #tpu.memory_space<vmem>>, vector<5000x32xf32>
    %get3A_42 = arith.constant 0 : index
    %get3A_43 = arith.constant 0 : index
    %get3A_44 = arith.constant 0 : index
    %get3A_45 = vector.load %arg3[%get3A_42, %get3A_43, %get3A_44] : memref<1x5000x32xf32, #tpu.memory_space<vmem>>, vector<1x5000x32xf32>
    %get3A_46 = vector.shape_cast %get3A_45 : vector<1x5000x32xf32> to vector<5000x32xf32>
    %add3A_47 = arith.addf %get3A_41, %get3A_46 : vector<5000x32xf32>
    %exp3A_48 = math.exp %add3A_47 : vector<5000x32xf32>
    %slice3A_49 = vector.extract_strided_slice %exp3A_48 {offsets = [0, 0], sizes = [5000, 31], strides = [1, 1]} : vector<5000x32xf32> to vector<5000x31xf32>
    %slice3A_50 = vector.extract_strided_slice %exp3A_48 {offsets = [0, 1], sizes = [5000, 31], strides = [1, 1]} : vector<5000x32xf32> to vector<5000x31xf32>
    %add3A_51 = arith.addf %slice3A_49, %slice3A_50 : vector<5000x31xf32>
    %mul3A = arith.constant 5.000000e-01 : f32
    %mul3A_52 = vector.broadcast %mul3A : f32 to vector<5000x31xf32>
    %mul3A_53 = arith.mulf %add3A_51, %mul3A_52 : vector<5000x31xf32>
    %mul3A_54 = arith.mulf %mul3A_53, %div3A_13 : vector<5000x31xf32>
    %reduce_sum3A_55 = arith.constant dense<0.000000e+00> : vector<5000xf32>
    %reduce_sum3A_56 = vector.multi_reduction <add>, %mul3A_54, %reduce_sum3A_55 [1] : vector<5000x31xf32> to vector<5000xf32>
    %broadcast_in_dim3A_57 = vector.shape_cast %reduce_sum3A_56 : vector<5000xf32> to vector<5000x1xf32>
    %mul3A_58 = arith.mulf %broadcast_in_dim3A_57, %get3A_4 : vector<5000x1xf32>
    %reduce_sum3A_59 = vector.shape_cast %mul3A_58 : vector<5000x1xf32> to vector<1x5000x1xf32>
    %reduce_sum3A_60 = arith.constant dense<0.000000e+00> : vector<1xf32>
    %reduce_sum3A_61 = vector.multi_reduction <add>, %reduce_sum3A_59, %reduce_sum3A_60 [1, 2] : vector<1x5000x1xf32> to vector<1xf32>
    %reduce_sum3A_62 = vector.shape_cast %reduce_sum3A_61 : vector<1xf32> to vector<1x1x1xf32>
    %reduce_sum3A_63 = vector.extract %reduce_sum3A_62[0, 0, 0] : f32 from vector<1x1x1xf32>
    %div3A_64 = vector.broadcast %reduce_sum3A_63 : f32 to vector<5000x32xf32>
    %div3A_65 = arith.divf %exp3A_48, %div3A_64 : vector<5000x32xf32>
    %swap3A_66 = arith.constant 0 : index
    %swap3A_67 = arith.constant 0 : index
    %swap3A_68 = arith.constant 0 : index
    %swap3A_69 = vector.load %arg5[%swap3A_66, %swap3A_67, %swap3A_68] : memref<1x5000x32xf32, #tpu.memory_space<vmem>>, vector<1x5000x32xf32>
    %swap3A_70 = vector.shape_cast %swap3A_69 : vector<1x5000x32xf32> to vector<5000x32xf32>
    %swap3A_71 = vector.shape_cast %div3A_65 : vector<5000x32xf32> to vector<1x5000x32xf32>
    tpu.vector_store %arg5[%swap3A_66, %swap3A_67, %swap3A_68], %swap3A_71 {strides = array<i32>} : memref<1x5000x32xf32, #tpu.memory_space<vmem>>, vector<1x5000x32xf32>,
    %div3A_72 = vector.broadcast %reduce_sum3A_63 : f32 to vector<5000x1xf32>
    %div3A_73 = arith.divf %mul3A_58, %div3A_72 : vector<5000x1xf32>
    %swap3A_74 = arith.constant 0 : index
    %swap3A_75 = arith.constant 0 : index
    %swap3A_76 = arith.constant 0 : index
    %swap3A_77 = vector.load %arg7[%swap3A_74, %swap3A_75, %swap3A_76] : memref<1x5000x1xf32, #tpu.memory_space<vmem>>, vector<1x5000x1xf32>
    %swap3A_78 = vector.shape_cast %swap3A_77 : vector<1x5000x1xf32> to vector<5000x1xf32>
    %swap3A_79 = vector.shape_cast %div3A_73 : vector<5000x1xf32> to vector<1x5000x1xf32>
    tpu.vector_store %arg7[%swap3A_74, %swap3A_75, %swap3A_76], %swap3A_79 {strides = array<i32>} : memref<1x5000x1xf32, #tpu.memory_space<vmem>>, vector<1x5000x1xf32>,
    %div3A_80 = vector.broadcast %reduce_sum3A_63 : f32 to vector<5000x31xf32>
    %div3A_81 = arith.divf %mul3A_54, %div3A_80 : vector<5000x31xf32>
    %concatenate3A_82 = tpu.concatenate %broadcast_in_dim3A_0, %div3A_81 in 1 : vector<5000x1xf32>, vector<5000x31xf32> -> vector<5000x32xf32>
    %broadcast_in_dim3A_83 = arith.constant 0.000000e+00 : f32
    %broadcast_in_dim3A_84 = vector.broadcast %broadcast_in_dim3A_83 : f32 to vector<5000x1xf32>
    %slice3A_85 = vector.extract_strided_slice %concatenate3A_82 {offsets = [0, 0], sizes = [5000, 31], strides = [1, 1]} : vector<5000x32xf32> to vector<5000x31xf32>
    %concatenate3A_86 = tpu.concatenate %broadcast_in_dim3A_84, %slice3A_85 in 1 : vector<5000x1xf32>, vector<5000x31xf32> -> vector<5000x32xf32>
    %add3A_87 = arith.addf %concatenate3A_82, %concatenate3A_86 : vector<5000x32xf32>
    %broadcast_in_dim3A_88 = arith.constant 0.000000e+00 : f32
    %broadcast_in_dim3A_89 = vector.broadcast %broadcast_in_dim3A_88 : f32 to vector<5000x2xf32>
    %slice3A_90 = vector.extract_strided_slice %add3A_87 {offsets = [0, 0], sizes = [5000, 30], strides = [1, 1]} : vector<5000x32xf32> to vector<5000x30xf32>
    %concatenate3A_91 = tpu.concatenate %broadcast_in_dim3A_89, %slice3A_90 in 1 : vector<5000x2xf32>, vector<5000x30xf32> -> vector<5000x32xf32>
    %add3A_92 = arith.addf %add3A_87, %concatenate3A_91 : vector<5000x32xf32>
    %broadcast_in_dim3A_93 = arith.constant 0.000000e+00 : f32
    %broadcast_in_dim3A_94 = vector.broadcast %broadcast_in_dim3A_93 : f32 to vector<5000x4xf32>
    %slice3A_95 = vector.extract_strided_slice %add3A_92 {offsets = [0, 0], sizes = [5000, 28], strides = [1, 1]} : vector<5000x32xf32> to vector<5000x28xf32>
    %concatenate3A_96 = tpu.concatenate %broadcast_in_dim3A_94, %slice3A_95 in 1 : vector<5000x4xf32>, vector<5000x28xf32> -> vector<5000x32xf32>
    %add3A_97 = arith.addf %add3A_92, %concatenate3A_96 : vector<5000x32xf32>
    %broadcast_in_dim3A_98 = arith.constant 0.000000e+00 : f32
    %broadcast_in_dim3A_99 = vector.broadcast %broadcast_in_dim3A_98 : f32 to vector<5000x8xf32>
    %slice3A_100 = vector.extract_strided_slice %add3A_97 {offsets = [0, 0], sizes = [5000, 24], strides = [1, 1]} : vector<5000x32xf32> to vector<5000x24xf32>
    %concatenate3A_101 = tpu.concatenate %broadcast_in_dim3A_99, %slice3A_100 in 1 : vector<5000x8xf32>, vector<5000x24xf32> -> vector<5000x32xf32>
    %add3A_102 = arith.addf %add3A_97, %concatenate3A_101 : vector<5000x32xf32>
    %broadcast_in_dim3A_103 = arith.constant 0.000000e+00 : f32
    %broadcast_in_dim3A_104 = vector.broadcast %broadcast_in_dim3A_103 : f32 to vector<5000x16xf32>
    %slice3A_105 = vector.extract_strided_slice %add3A_102 {offsets = [0, 0], sizes = [5000, 16], strides = [1, 1]} : vector<5000x32xf32> to vector<5000x16xf32>
    %concatenate3A_106 = tpu.concatenate %broadcast_in_dim3A_104, %slice3A_105 in 1 : vector<5000x16xf32>, vector<5000x16xf32> -> vector<5000x32xf32>
    %add3A_107 = arith.addf %add3A_102, %concatenate3A_106 : vector<5000x32xf32>
    %mul3A_108 = vector.broadcast %get3A_4 : vector<5000x1xf32> to vector<5000x32xf32>
    %mul3A_109 = arith.mulf %add3A_107, %mul3A_108 : vector<5000x32xf32>
    %swap3A_110 = arith.constant 0 : index
    %swap3A_111 = arith.constant 0 : index
    %swap3A_112 = arith.constant 0 : index
    %swap3A_113 = vector.load %arg6[%swap3A_110, %swap3A_111, %swap3A_112] : memref<1x5000x32xf32, #tpu.memory_space<vmem>>, vector<1x5000x32xf32>
    %swap3A_114 = vector.shape_cast %swap3A_113 : vector<1x5000x32xf32> to vector<5000x32xf32>
    %swap3A_115 = vector.shape_cast %mul3A_109 : vector<5000x32xf32> to vector<1x5000x32xf32>
    tpu.vector_store %arg6[%swap3A_110, %swap3A_111, %swap3A_112], %swap3A_115 {strides = array<i32>} : memref<1x5000x32xf32, #tpu.memory_space<vmem>>, vector<1x5000x32xf32>,
    return
  }
  func.func @transform_0(%arg0: i32) -> (i32, i32) {
    %c0_i32 = arith.constant 0 : i32
    %c0_i32_0 = arith.constant 0 : i32
    %c0_i32_1 = arith.constant 0 : i32
    return %c0_i32, %c0_i32_0 : i32, i32
  }
  func.func @transform_1(%arg0: i32) -> (i32, i32) {
    %c0_i32 = arith.constant 0 : i32
    %c0_i32_0 = arith.constant 0 : i32
    %c0_i32_1 = arith.constant 0 : i32
    return %c0_i32, %c0_i32_0 : i32, i32
  }
  func.func @transform_2(%arg0: i32) -> (i32, i32, i32) {
    %c0_i32 = arith.constant 0 : i32
    %c0_i32_0 = arith.constant 0 : i32
    %c0_i32_1 = arith.constant 0 : i32
    return %arg0, %c0_i32, %c0_i32_0 : i32, i32, i32
  }
  func.func @transform_3(%arg0: i32) -> (i32, i32, i32) {
    %c0_i32 = arith.constant 0 : i32
    %c0_i32_0 = arith.constant 0 : i32
    %c0_i32_1 = arith.constant 0 : i32
    return %arg0, %c0_i32, %c0_i32_0 : i32, i32, i32
  }
  func.func @transform_4(%arg0: i32) -> (i32, i32, i32) {
    %c0_i32 = arith.constant 0 : i32
    %c0_i32_0 = arith.constant 0 : i32
    %c0_i32_1 = arith.constant 0 : i32
    return %arg0, %c0_i32, %c0_i32_0 : i32, i32, i32
  }
  func.func @transform_5(%arg0: i32) -> (i32, i32, i32) {
    %c0_i32 = arith.constant 0 : i32
    %c0_i32_0 = arith.constant 0 : i32
    %c0_i32_1 = arith.constant 0 : i32
    return %arg0, %c0_i32, %c0_i32_0 : i32, i32, i32
  }
  func.func @transform_6(%arg0: i32) -> (i32, i32, i32) {
    %c0_i32 = arith.constant 0 : i32
    %c0_i32_0 = arith.constant 0 : i32
    %c0_i32_1 = arith.constant 0 : i32
    return %arg0, %c0_i32, %c0_i32_0 : i32, i32, i32
  }
  func.func @transform_7(%arg0: i32) -> (i32, i32) {
    %c0_i32 = arith.constant 0 : i32
    %c0_i32_0 = arith.constant 0 : i32
    %c0_i32_1 = arith.constant 0 : i32
    return %c0_i32, %c0_i32_0 : i32, i32
  }
}

module attributes {stable_mosaic.version = 14 : i64} {
  func.func @_bl_kernel(%arg0: i32, %arg1: memref<1x5000x1xf32, #tpu.memory_space<vmem>>, %arg2: memref<1x5000x64xf32, #tpu.memory_space<vmem>>, %arg3: memref<1x5000x1xf32, #tpu.memory_space<vmem>>, %arg4: memref<1x5000x32xf32, #tpu.memory_space<vmem>>, %arg5: memref<1x5000x64xf32, #tpu.memory_space<vmem>>, %arg6: memref<1x5000x32xf32, #tpu.memory_space<vmem>>) attributes {dimension_semantics = [#tpu.dimension_semantics<arbitrary>], iteration_bounds = array<i64: 16>, scalar_prefetch = 0 : i64, scratch_operands = 0 : i64, tpu.core_type = #tpu.core_type<tc>, window_params = [{transform_indices = @transform_0, window_bounds = array<i64: 1, 5000, 1>}, {transform_indices = @transform_1, window_bounds = array<i64: 1, 5000, 64>}, {transform_indices = @transform_2, window_bounds = array<i64: 1, 5000, 1>}, {transform_indices = @transform_3, window_bounds = array<i64: 1, 5000, 32>}, {transform_indices = @transform_4, window_bounds = array<i64: 1, 5000, 64>}, {transform_indices = @transform_5, window_bounds = array<i64: 1, 5000, 32>}]} {
    %get3A = arith.constant 0 : index
    %get3A_0 = arith.constant 0 : index
    %get3A_1 = arith.constant 0 : index
    %get3A_2 = vector.load %arg1[%get3A, %get3A_0, %get3A_1] : memref<1x5000x1xf32, #tpu.memory_space<vmem>>, vector<1x5000x1xf32>
    %get3A_3 = vector.shape_cast %get3A_2 : vector<1x5000x1xf32> to vector<5000x1xf32>
    %get3A_4 = arith.constant 0 : index
    %get3A_5 = arith.constant 0 : index
    %get3A_6 = arith.constant 0 : index
    %get3A_7 = vector.load %arg2[%get3A_4, %get3A_5, %get3A_6] : memref<1x5000x64xf32, #tpu.memory_space<vmem>>, vector<1x5000x64xf32>
    %get3A_8 = vector.shape_cast %get3A_7 : vector<1x5000x64xf32> to vector<5000x64xf32>
    %add3A = vector.broadcast %get3A_3 : vector<5000x1xf32> to vector<5000x64xf32>
    %add3A_9 = arith.addf %add3A, %get3A_8 : vector<5000x64xf32>
    %swap3A = arith.constant 0 : index
    %swap3A_10 = arith.constant 0 : index
    %swap3A_11 = arith.constant 0 : index
    %swap3A_12 = vector.load %arg5[%swap3A, %swap3A_10, %swap3A_11] : memref<1x5000x64xf32, #tpu.memory_space<vmem>>, vector<1x5000x64xf32>
    %swap3A_13 = vector.shape_cast %swap3A_12 : vector<1x5000x64xf32> to vector<5000x64xf32>
    %swap3A_14 = vector.shape_cast %add3A_9 : vector<5000x64xf32> to vector<1x5000x64xf32>
    tpu.vector_store %arg5[%swap3A, %swap3A_10, %swap3A_11], %swap3A_14 {strides = array<i32>} : memref<1x5000x64xf32, #tpu.memory_space<vmem>>, vector<1x5000x64xf32>,
    %get3A_15 = arith.constant 0 : index
    %get3A_16 = arith.constant 0 : index
    %get3A_17 = arith.constant 0 : index
    %get3A_18 = vector.load %arg3[%get3A_15, %get3A_16, %get3A_17] : memref<1x5000x1xf32, #tpu.memory_space<vmem>>, vector<1x5000x1xf32>
    %get3A_19 = vector.shape_cast %get3A_18 : vector<1x5000x1xf32> to vector<5000x1xf32>
    %get3A_20 = arith.constant 0 : index
    %get3A_21 = arith.constant 0 : index
    %get3A_22 = arith.constant 0 : index
    %get3A_23 = vector.load %arg4[%get3A_20, %get3A_21, %get3A_22] : memref<1x5000x32xf32, #tpu.memory_space<vmem>>, vector<1x5000x32xf32>
    %get3A_24 = vector.shape_cast %get3A_23 : vector<1x5000x32xf32> to vector<5000x32xf32>
    %add3A_25 = vector.broadcast %get3A_19 : vector<5000x1xf32> to vector<5000x32xf32>
    %add3A_26 = arith.addf %add3A_25, %get3A_24 : vector<5000x32xf32>
    %swap3A_27 = arith.constant 0 : index
    %swap3A_28 = arith.constant 0 : index
    %swap3A_29 = arith.constant 0 : index
    %swap3A_30 = vector.load %arg6[%swap3A_27, %swap3A_28, %swap3A_29] : memref<1x5000x32xf32, #tpu.memory_space<vmem>>, vector<1x5000x32xf32>
    %swap3A_31 = vector.shape_cast %swap3A_30 : vector<1x5000x32xf32> to vector<5000x32xf32>
    %swap3A_32 = vector.shape_cast %add3A_26 : vector<5000x32xf32> to vector<1x5000x32xf32>
    tpu.vector_store %arg6[%swap3A_27, %swap3A_28, %swap3A_29], %swap3A_32 {strides = array<i32>} : memref<1x5000x32xf32, #tpu.memory_space<vmem>>, vector<1x5000x32xf32>,
    return
  }
  func.func @transform_0(%arg0: i32) -> (i32, i32, i32) {
    %c0_i32 = arith.constant 0 : i32
    %c0_i32_0 = arith.constant 0 : i32
    %c0_i32_1 = arith.constant 0 : i32
    return %arg0, %c0_i32, %c0_i32_0 : i32, i32, i32
  }
  func.func @transform_1(%arg0: i32) -> (i32, i32, i32) {
    %c0_i32 = arith.constant 0 : i32
    %c0_i32_0 = arith.constant 0 : i32
    %c0_i32_1 = arith.constant 0 : i32
    return %arg0, %c0_i32, %c0_i32_0 : i32, i32, i32
  }
  func.func @transform_2(%arg0: i32) -> (i32, i32, i32) {
    %c0_i32 = arith.constant 0 : i32
    %c0_i32_0 = arith.constant 0 : i32
    %c0_i32_1 = arith.constant 0 : i32
    return %arg0, %c0_i32, %c0_i32_0 : i32, i32, i32
  }
  func.func @transform_3(%arg0: i32) -> (i32, i32, i32) {
    %c0_i32 = arith.constant 0 : i32
    %c0_i32_0 = arith.constant 0 : i32
    %c0_i32_1 = arith.constant 0 : i32
    return %arg0, %c0_i32, %c0_i32_0 : i32, i32, i32
  }
  func.func @transform_4(%arg0: i32) -> (i32, i32, i32) {
    %c0_i32 = arith.constant 0 : i32
    %c0_i32_0 = arith.constant 0 : i32
    %c0_i32_1 = arith.constant 0 : i32
    return %arg0, %c0_i32, %c0_i32_0 : i32, i32, i32
  }
  func.func @transform_5(%arg0: i32) -> (i32, i32, i32) {
    %c0_i32 = arith.constant 0 : i32
    %c0_i32_0 = arith.constant 0 : i32
    %c0_i32_1 = arith.constant 0 : i32
    return %arg0, %c0_i32, %c0_i32_0 : i32, i32, i32
  }
}

module attributes {stable_mosaic.version = 14 : i64} {
  func.func @_log_kernel(%arg0: memref<4096x128xf32, #tpu.memory_space<vmem>>, %arg1: memref<4096x128xf32, #tpu.memory_space<vmem>>) attributes {dimension_semantics = [], scalar_prefetch = 0 : i64, scratch_operands = 0 : i64, tpu.core_type = #tpu.core_type<tc>} {
    %get3A = arith.constant 0 : index
    %get3A_0 = arith.constant 0 : index
    %get3A_1 = vector.load %arg0[%get3A, %get3A_0] : memref<4096x128xf32, #tpu.memory_space<vmem>>, vector<4096x128xf32>
    %log3A = math.log %get3A_1 : vector<4096x128xf32>
    %swap3A = arith.constant 0 : index
    %swap3A_2 = arith.constant 0 : index
    %swap3A_3 = vector.load %arg1[%swap3A, %swap3A_2] : memref<4096x128xf32, #tpu.memory_space<vmem>>, vector<4096x128xf32>
    tpu.vector_store %arg1[%swap3A, %swap3A_2], %log3A {strides = array<i32>} : memref<4096x128xf32, #tpu.memory_space<vmem>>, vector<4096x128xf32>,
    return
  }
}

</mosaic_0001>

<sc_bundles>
// kernel: kernel.7.cloned.1.call-start
scs
__scs_entry_jumppad:
0x0: {  	(pc) =	sbr.rel $0x88, $3  }
0x1: {  	(tag) =	ssettag $0x0;
	lr =	simm.s32 $0x1  }
0x2: {  	[smem:$0x3F9B] =	sst lr;
	_ =	strace $0xD0000000  }
0x3: {  	_ = 	snop  }
0x4: {  	_ = 	snop  }
0x5: {  	_ = 	snop  }
0x6: {  	_ = 	snop  }
0x7: {  	_ = 	snop  }
__scs_overlays_trampoline_lowered:
0x8: {  	[smem:$0x3FAA] =	sst s0  }
0x9: {  	[smem:$0x3FAB] =	sst s1  }
0xa: {  	[smem:$0x3FAC] =	sst s2  }
0xb: {  	[smem:$0x3FAD] =	sst s3  }
0xc: {  	[smem:$0x3FAE] =	sst s4  }
0xd: {  	[smem:$0x3FAF] =	sst s5  }
0xe: {  	[smem:$0x3FB0] =	sst s6  }
0xf: {  	[smem:$0x3FB1] =	sst s7  }
0x10: {  	[smem:$0x3FB2] =	sst s8  }
0x11: {  	[smem:$0x3FB3] =	sst s9;
	s0 =	simm.s32 @!p0 $0x0  }
0x12: {  	s1 =	sld [smem:$0x3F99];
	s0 =	simm.s32 @p0 $0x1  }
0x13: {  	[smem:$0x3FB4] =	sst s0;
	s0 =	simm.s32 @!p1 $0x0  }
0x14: {  	s2 =	sld [smem:$0x3F98];
	s0 =	simm.s32 @p1 $0x1  }
0x15: {  	[smem:$0x3FB5] =	sst s0;
	s0 =	simm.s32 @!p2 $0x0  }
0x16: {  	s3 =	sld [smem:$0x3FDB];
	s0 =	simm.s32 @p2 $0x1  }
0x17: {  	s4 =	simm.s32 $0x1BF5;
	[smem:$0x3FB7] =	sst s0  }
0x18: {  	s0 =	sld [smem:$0x3F9A];
	_ =	swait.ge [sflag:s4], $0x0  }
0x19: {  	s7 =	sld [smem:$0x3F9B]  }
0x1a: {  	s8 =	sadd.s32 $0xFFFFE003, lr  }
0x1b: {  	s9 =	sadd.s32 $0xFFFFFEF7, lr;
	s5 =	simm.s32 $0xFFFFFFFF;
	p2 =	slt.u32 s8, $0xFFFFF086  }
0x1c: {  	p1 =	slt.u32 s9, $0xF7A;
	s5 =	simm.s32 @!p2 $0x0  }
0x1d: {  	s5 =	simm.s32 @p1 $0x1;
	p0 =	seq.s32 s7, s2  }
0x1e: {  	s7 =	smul.u32 @!p0 $0xF7A, s2;
	p2 =	seq.s32 @!p0 s5, $0x0  }
0x1f: {  	s9 =	smul.u32 $0xF7A, s1;
	s8 =	simm.s32 @!p0 $0x1BF5;
	p2 =	por !p2, p0  }
0x20: {  	[sflag:s8] =	ssyncset.s32 @!p0 $0xFFFFF086;
	s6 =	sadd.s32 @!p0 s3, s7;
	s7 =	simm.s32 @!p0 $0x108  }
0x21: {  	s3 =	sadd.s32 s3, s9;
	s6 =	sadd.s32 @!p0 $0x88, s6;
	s7 =	simm.s32 @p2 $0x1082  }
0x22: {  	[simem:s7], [sflag:s8] =	dma.local @!p0 [hbm:s6], $0xF7A  }
0x23: {  	s9 =	sor.u32 $0xD0000000, s2;
	s6 =	simm.s32 $0x108;
	_ =	swait.ge @!p0 [sflag:s8], $0x0  }
0x24: {  	s3 =	sadd.s32 $0x88, s3;
	s6 =	simm.s32 @!p1 $0x1082;
	[sflag:s4] =	ssyncset.s32 $0xFFFFF086  }
0x25: {  	[simem:s6], [sflag:s4] =	dma.local [hbm:s3], $0xF7A  }
0x26: {  	[smem:$0x3F9B] =	sst s1;
	(tag) =	ssettag s2;
	_ =	strace s9  }
0x27: {  	s1 =	sld [smem:$0x3FAB]  }
0x28: {  	s2 =	sld [smem:$0x3FAC]  }
0x29: {  	s4 =	sld [smem:$0x3FAE]  }
0x2a: {  	p0 =	seq.s32 s5, $0x0;
	s5 =	sld [smem:$0x3FAF]  }
0x2b: {  	s6 =	sld [smem:$0x3FB0]  }
0x2c: {  	s7 =	sld [smem:$0x3FB1]  }
0x2d: {  	s3 =	simm.s32 $0x108;
	s8 =	sld [smem:$0x3FB2]  }
0x2e: {  	s3 =	simm.s32 @!p0 $0x1082;
	s9 =	sld [smem:$0x3FB3]  }
0x2f: {  	lr =	sadd.s32 s0, s3;
	s0 =	sld [smem:$0x3FAA]  }
0x30: {  	s3 =	sld [smem:$0x3FAD]  }
0x31: {  	[smem:$0x3FB6] =	sst s10  }
0x32: {  	s10 =	sld [smem:$0x3FB4];
	_ =	sdelay $0x3  }
0x33: {  	p0 =	seq.s32 s10, $0x1;
	s10 =	sld [smem:$0x3FB6];
	_ =	sdelay $0x3  }
0x34: {  	[smem:$0x3FB6] =	sst s10  }
0x35: {  	s10 =	sld [smem:$0x3FB5];
	_ =	sdelay $0x3  }
0x36: {  	p1 =	seq.s32 s10, $0x1;
	s10 =	sld [smem:$0x3FB6];
	_ =	sdelay $0x3  }
0x37: {  	[smem:$0x3FB6] =	sst s10  }
0x38: {  	s10 =	sld [smem:$0x3FB7]  }
0x39: {  	_ = 	snop;
	(pc) =	sbr.ind lr, $3  }
0x3a: {  	_ = 	snop  }
0x3b: {  	_ = 	snop  }
0x3c: {  	p2 =	seq.s32 s10, $0x1;
	s10 =	sld [smem:$0x3FB6]  }
0x3d: {  	_ =	shalt  }
0x3e: {  	_ =	shalt  }
0x3f: {  	_ =	shalt  }
0x40: {  	_ =	shalt  }
0x41: {  	_ =	shalt  }
0x42: {  	_ =	shalt  }
0x43: {  	_ =	shalt  }
0x44: {  	_ =	shalt  }
0x45: {  	_ =	shalt  }
0x46: {  	_ =	shalt  }
0x47: {  	_ =	shalt  }
0x48: {  	_ =	shalt  }
0x49: {  	_ =	shalt  }
0x4a: {  	_ =	shalt  }
0x4b: {  	_ =	shalt  }
0x4c: {  	_ =	shalt  }
0x4d: {  	_ =	shalt  }
0x4e: {  	_ =	shalt  }
0x4f: {  	_ =	shalt  }
0x50: {  	_ =	shalt  }
0x51: {  	_ =	shalt  }
0x52: {  	_ =	shalt  }
0x53: {  	_ =	shalt  }
0x54: {  	_ =	shalt  }
0x55: {  	_ =	shalt  }
0x56: {  	_ =	shalt  }
0x57: {  	_ =	shalt  }
0x58: {  	_ =	shalt  }
0x59: {  	_ =	shalt  }
0x5a: {  	_ =	shalt  }
0x5b: {  	_ =	shalt  }
0x5c: {  	_ =	shalt  }
0x5d: {  	_ =	shalt  }
0x5e: {  	_ =	shalt  }
0x5f: {  	_ =	shalt  }
0x60: {  	_ =	shalt  }
0x61: {  	_ =	shalt  }
0x62: {  	_ =	shalt  }
0x63: {  	_ =	shalt  }
0x64: {  	_ =	shalt  }
0x65: {  	_ =	shalt  }
0x66: {  	_ =	shalt  }
0x67: {  	_ =	shalt  }
0x68: {  	_ =	shalt  }
0x69: {  	_ =	shalt  }
0x6a: {  	_ =	shalt  }
0x6b: {  	_ =	shalt  }
0x6c: {  	_ =	shalt  }
0x6d: {  	_ =	shalt  }
0x6e: {  	_ =	shalt  }
0x6f: {  	_ =	shalt  }
0x70: {  	_ =	shalt  }
0x71: {  	_ =	shalt  }
0x72: {  	_ =	shalt  }
0x73: {  	_ =	shalt  }
0x74: {  	_ =	shalt  }
0x75: {  	_ =	shalt  }
0x76: {  	_ =	shalt  }
0x77: {  	_ =	shalt  }
0x78: {  	_ =	shalt  }
0x79: {  	_ =	shalt  }
0x7a: {  	_ =	shalt  }
0x7b: {  	_ =	shalt  }
0x7c: {  	_ =	shalt  }
0x7d: {  	_ =	shalt  }
0x7e: {  	_ =	shalt  }
0x7f: {  	_ =	shalt  }
0x80: {  	_ =	shalt  }
0x81: {  	_ =	shalt  }
0x82: {  	_ =	shalt  }
0x83: {  	_ =	shalt  }
0x84: {  	_ =	shalt  }
0x85: {  	_ =	shalt  }
0x86: {  	_ =	shalt  }
0x87: {  	_ =	shalt  }
.Lfunc_end0:
.L_simem_size_0:
called_computation_lowered:
.L_overlay_start_0:
0x88: {  	s2 =	sld [smem:$0x3FD9]  }
0x89: {  	s3 =	sld [smem:$0x3FFE];
	_ =	sdelay $0x1  }
0x8a: {  	s1 =	srdreg.scid  }
0x8b: {  	s0 =	sand.u32 $0x1, s1  }
0x8c: {  	s14 =	sshll.u32 s0, $0xA;
	s2 =	sadd.s32 s3, s2  }
0x8d: {  	s2 =	sadd.s32 s2, s14  }
0x8e: {  	[smem:$0x3FC2] =	sst s2  }
0x8f: {  	_ = 	snop  }
0x90: {  	s2 =	sld [smem:$0x3FD0];
	_ =	sdelay $0x2  }
0x91: {  	s15 =	simm.s32 $0xA;
	s4 =	simm.s32 $0x10  }
0x92: {  	[smem:s4], [sflag:s15] =	dma.local [hbm:s2], $0x1  }
0x93: {  	_ =	swait.eq [sflag:s15], $0x1  }
0x94: {  	[sflag:s15] =	ssyncset.done $0x0  }
0x95: {  	s16 =	sld [smem:$0x10];
	[sflag:s15] =	ssyncadd.s32 $0xFFFFFFFF  }
0x96: {  	s17 =	sld [smem:$0x11];
	(tm) =	ssettm $0x1  }
0x97: {  	s18 =	sld [smem:$0x3FFB];
	_ =	sdelay $0x3  }
0x98: {  	_ =	strace s18  }
0x99: {  	s4 =	sld [smem:$0x3FFC];
	_ =	sdelay $0x3  }
0x9a: {  	_ =	strace s4  }
0x9b: {  	s4 =	sld [smem:$0x3FFD];
	_ =	sdelay $0x3  }
0x9c: {  	_ =	strace s4  }
0x9d: {  	_ =	strace $0x8FFFFFFF  }
0x9e: {  	s19 =	sld [smem:$0x3FDB];
	_ =	sdelay $0x1  }
0x9f: {  	s5 =	simm.s32 $_scs_section_size  }
0xa0: {  	s6 =	simm.s32 $_size__tile_overlayer_lowered;
	s7 =	simm.s32 $_tile_overlayer_lowered  }
0xa1: {  	s22 =	simm.s32 $0x1BFF;
	s21 =	sshll.u32 s7, $0x1;
	s4 =	sadd.s32 s5, s19  }
0xa2: {  	s8 =	simm.s32 $0x0;
	s20 =	sshll.u32 s6, $0x1;
	s6 =	sadd.s32 s21, s4  }
0xa3: {  	[timem:s8], [sflag:s22] =	dma.local [hbm:s6], s20  }
0xa4: {  	_ =	swait.ge [sflag:s22], s20  }
0xa5: {  	s5 =	ssub.s32 $0x0, s20;
	[sflag:s22] =	ssyncset.done $0x0  }
0xa6: {  	[sflag:s22] =	ssyncadd.s32 s5;
	_ =	sdelay $0x1  }
0xa7: {  	s23 =	simm.s32 $0x1B8B  }
0xa8: {  	_ =	swait.ge [sflag:s23], $0x1  }
0xa9: {  	[sflag:s23] =	ssyncset.done $0x0  }
0xaa: {  	s25 =	simm.s32 $0x1B8E;
	s24 =	sld [smem:$0x3FFE];
	[sflag:s23] =	ssyncadd.s32 $0xFFFFFFFF  }
0xab: {  	s26 =	simm.s32 $execute0_lowered;
	[smem:$0x3FD2] =	sst s25  }
0xac: {  	s6 =	sshll.u32 s26, $0x1;
	_ =	strace $0x80000046;
	[dreg:$0x1] =	wrdreg $0xFFFFFFFF  }
0xad: {  	s28 =	simm.s32 $_size_execute0_lowered;
	s4 =	sadd.s32 s4, s6;
	[dreg:$0x0] =	wrdreg $0x0  }
0xae: {  	s6 =	sshll.u32 s28, $0x1;
	[dreg:$0x2] =	wrdreg s4  }
0xaf: {  	[dreg:$0x3] =	wrdreg s6  }
0xb0: {  	[dreg:$0x4] =	wrdreg $0xC0  }
0xb1: {  	_ =	task [dreg:s8], $0x5FFFF  }
0xb2: {  	[dreg:$0x1] =	wrdreg $0xFFFFFFFF  }
0xb3: {  	[dreg:$0x0] =	wrdreg $0x60  }
0xb4: {  	[dreg:$0x2] =	wrdreg s24  }
0xb5: {  	[dreg:$0x3] =	wrdreg s17  }
0xb6: {  	[dreg:$0x4] =	wrdreg s16  }
0xb7: {  	[dreg:$0x5] =	wrdreg $0x9  }
0xb8: {  	_ =	task.clear_ibuf [dreg:s8], $0x6FFFF;
	_ =	strace $0x90000046  }
0xb9: {  	s29 =	simm.s32 $0x9;
	_ =	strace $0x80000048  }
0xba: {  	_ =	swait.ge [sflag:s29], $0x1  }
0xbb: {  	[sflag:s29] =	ssyncadd.s32 $0xFFFFFFFF  }
0xbc: {  	_ =	strace $0x90000048  }
0xbd: {  	_ =	sfence  }
0xbe: {  	s30 =	sld [smem:$0x0];
	_ =	sdelay $0x2  }
0xbf: {  	s31 =	sshll.u32 s1, $0xD;
	s1 =	sshrl.u32 s1, $0x2  }
0xc0: {  	s3 =	sand.u32 $0x4000, s31;
	s1 =	sadd.s32 s1, s30  }
0xc1: {  	s0 =	sor.u32 s3, s0;
	s1 =	sshll.u32 s1, $0x11  }
0xc2: {  	s0 =	sor.u32 s1, s0  }
0xc3: {  	s0 =	sadd.s32 $0x8F2B, s0  }
0xc4: {  	[sflag:s0] =	ssyncadd.remote.s32 $0x1  }
0xc5: {  	_ =	sfence.sel $0xFFFF  }
0xc6: {  	[dreg:$0x0] =	wrdreg $0xFFFFFFFF;
	(pc) =	sbr.abs _section_cstart, $3  }
0xc7: {  	[dreg:$0x1] =	wrdreg $0xFFFFFFFF  }
0xc8: {  	_ =	task.clear_ibuf [dreg:s8], $0x2FFFF;
	_ =	strace $0x9FFFFFFF  }
0xc9: {  	(tm) =	ssettm $0x7FFFFFFF  }
tec
execute0_lowered:
.L_overlay_start_1:
0x0: {  	(tag) =	ssettag $0x1  }
0x1: {  	s15 =	rddreg [dreg:$0x0]  }
0x2: {  	s2 =	rddreg [dreg:$0x1];
	s4 =	simm.s32 $0x0  }
0x3: {  	[smem:$0x7FF] =	sst s4  }
0x4: {  	s3 =	rddreg [dreg:$0x2];
	v0 =	vimm.f32 $5.000000000e+03;
	_ =	strace $0x80000047  }
0x5: {  	s0 =	srdreg.scid;
	s16 =	stileid.u32;
	(erf) = vrcp.f32 v0;
	v0 =	vimm.f32 $1.999999950e-04  }
0x6: {  	s18 =	simm.s32 $0x2;
	s19 =	simm.s32 $0x800;
	s21 =	simm.s32 $0x2800;
	(erf) = vrcp.f32 v0  }
0x7: {  	s22 =	simm.s32 $0x3800;
	s23 =	simm.s32 $0x1;
	s24 =	simm.s32 $0x4000  }
0x8: {  	s25 =	simm.s32 $0x3000;
	s26 =	simm.s32 $0x4800;
	s28 =	simm.s32 $0x5800  }
0x9: {  	s29 =	simm.s32 $0x5000;
	s5 =	sadd.s32 $0x22800, s15;
	s6 =	sadd.s32 $0x2800, s15  }
0xa: {  	s7 =	sadd.s32 $0x12800, s15;
	s8 =	sadd.s32 $0x35000, s15;
	s0 =	sand.u32 $0x1, s0  }
0xb: {  	s9 =	sadd.s32 $0xD1400, s15;
	s10 =	sadd.s32 $0x4E2000, s15;
	s1 =	ssub.s32 $0x2, s0  }
0xc: {  	s12 =	sadd.s32 $0x530200, s15;
	s13 =	sadd.s32 $0x32800, s15;
	s11 =	sshrl.u32 s1, $0x1  }
0xd: {  	s14 =	sadd.s32 $0x16D800, s15;
	s30 =	sshll.u32 s16, $0xB;
	s1 =	ssub.s32 s1, s11  }
0xe: {  	s15 =	sadd.s32 $0x17D800, s15;
	s0 =	sshll.u32 s0, $0xF;
	s31 =	smax.u32 s1, $0x1;
	v0 =	vpop (erf)  }
0xf: {  	v2 =	vimm.s32 $0x0;
	s16 =	sor.u32 s0, s30;
	s1 =	simm.s32 $0x0;
	[dreg:$0x4] =	wrdreg s31;
	v1 =	vpop (erf)  }
.LBB2_1:
0x10: {  	[dreg:$0x5] =	wrdreg s1;
	s17 =	simm.s32 $0x0  }
.LBB2_2:
0x11: {  	s1 =	sshll.u32 s17, $0x8  }
0x12: {  	s11 =	sadd.s32 s16, s1  }
0x13: {  	s20 =	simm.s32 $0x0;
	s1 =	sadd.s32 s5, s11  }
0x14: {  	[tilespmem:s20], [sflag:$0x2] =	stream.linear.gather [hbm4b:s1+s20], $0x800, $0x38;
	[tilespmem:$0x7800] =	vst v63  }
0x15: {  	_ =	swait.ge [sflag:s18], $0x800  }
0x16: {  	[sflag:s18] =	ssyncset.done $0x0  }
0x17: {  	s0 =	sadd.s32 s6, s11;
	[sflag:s18] =	ssyncadd.s32 $0xFFFFF800  }
0x18: {  	[tilespmem:s19], [sflag:$0x2] =	stream.linear.gather [hbm4b:s0+s20], $0x800, $0x38;
	[tilespmem:$0x7800] =	vst v63  }
0x19: {  	_ =	swait.ge [sflag:s18], $0x800  }
0x1a: {  	[sflag:s18] =	ssyncset.done $0x0  }
0x1b: {  	s31 =	sadd.s32 s7, s11;
	s0 =	simm.s32 $0x1000;
	[sflag:s18] =	ssyncadd.s32 $0xFFFFF800  }
0x1c: {  	[tilespmem:s0], [sflag:$0x2] =	stream.linear.gather [hbm4b:s31+s20], $0x800, $0x38;
	[tilespmem:$0x7800] =	vst v63  }
0x1d: {  	_ =	swait.ge [sflag:s18], $0x800  }
0x1e: {  	[sflag:s18] =	ssyncset.done $0x0  }
0x1f: {  	s1 =	simm.s32 $0x0;
	[sflag:s18] =	ssyncadd.s32 $0xFFFFF800  }
0x20: {  	v3 =	vld [tilespmem:s1+$0x1000];
	_ =	sdelay $0x3  }
0x21: {  	v4 =	vld [tilespmem:s1+$0x0]  }
0x22: {  	s20 =	simm.s32 $0x10;
	[tilespmem:s1+$0x2000] =	vst v2;
	v5 =	vcvt.s32.f32 v3  }
0x23: {  	v6 =	vshll.u32 v3, $0x6;
	v3 =	vld [tilespmem:s20+$0x1000]  }
0x24: {  	v5 =	vmul.f32 v5, v0  }
0x25: {  	[tilespmem:s20+$0x2000] =	vst v2;
	v6 =	vor.u32 $0x1F, v6  }
0x26: {  	[tilespmem:s1+$0x2800] =	vst v6;
	v5 =	vsub.f32 v4, v5  }
0x27: {  	s30 =	simm.s32 $0x80;
	v4 =	vld [tilespmem:s20+$0x0]  }
.LBB2_3:
0x28: {  	s31 =	sshra.s32 s30, $0x2;
	p0 =	sne.s32 s30, $0x1FC0;
	s30 =	sadd.s32 $0x40, s30;
	v6 =	vcvt.s32.f32 v3;
	v7 =	vshll.u32 v3, $0x6;
	v5 =	vmul.f32 v5, v1  }
.Ltmp0:
0x29: {  	v3 =	vld [tilespmem:s31+$0x1000];
	[tilespmem:s31+$0x2000] =	vst v2;
	v7 =	vor.u32 $0x1F, v7;
	(pc) =	sbr.rel @p0 .LBB2_3-.Ltmp0, $4  }
0x2a: {  	v6 =	vmul.f32 v6, v0;
	[tilespmem:s1+$0x1800] =	vst v5;
	s1 =	smov.u32 s20;
	s20 =	smov.u32 s31  }
0x2b: {  	[tilespmem:s1+$0x2800] =	vst v7  }
0x2c: {  	v5 =	vsub.f32 v4, v6  }
0x2d: {  	v4 =	vld [tilespmem:s20+$0x0]  }
0x2e: {  	v6 =	vcvt.s32.f32 v3;
	_ =	sdelay $0x1  }
0x2f: {  	v6 =	vmul.f32 v6, v0;
	_ =	sdelay $0x1  }
0x30: {  	v5 =	vmul.f32 v5, v1;
	v4 =	vsub.f32 v4, v6  }
0x31: {  	v3 =	vshll.u32 v3, $0x6  }
0x32: {  	v3 =	vor.u32 $0x1F, v3;
	[tilespmem:s1+$0x1800] =	vst v5;
	v4 =	vmul.f32 v4, v1  }
0x33: {  	[tilespmem:s20+$0x2800] =	vst v3  }
0x34: {  	[tilespmem:s20+$0x1800] =	vst v4  }
0x35: {  	[tilespmem:s22], [sflag:$0x1] =	stream.indirect.gather [hbm4b:s2+s19], $0x1, s21, s19, $0xb8;
	[tilespmem:$0x7800] =	vst v63  }
0x36: {  	_ =	swait.ge [sflag:s23], $0x800  }
0x37: {  	[sflag:s23] =	ssyncset.done $0x0  }
0x38: {  	s1 =	simm.s32 $0x0;
	[sflag:s23] =	ssyncadd.s32 $0xFFFFF800  }
0x39: {  	v4 =	vld [tilespmem:s1+$0x3800]  }
0x3a: {  	v6 =	vld [tilespmem:s1+$0x1800]  }
0x3b: {  	v3 =	vld [tilespmem:s1+$0x1000]  }
0x3c: {  	v5 =	vld [tilespmem:s1+$0x2000];
	_ =	sdelay $0x1  }
0x3d: {  	s30 =	simm.s32 $0x80;
	s20 =	simm.s32 $0x40  }
.LBB2_5:
0x3e: {  	p0 =	sne.s32 s30, $0x1FC0;
	s31 =	sshra.s32 s20, $0x2;
	vm0 =	vlt.f32 v4, v6;
	s20 =	smov.u32 s30  }
0x3f: {  	v4 =	vld [tilespmem:s31+$0x3800];
	v7 =	vsel vm0, $0x20, v2;
	v8 =	vshll.u32 v3, $0x6  }
.Ltmp1:
0x40: {  	v6 =	vld [tilespmem:s31+$0x1800];
	v5 =	vadd.s32 v5, v7;
	(pc) =	sbr.rel @p0 .LBB2_5-.Ltmp1, $4  }
0x41: {  	v3 =	vld [tilespmem:s31+$0x1000];
	[tilespmem:s1+$0x2000] =	vst v5;
	v7 =	vadd.s32 v8, v5  }
0x42: {  	v5 =	vld [tilespmem:s31+$0x2000];
	v7 =	vadd.s32 $0xF, v7  }
0x43: {  	[tilespmem:s1+$0x2800] =	vst v7;
	s1 =	smov.u32 s31  }
0x44: {  	s30 =	sadd.s32 $0x40, s30  }
0x45: {  	s20 =	sshra.s32 s20, $0x2;
	vm0 =	vlt.f32 v4, v6  }
0x46: {  	v4 =	vld [tilespmem:s20+$0x3800];
	v6 =	vsel vm0, $0x20, v2  }
0x47: {  	v7 =	vld [tilespmem:s20+$0x1800];
	v5 =	vadd.s32 v5, v6  }
0x48: {  	v6 =	vld [tilespmem:s20+$0x1000];
	[tilespmem:s1+$0x2000] =	vst v5  }
0x49: {  	v8 =	vld [tilespmem:s20+$0x2000];
	_ =	sdelay $0x2  }
0x4a: {  	v3 =	vshll.u32 v3, $0x6;
	vm15 =	vlt.f32 v4, v7  }
0x4b: {  	v3 =	vadd.s32 v3, v5;
	v4 =	vsel vm15, $0x20, v2  }
0x4c: {  	v3 =	vadd.s32 $0xF, v3;
	v5 =	vshll.u32 v6, $0x6;
	v4 =	vadd.s32 v8, v4  }
0x4d: {  	[tilespmem:s1+$0x2800] =	vst v3;
	v3 =	vadd.s32 v5, v4  }
0x4e: {  	[tilespmem:s20+$0x2000] =	vst v4;
	v3 =	vadd.s32 $0xF, v3  }
0x4f: {  	[tilespmem:s20+$0x2800] =	vst v3  }
0x50: {  	[tilespmem:s22], [sflag:$0x1] =	stream.indirect.gather [hbm4b:s2+s19], $0x1, s21, s19, $0xb8;
	[tilespmem:$0x7800] =	vst v63  }
0x51: {  	_ =	swait.ge [sflag:s23], $0x800  }
0x52: {  	[sflag:s23] =	ssyncset.done $0x0  }
0x53: {  	s1 =	simm.s32 $0x0;
	[sflag:s23] =	ssyncadd.s32 $0xFFFFF800  }
0x54: {  	v4 =	vld [tilespmem:s1+$0x3800]  }
0x55: {  	v6 =	vld [tilespmem:s1+$0x1800]  }
0x56: {  	v3 =	vld [tilespmem:s1+$0x1000]  }
0x57: {  	v5 =	vld [tilespmem:s1+$0x2000];
	_ =	sdelay $0x1  }
0x58: {  	s30 =	simm.s32 $0x80;
	s20 =	simm.s32 $0x40  }
.LBB2_7:
0x59: {  	p0 =	sne.s32 s30, $0x1FC0;
	s31 =	sshra.s32 s20, $0x2;
	vm0 =	vlt.f32 v4, v6;
	s20 =	smov.u32 s30  }
0x5a: {  	v4 =	vld [tilespmem:s31+$0x3800];
	v7 =	vsel vm0, $0x10, v2;
	v8 =	vshll.u32 v3, $0x6  }
.Ltmp2:
0x5b: {  	v6 =	vld [tilespmem:s31+$0x1800];
	v5 =	vadd.s32 v5, v7;
	(pc) =	sbr.rel @p0 .LBB2_7-.Ltmp2, $4  }
0x5c: {  	v3 =	vld [tilespmem:s31+$0x1000];
	[tilespmem:s1+$0x2000] =	vst v5;
	v7 =	vadd.s32 v8, v5  }
0x5d: {  	v5 =	vld [tilespmem:s31+$0x2000];
	v7 =	vadd.s32 $0x7, v7  }
0x5e: {  	[tilespmem:s1+$0x2800] =	vst v7;
	s1 =	smov.u32 s31  }
0x5f: {  	s30 =	sadd.s32 $0x40, s30  }
0x60: {  	s20 =	sshra.s32 s20, $0x2;
	vm0 =	vlt.f32 v4, v6  }
0x61: {  	v4 =	vld [tilespmem:s20+$0x3800];
	v6 =	vsel vm0, $0x10, v2  }
0x62: {  	v7 =	vld [tilespmem:s20+$0x1800];
	v5 =	vadd.s32 v5, v6  }
0x63: {  	v6 =	vld [tilespmem:s20+$0x1000];
	[tilespmem:s1+$0x2000] =	vst v5  }
0x64: {  	v8 =	vld [tilespmem:s20+$0x2000];
	_ =	sdelay $0x2  }
0x65: {  	v3 =	vshll.u32 v3, $0x6;
	vm15 =	vlt.f32 v4, v7  }
0x66: {  	v3 =	vadd.s32 v3, v5;
	v4 =	vsel vm15, $0x10, v2  }
0x67: {  	v3 =	vadd.s32 $0x7, v3;
	v5 =	vshll.u32 v6, $0x6;
	v4 =	vadd.s32 v8, v4  }
0x68: {  	[tilespmem:s1+$0x2800] =	vst v3;
	v3 =	vadd.s32 v5, v4  }
0x69: {  	[tilespmem:s20+$0x2000] =	vst v4;
	v3 =	vadd.s32 $0x7, v3  }
0x6a: {  	[tilespmem:s20+$0x2800] =	vst v3  }
0x6b: {  	[tilespmem:s22], [sflag:$0x1] =	stream.indirect.gather [hbm4b:s2+s19], $0x1, s21, s19, $0xb8;
	[tilespmem:$0x7800] =	vst v63  }
0x6c: {  	_ =	swait.ge [sflag:s23], $0x800  }
0x6d: {  	[sflag:s23] =	ssyncset.done $0x0  }
0x6e: {  	s1 =	simm.s32 $0x0;
	[sflag:s23] =	ssyncadd.s32 $0xFFFFF800  }
0x6f: {  	v4 =	vld [tilespmem:s1+$0x3800]  }
0x70: {  	v6 =	vld [tilespmem:s1+$0x1800]  }
0x71: {  	v3 =	vld [tilespmem:s1+$0x1000]  }
0x72: {  	v5 =	vld [tilespmem:s1+$0x2000];
	_ =	sdelay $0x1  }
0x73: {  	s30 =	simm.s32 $0x80;
	s20 =	simm.s32 $0x40  }
.LBB2_9:
0x74: {  	p0 =	sne.s32 s30, $0x1FC0;
	s31 =	sshra.s32 s20, $0x2;
	vm0 =	vlt.f32 v4, v6;
	s20 =	smov.u32 s30  }
0x75: {  	v4 =	vld [tilespmem:s31+$0x3800];
	v7 =	vsel vm0, $0x8, v2;
	v8 =	vshll.u32 v3, $0x6  }
.Ltmp3:
0x76: {  	v6 =	vld [tilespmem:s31+$0x1800];
	v5 =	vadd.s32 v5, v7;
	(pc) =	sbr.rel @p0 .LBB2_9-.Ltmp3, $4  }
0x77: {  	v3 =	vld [tilespmem:s31+$0x1000];
	[tilespmem:s1+$0x2000] =	vst v5;
	v7 =	vadd.s32 v8, v5  }
0x78: {  	v5 =	vld [tilespmem:s31+$0x2000];
	v7 =	vadd.s32 $0x3, v7  }
0x79: {  	[tilespmem:s1+$0x2800] =	vst v7;
	s1 =	smov.u32 s31  }
0x7a: {  	s30 =	sadd.s32 $0x40, s30  }
0x7b: {  	s20 =	sshra.s32 s20, $0x2;
	vm0 =	vlt.f32 v4, v6  }
0x7c: {  	v4 =	vld [tilespmem:s20+$0x3800];
	v6 =	vsel vm0, $0x8, v2  }
0x7d: {  	v7 =	vld [tilespmem:s20+$0x1800];
	v5 =	vadd.s32 v5, v6  }
0x7e: {  	v6 =	vld [tilespmem:s20+$0x1000];
	[tilespmem:s1+$0x2000] =	vst v5  }
0x7f: {  	v8 =	vld [tilespmem:s20+$0x2000];
	_ =	sdelay $0x2  }
0x80: {  	v3 =	vshll.u32 v3, $0x6;
	vm15 =	vlt.f32 v4, v7  }
0x81: {  	v3 =	vadd.s32 v3, v5;
	v4 =	vsel vm15, $0x8, v2  }
0x82: {  	v3 =	vadd.s32 $0x3, v3;
	v5 =	vshll.u32 v6, $0x6;
	v4 =	vadd.s32 v8, v4  }
0x83: {  	[tilespmem:s1+$0x2800] =	vst v3;
	v3 =	vadd.s32 v5, v4  }
0x84: {  	[tilespmem:s20+$0x2000] =	vst v4;
	v3 =	vadd.s32 $0x3, v3  }
0x85: {  	[tilespmem:s20+$0x2800] =	vst v3  }
0x86: {  	[tilespmem:s22], [sflag:$0x1] =	stream.indirect.gather [hbm4b:s2+s19], $0x1, s21, s19, $0xb8;
	[tilespmem:$0x7800] =	vst v63  }
0x87: {  	_ =	swait.ge [sflag:s23], $0x800  }
0x88: {  	[sflag:s23] =	ssyncset.done $0x0  }
0x89: {  	s1 =	simm.s32 $0x0;
	[sflag:s23] =	ssyncadd.s32 $0xFFFFF800  }
0x8a: {  	v4 =	vld [tilespmem:s1+$0x3800]  }
0x8b: {  	v6 =	vld [tilespmem:s1+$0x1800]  }
0x8c: {  	v3 =	vld [tilespmem:s1+$0x1000]  }
0x8d: {  	v5 =	vld [tilespmem:s1+$0x2000];
	_ =	sdelay $0x1  }
0x8e: {  	s30 =	simm.s32 $0x80;
	s20 =	simm.s32 $0x40  }
.LBB2_11:
0x8f: {  	p0 =	sne.s32 s30, $0x1FC0;
	s31 =	sshra.s32 s20, $0x2;
	vm0 =	vlt.f32 v4, v6;
	s20 =	smov.u32 s30  }
0x90: {  	v4 =	vld [tilespmem:s31+$0x3800];
	v7 =	vsel vm0, $0x4, v2;
	v8 =	vshll.u32 v3, $0x6  }
.Ltmp4:
0x91: {  	v6 =	vld [tilespmem:s31+$0x1800];
	v5 =	vadd.s32 v5, v7;
	(pc) =	sbr.rel @p0 .LBB2_11-.Ltmp4, $4  }
0x92: {  	v3 =	vld [tilespmem:s31+$0x1000];
	[tilespmem:s1+$0x2000] =	vst v5;
	v7 =	vadd.s32 v8, v5  }
0x93: {  	v5 =	vld [tilespmem:s31+$0x2000];
	v7 =	vadd.s32 $0x1, v7  }
0x94: {  	[tilespmem:s1+$0x2800] =	vst v7;
	s1 =	smov.u32 s31  }
0x95: {  	s30 =	sadd.s32 $0x40, s30  }
0x96: {  	s20 =	sshra.s32 s20, $0x2;
	vm0 =	vlt.f32 v4, v6  }
0x97: {  	v4 =	vld [tilespmem:s20+$0x3800];
	v6 =	vsel vm0, $0x4, v2  }
0x98: {  	v7 =	vld [tilespmem:s20+$0x1800];
	v5 =	vadd.s32 v5, v6  }
0x99: {  	v6 =	vld [tilespmem:s20+$0x1000];
	[tilespmem:s1+$0x2000] =	vst v5  }
0x9a: {  	v8 =	vld [tilespmem:s20+$0x2000];
	_ =	sdelay $0x2  }
0x9b: {  	v3 =	vshll.u32 v3, $0x6;
	vm0 =	vlt.f32 v4, v7  }
0x9c: {  	v3 =	vadd.s32 v3, v5;
	v4 =	vsel vm0, $0x4, v2  }
0x9d: {  	v3 =	vadd.s32 $0x1, v3;
	v5 =	vshll.u32 v6, $0x6;
	v4 =	vadd.s32 v8, v4  }
0x9e: {  	[tilespmem:s1+$0x2800] =	vst v3;
	v3 =	vadd.s32 v5, v4  }
0x9f: {  	[tilespmem:s20+$0x2000] =	vst v4;
	v3 =	vadd.s32 $0x1, v3  }
0xa0: {  	[tilespmem:s20+$0x2800] =	vst v3  }
0xa1: {  	[tilespmem:s22], [sflag:$0x1] =	stream.indirect.gather [hbm4b:s2+s19], $0x1, s21, s19, $0xb8;
	[tilespmem:$0x7800] =	vst v63  }
0xa2: {  	_ =	swait.ge [sflag:s23], $0x800  }
0xa3: {  	[sflag:s23] =	ssyncset.done $0x0  }
0xa4: {  	s1 =	simm.s32 $0x0;
	[sflag:s23] =	ssyncadd.s32 $0xFFFFF800  }
0xa5: {  	v5 =	vld [tilespmem:s1+$0x3800]  }
0xa6: {  	v6 =	vld [tilespmem:s1+$0x1800]  }
0xa7: {  	v3 =	vld [tilespmem:s1+$0x1000]  }
0xa8: {  	v4 =	vld [tilespmem:s1+$0x2000];
	_ =	sdelay $0x2  }
0xa9: {  	s30 =	simm.s32 $0x80;
	s20 =	simm.s32 $0x10;
	vm0 =	vlt.f32 v5, v6  }
.LBB2_13:
0xaa: {  	p0 =	sne.s32 s30, $0x1FC0;
	v5 =	vld [tilespmem:s20+$0x3800];
	v6 =	vsel vm0, $0x2, v2;
	v7 =	vshll.u32 v3, $0x6  }
0xab: {  	v8 =	vld [tilespmem:s20+$0x1800];
	v4 =	vadd.s32 v4, v6  }
.Ltmp5:
0xac: {  	v3 =	vld [tilespmem:s20+$0x1000];
	[tilespmem:s1+$0x2000] =	vst v4;
	v6 =	vadd.s32 v4, v7;
	(pc) =	sbr.rel @p0 .LBB2_13-.Ltmp5, $2  }
0xad: {  	v4 =	vld [tilespmem:s20+$0x2000];
	[tilespmem:s1+$0x2800] =	vst v6;
	s1 =	smov.u32 s20;
	_ =	sdelay $0x2  }
0xae: {  	s20 =	sshra.s32 s30, $0x2;
	s30 =	sadd.s32 $0x40, s30;
	vm0 =	vlt.f32 v5, v8  }
0xaf: {  	v5 =	vld [tilespmem:s20+$0x3800];
	v6 =	vsel vm0, $0x2, v2  }
0xb0: {  	v7 =	vld [tilespmem:s20+$0x1800];
	v4 =	vadd.s32 v4, v6  }
0xb1: {  	v6 =	vld [tilespmem:s20+$0x1000];
	[tilespmem:s1+$0x2000] =	vst v4  }
0xb2: {  	v8 =	vld [tilespmem:s20+$0x2000];
	_ =	sdelay $0x2  }
0xb3: {  	v3 =	vshll.u32 v3, $0x6;
	vm0 =	vlt.f32 v5, v7  }
0xb4: {  	v3 =	vadd.s32 v4, v3;
	v4 =	vsel vm0, $0x2, v2  }
0xb5: {  	[tilespmem:s1+$0x2800] =	vst v3;
	v3 =	vshll.u32 v6, $0x6;
	v4 =	vadd.s32 v8, v4  }
0xb6: {  	[tilespmem:s20+$0x2000] =	vst v4;
	v3 =	vadd.s32 v4, v3  }
0xb7: {  	[tilespmem:s20+$0x2800] =	vst v3  }
0xb8: {  	[tilespmem:s22], [sflag:$0x1] =	stream.indirect.gather [hbm4b:s2+s19], $0x1, s21, s19, $0xb8;
	[tilespmem:$0x7800] =	vst v63  }
0xb9: {  	_ =	swait.ge [sflag:s23], $0x800  }
0xba: {  	[sflag:s23] =	ssyncset.done $0x0  }
0xbb: {  	s1 =	simm.s32 $0x0;
	[sflag:s23] =	ssyncadd.s32 $0xFFFFF800  }
0xbc: {  	v3 =	vld [tilespmem:s1+$0x3800]  }
0xbd: {  	v4 =	vld [tilespmem:s1+$0x1800];
	_ =	sdelay $0x1  }
0xbe: {  	v5 =	vld [tilespmem:s1+$0x2000]  }
0xbf: {  	v6 =	vld [tilespmem:s1+$0x1000]  }
0xc0: {  	v7 =	vld [tilespmem:s1+$0x800]  }
0xc1: {  	vm0 =	vlt.f32 v3, v4  }
0xc2: {  	v3 =	vsel vm0, $0x1, v2  }
0xc3: {  	v3 =	vadd.s32 v3, v5  }
0xc4: {  	v5 =	vadd.s32 $0xFFFFFFFF, v3  }
0xc5: {  	s30 =	simm.s32 $0x80;
	s20 =	simm.s32 $0x10;
	v4 =	vshll.u32 v6, $0x6;
	v3 =	vshll.u32 v7, $0x6;
	vm0 =	vgt.s32 v5, $0x0  }
.LBB2_15:
0xc6: {  	p0 =	sne.s32 s30, $0x1FC0;
	v6 =	vld [tilespmem:s20+$0x3800];
	v5 =	vnsel vm0, $0x0, v5  }
0xc7: {  	v7 =	vld [tilespmem:s20+$0x1800];
	v5 =	vmin.u32 v5, $0x3E  }
0xc8: {  	v8 =	vld [tilespmem:s20+$0x1000];
	[tilespmem:s1+$0x2000] =	vst v5;
	v4 =	vor.u32 v4, v5;
	v3 =	vor.u32 v5, v3  }
0xc9: {  	v5 =	vld [tilespmem:s20+$0x2000];
	[tilespmem:s1+$0x2800] =	vst v4  }
0xca: {  	v9 =	vld [tilespmem:s20+$0x800];
	[tilespmem:s1+$0x3000] =	vst v3;
	s1 =	smov.u32 s20;
	_ =	sdelay $0x1  }
.Ltmp6:
0xcb: {  	vm0 =	vlt.f32 v6, v7;
	(pc) =	sbr.rel @p0 .LBB2_15-.Ltmp6, $4  }
0xcc: {  	v3 =	vsel vm0, $0x1, v2;
	v4 =	vshll.u32 v8, $0x6  }
0xcd: {  	v3 =	vadd.s32 v3, v5  }
0xce: {  	v5 =	vadd.s32 $0xFFFFFFFF, v3;
	v3 =	vshll.u32 v9, $0x6  }
0xcf: {  	s20 =	sshra.s32 s30, $0x2;
	s30 =	sadd.s32 $0x40, s30;
	vm0 =	vgt.s32 v5, $0x0  }
0xd0: {  	v6 =	vld [tilespmem:s20+$0x3800];
	v5 =	vnsel vm0, $0x0, v5  }
0xd1: {  	v7 =	vld [tilespmem:s20+$0x1800];
	v5 =	vmin.u32 v5, $0x3E  }
0xd2: {  	v8 =	vld [tilespmem:s20+$0x1000];
	[tilespmem:s1+$0x2000] =	vst v5  }
0xd3: {  	v9 =	vld [tilespmem:s20+$0x2000];
	_ =	sdelay $0x2  }
0xd4: {  	v4 =	vor.u32 v4, v5;
	vm14 =	vlt.f32 v6, v7  }
0xd5: {  	[tilespmem:s1+$0x2800] =	vst v4;
	v4 =	vsel vm14, $0x1, v2  }
0xd6: {  	v63 =	vld [tilespmem:s20+$0x800];
	v4 =	vadd.s32 v4, v9  }
0xd7: {  	v4 =	vadd.s32 $0xFFFFFFFF, v4  }
0xd8: {  	vm15 =	vgt.s32 v4, $0x0  }
0xd9: {  	v3 =	vor.u32 v5, v3;
	v4 =	vnsel vm15, $0x0, v4  }
0xda: {  	[tilespmem:s1+$0x3000] =	vst v3;
	v3 =	vshll.u32 v8, $0x6;
	v4 =	vmin.u32 v4, $0x3E  }
0xdb: {  	v5 =	vshll.u32 v63, $0x6;
	[tilespmem:s20+$0x2000] =	vst v4;
	v3 =	vor.u32 v3, v4  }
0xdc: {  	v4 =	vor.u32 v4, v5;
	[tilespmem:s20+$0x2800] =	vst v3  }
0xdd: {  	[tilespmem:s20+$0x3000] =	vst v4  }
0xde: {  	[tilespmem:s24], [sflag:$0x1] =	stream.indirect.gather [hbm4b:s2+s19], $0x1, s21, s19, $0xb8;
	[tilespmem:$0x7800] =	vst v63  }
0xdf: {  	_ =	swait.ge [sflag:s23], $0x800  }
0xe0: {  	[sflag:s23] =	ssyncset.done $0x0  }
0xe1: {  	[sflag:s23] =	ssyncadd.s32 $0xFFFFF800  }
0xe2: {  	[tilespmem:s26], [sflag:$0x1] =	stream.indirect.gather [hbm4b:s8+s19], $0x1, s25, s19, $0xb8;
	[tilespmem:$0x7800] =	vst v63  }
0xe3: {  	_ =	swait.ge [sflag:s23], $0x800  }
0xe4: {  	[sflag:s23] =	ssyncset.done $0x0  }
0xe5: {  	[sflag:s23] =	ssyncadd.s32 $0xFFFFF800  }
0xe6: {  	[tilespmem:s28], [sflag:$0x1] =	stream.indirect.gather [hbm4b:s9+s19], $0x1, s25, s19, $0xb8;
	[tilespmem:$0x7800] =	vst v63  }
0xe7: {  	_ =	swait.ge [sflag:s23], $0x800  }
0xe8: {  	[sflag:s23] =	ssyncset.done $0x0  }
0xe9: {  	s1 =	simm.s32 $0x0;
	[sflag:s23] =	ssyncadd.s32 $0xFFFFF800  }
0xea: {  	s20 =	simm.s32 $0x40;
	v3 =	vld [tilespmem:s1+$0x2800]  }
.LBB2_17:
0xeb: {  	p0 =	sne.s32 s20, $0x1FC0;
	v4 =	vld [tilespmem:s1+$0x3000];
	_ =	sdelay $0x1  }
.Ltmp7:
0xec: {  	(pc) =	sbr.rel @p0 .LBB2_17-.Ltmp7, $4  }
0xed: {  	_ = 	snop  }
0xee: {  	v3 =	vadd.s32 $0x1, v3  }
0xef: {  	s30 =	sshra.s32 s20, $0x2;
	[tilespmem:s1+$0x2800] =	vst v3;
	v4 =	vadd.s32 $0x1, v4  }
0xf0: {  	s20 =	sadd.s32 $0x40, s20;
	v3 =	vld [tilespmem:s30+$0x2800];
	[tilespmem:s1+$0x3000] =	vst v4;
	s1 =	smov.u32 s30  }
0xf1: {  	v4 =	vld [tilespmem:s1+$0x3000];
	_ =	sdelay $0x3  }
0xf2: {  	v3 =	vadd.s32 $0x1, v3  }
0xf3: {  	[tilespmem:s1+$0x2800] =	vst v3;
	v3 =	vadd.s32 $0x1, v4  }
0xf4: {  	[tilespmem:s1+$0x3000] =	vst v3  }
0xf5: {  	[tilespmem:s22], [sflag:$0x1] =	stream.indirect.gather [hbm4b:s2+s19], $0x1, s21, s19, $0xb8;
	[tilespmem:$0x7800] =	vst v63  }
0xf6: {  	_ =	swait.ge [sflag:s23], $0x800  }
0xf7: {  	[sflag:s23] =	ssyncset.done $0x0  }
0xf8: {  	[sflag:s23] =	ssyncadd.s32 $0xFFFFF800  }
0xf9: {  	[tilespmem:s29], [sflag:$0x1] =	stream.indirect.gather [hbm4b:s8+s19], $0x1, s25, s19, $0xb8;
	[tilespmem:$0x7800] =	vst v63  }
0xfa: {  	_ =	swait.ge [sflag:s23], $0x800  }
0xfb: {  	[sflag:s23] =	ssyncset.done $0x0  }
0xfc: {  	s1 =	simm.s32 $0x0;
	[sflag:s23] =	ssyncadd.s32 $0xFFFFF800  }
0xfd: {  	v4 =	vld [tilespmem:s1+$0x4000]  }
0xfe: {  	v3 =	vld [tilespmem:s1+$0x3800];
	_ =	sdelay $0x4  }
0xff: {  	v3 =	vsub.f32 v3, v4;
	_ =	sdelay $0x1  }
0x100: {  	v5 =	vld [tilespmem:s1+$0x1000];
	v3 =	vmul.f32 $1.999999950e-04, v3;
	_ =	sdelay $0x1  }
0x101: {  	v6 =	vmax.f32 v3, $9.999999960e-13  }
0x102: {  	(erf) = vrcp.f32 v6;
	_ =	sdelay $0x1  }
0x103: {  	v5 =	vcvt.s32.f32 v5  }
0x104: {  	v6 =	vld [tilespmem:s1+$0x0]  }
0x105: {  	v4 =	vmul.f32 $1.999999950e-04, v4;
	v5 =	vmul.f32 v5, v0;
	_ =	sdelay $0x1  }
0x106: {  	v4 =	vadd.f32 v4, v5;
	_ =	sdelay $0x1  }
0x107: {  	v4 =	vsub.f32 v6, v4  }
0x108: {  	v6 =	vpop (erf)  }
0x109: {  	s20 =	simm.s32 $0x10;
	v5 =	vld [tilespmem:s1+$0x4800];
	v6 =	vmul.f32 v6, v4  }
0x10a: {  	s30 =	simm.s32 $0x80;
	v4 =	vld [tilespmem:s20+$0x4000]  }
.LBB2_19:
0x10b: {  	p0 =	sne.s32 s30, $0x1FC0;
	v7 =	vld [tilespmem:s20+$0x3800];
	v6 =	vmax.f32 v6, $0.0e+00  }
0x10c: {  	v6 =	vmin.f32 v6, $1.000000000e+00;
	v8 =	vld [tilespmem:s1+$0x5000]  }
0x10d: {  	v9 =	vmul.f32 $5.000000000e-01, v6  }
0x10e: {  	v10 =	vld [tilespmem:s1+$0x5800]  }
0x10f: {  	v11 =	vmul.f32 v6, v3;
	v9 =	vmul.f32 v9, v6  }
0x110: {  	v7 =	vsub.f32 v7, v4  }
0x111: {  	v11 =	vmul.f32 v11, v5;
	v8 =	vsub.f32 v8, v5;
	v9 =	vmul.f32 v9, v3  }
0x112: {  	v12 =	vld [tilespmem:s20+$0x1000];
	v3 =	vmul.f32 $1.999999950e-04, v7  }
0x113: {  	v7 =	vadd.f32 v11, v10;
	v9 =	vmul.f32 v9, v8;
	v6 =	vmul.f32 v6, v8  }
0x114: {  	v8 =	vmax.f32 v3, $9.999999960e-13  }
0x115: {  	(erf) = vrcp.f32 v8;
	v7 =	vadd.f32 v9, v7;
	v5 =	vadd.f32 v6, v5;
	_ =	sdelay $0x1  }
0x116: {  	v6 =	vcvt.s32.f32 v12;
	[tilespmem:s1+$0x0] =	vst v7;
	v5 =	vmax.f32 v5, $9.999999960e-13  }
0x117: {  	v7 =	vld [tilespmem:s20+$0x0];
	[tilespmem:s1+$0x7000] =	vst v5;
	s1 =	smov.u32 s20  }
0x118: {  	v4 =	vmul.f32 $1.999999950e-04, v4;
	v5 =	vmul.f32 v6, v0;
	_ =	sdelay $0x1  }
0x119: {  	v4 =	vadd.f32 v4, v5  }
.Ltmp8:
0x11a: {  	(pc) =	sbr.rel @p0 .LBB2_19-.Ltmp8, $4  }
0x11b: {  	v4 =	vsub.f32 v7, v4  }
0x11c: {  	v5 =	vpop (erf)  }
0x11d: {  	s20 =	sshra.s32 s30, $0x2;
	v6 =	vmul.f32 v5, v4;
	v5 =	vld [tilespmem:s1+$0x4800]  }
0x11e: {  	s30 =	sadd.s32 $0x40, s30;
	v4 =	vld [tilespmem:s20+$0x4000]  }
0x11f: {  	v7 =	vld [tilespmem:s20+$0x3800];
	v6 =	vmax.f32 v6, $0.0e+00  }
0x120: {  	v8 =	vld [tilespmem:s1+$0x5000];
	v6 =	vmin.f32 v6, $1.000000000e+00  }
0x121: {  	v9 =	vmul.f32 $5.000000000e-01, v6  }
0x122: {  	v10 =	vld [tilespmem:s1+$0x5800]  }
0x123: {  	v11 =	vmul.f32 v6, v3;
	v9 =	vmul.f32 v9, v6  }
0x124: {  	v7 =	vsub.f32 v7, v4  }
0x125: {  	v59 =	vld [tilespmem:s20+$0x1000];
	v11 =	vmul.f32 v11, v5;
	v8 =	vsub.f32 v8, v5;
	v3 =	vmul.f32 v9, v3  }
0x126: {  	v7 =	vmul.f32 $1.999999950e-04, v7  }
0x127: {  	v10 =	vadd.f32 v11, v10;
	v3 =	vmul.f32 v3, v8  }
0x128: {  	v60 =	vmax.f32 v7, $9.999999960e-13  }
0x129: {  	(erf) = vrcp.f32 v60;
	v3 =	vadd.f32 v3, v10  }
0x12a: {  	v9 =	vcvt.s32.f32 v59  }
0x12b: {  	[tilespmem:s1+$0x0] =	vst v3  }
0x12c: {  	v4 =	vmul.f32 $1.999999950e-04, v4;
	v9 =	vmul.f32 v9, v0;
	v3 =	vld [tilespmem:s20+$0x0]  }
0x12d: {  	v6 =	vmul.f32 v6, v8  }
0x12e: {  	v4 =	vadd.f32 v4, v9  }
0x12f: {  	v5 =	vadd.f32 v6, v5;
	_ =	sdelay $0x1  }
0x130: {  	v5 =	vmax.f32 v5, $9.999999960e-13;
	v3 =	vsub.f32 v3, v4  }
0x131: {  	[tilespmem:s1+$0x7000] =	vst v5;
	v4 =	vpop (erf)  }
0x132: {  	v5 =	vld [tilespmem:s20+$0x5000];
	v3 =	vmul.f32 v4, v3  }
0x133: {  	v4 =	vld [tilespmem:s20+$0x4800]  }
0x134: {  	v3 =	vmax.f32 v3, $0.0e+00  }
0x135: {  	v3 =	vmin.f32 v3, $1.000000000e+00  }
0x136: {  	v6 =	vmul.f32 $5.000000000e-01, v3  }
0x137: {  	v8 =	vld [tilespmem:s20+$0x5800];
	v61 =	vmul.f32 v3, v7  }
0x138: {  	v5 =	vsub.f32 v5, v4;
	v6 =	vmul.f32 v6, v3  }
0x139: {  	v9 =	vmul.f32 v61, v4  }
0x13a: {  	v3 =	vmul.f32 v3, v5;
	v6 =	vmul.f32 v6, v7;
	_ =	sdelay $0x1  }
0x13b: {  	v7 =	vadd.f32 v9, v8;
	v3 =	vadd.f32 v3, v4;
	v6 =	vmul.f32 v6, v5;
	_ =	sdelay $0x1  }
0x13c: {  	v3 =	vmax.f32 v3, $9.999999960e-13;
	v5 =	vadd.f32 v6, v7  }
0x13d: {  	[tilespmem:s20+$0x7000] =	vst v3  }
0x13e: {  	s0 =	simm.s32 $0x6000;
	[tilespmem:s20+$0x0] =	vst v5  }
0x13f: {  	[tilespmem:s0], [sflag:$0x1] =	stream.indirect.gather [hbm4b:s13+s19], $0x1, s19, s19, $0xb8;
	[tilespmem:$0x7800] =	vst v63  }
0x140: {  	_ =	swait.ge [sflag:s23], $0x800  }
0x141: {  	[sflag:s23] =	ssyncset.done $0x0  }
0x142: {  	[sflag:s23] =	ssyncadd.s32 $0xFFFFF800  }
0x143: {  	s20 =	simm.s32 $0x6800;
	s1 =	rddreg [dreg:$0x0]  }
0x144: {  	[tilespmem:s20], [sflag:$0x1] =	stream.indirect.gather [hbm4b:s1+s19], $0x1, s19, s19, $0xb8;
	[tilespmem:$0x7800] =	vst v63  }
0x145: {  	_ =	swait.ge [sflag:s23], $0x800  }
0x146: {  	[sflag:s23] =	ssyncset.done $0x0  }
0x147: {  	s20 =	simm.s32 $0x0;
	[sflag:s23] =	ssyncadd.s32 $0xFFFFF800  }
0x148: {  	v3 =	vld [tilespmem:s20+$0x6800];
	_ =	sdelay $0x4  }
0x149: {  	(erf) = vrcp.f32 v3;
	_ =	sdelay $0x1  }
0x14a: {  	v4 =	vld [tilespmem:s20+$0x1000]  }
0x14b: {  	s1 =	simm.s32 $0x10;
	[tilespmem:s20+$0x2000] =	vst v2  }
0x14c: {  	v7 =	vld [tilespmem:s1+$0x6800];
	[tilespmem:s1+$0x2000] =	vst v2  }
0x14d: {  	v5 =	vld [tilespmem:s20+$0x0]  }
0x14e: {  	v6 =	vld [tilespmem:s20+$0x6000]  }
0x14f: {  	v8 =	vld [tilespmem:s1+$0x1000];
	v3 =	vshll.u32 v4, $0x5  }
0x150: {  	v3 =	vor.u32 $0xF, v3  }
0x151: {  	s30 =	simm.s32 $0x20;
	[tilespmem:s20+$0x2800] =	vst v3;
	v63 =	vpop (erf);
	(erf) = vrcp.f32 v7  }
0x152: {  	v4 =	vld [tilespmem:s30+$0x6800];
	[tilespmem:s30+$0x2000] =	vst v2  }
0x153: {  	v62 =	vsub.f32 v5, v6;
	v3 =	vld [tilespmem:s1+$0x0]  }
0x154: {  	v8 =	vshll.u32 v8, $0x5;
	v5 =	vld [tilespmem:s1+$0x6000]  }
0x155: {  	v8 =	vor.u32 $0xF, v8;
	v6 =	vld [tilespmem:s30+$0x1000];
	v7 =	vmul.f32 v63, v62  }
0x156: {  	s31 =	simm.s32 $0xC0;
	[tilespmem:s1+$0x2800] =	vst v8  }
.LBB2_21:
0x157: {  	s0 =	sshra.s32 s31, $0x2;
	p0 =	sne.s32 s31, $0x1FC0;
	s31 =	sadd.s32 $0x40, s31;
	(erf) = vrcp.f32 v4;
	[tilespmem:s20+$0x1800] =	vst v7  }
.Ltmp9:
0x158: {  	s20 =	smov.u32 s1;
	s1 =	smov.u32 s30;
	v4 =	vld [tilespmem:s0+$0x6800];
	[tilespmem:s0+$0x2000] =	vst v2;
	(pc) =	sbr.rel @p0 .LBB2_21-.Ltmp9, $4  }
0x159: {  	s30 =	smov.u32 s0;
	v7 =	vsub.f32 v3, v5;
	v3 =	vld [tilespmem:s1+$0x0]  }
0x15a: {  	v5 =	vld [tilespmem:s1+$0x6000];
	v8 =	vshll.u32 v6, $0x5;
	v9 =	vpop (erf)  }
0x15b: {  	v6 =	vld [tilespmem:s30+$0x1000];
	v8 =	vor.u32 $0xF, v8;
	v7 =	vmul.f32 v9, v7  }
0x15c: {  	[tilespmem:s1+$0x2800] =	vst v8  }
0x15d: {  	(erf) = vrcp.f32 v4  }
0x15e: {  	[tilespmem:s20+$0x1800] =	vst v7  }
0x15f: {  	v4 =	vld [tilespmem:s30+$0x0]  }
0x160: {  	v7 =	vld [tilespmem:s30+$0x6000];
	_ =	sdelay $0x3  }
0x161: {  	v3 =	vsub.f32 v3, v5  }
0x162: {  	v5 =	vshll.u32 v6, $0x5;
	v6 =	vpop (erf);
	v4 =	vsub.f32 v4, v7  }
0x163: {  	v5 =	vor.u32 $0xF, v5;
	v3 =	vmul.f32 v6, v3;
	v6 =	vpop (erf)  }
0x164: {  	[tilespmem:s30+$0x2800] =	vst v5;
	v4 =	vmul.f32 v6, v4  }
0x165: {  	[tilespmem:s1+$0x1800] =	vst v3  }
0x166: {  	[tilespmem:s30+$0x1800] =	vst v4  }
0x167: {  	[tilespmem:s22], [sflag:$0x1] =	stream.indirect.gather [hbm4b:s3+s19], $0x1, s21, s19, $0xb8;
	[tilespmem:$0x7800] =	vst v63  }
0x168: {  	_ =	swait.ge [sflag:s23], $0x800  }
0x169: {  	[sflag:s23] =	ssyncset.done $0x0  }
0x16a: {  	s1 =	simm.s32 $0x0;
	[sflag:s23] =	ssyncadd.s32 $0xFFFFF800  }
0x16b: {  	v4 =	vld [tilespmem:s1+$0x3800]  }
0x16c: {  	v6 =	vld [tilespmem:s1+$0x1800]  }
0x16d: {  	v3 =	vld [tilespmem:s1+$0x1000]  }
0x16e: {  	v5 =	vld [tilespmem:s1+$0x2000];
	_ =	sdelay $0x1  }
0x16f: {  	s20 =	simm.s32 $0x40;
	s30 =	simm.s32 $0x80  }
.LBB2_23:
0x170: {  	p0 =	sne.s32 s30, $0x1FC0;
	s0 =	sshra.s32 s20, $0x2;
	vm0 =	vlt.f32 v4, v6;
	s20 =	smov.u32 s30  }
0x171: {  	v4 =	vld [tilespmem:s0+$0x3800];
	v7 =	vsel vm0, $0x10, v2;
	v8 =	vshll.u32 v3, $0x5  }
.Ltmp10:
0x172: {  	v6 =	vld [tilespmem:s0+$0x1800];
	v5 =	vadd.s32 v5, v7;
	(pc) =	sbr.rel @p0 .LBB2_23-.Ltmp10, $4  }
0x173: {  	v3 =	vld [tilespmem:s0+$0x1000];
	[tilespmem:s1+$0x2000] =	vst v5;
	v7 =	vadd.s32 v8, v5  }
0x174: {  	v5 =	vld [tilespmem:s0+$0x2000];
	v7 =	vadd.s32 $0x7, v7  }
0x175: {  	[tilespmem:s1+$0x2800] =	vst v7;
	s1 =	smov.u32 s0  }
0x176: {  	s30 =	sadd.s32 $0x40, s30  }
0x177: {  	s0 =	sshra.s32 s20, $0x2;
	vm0 =	vlt.f32 v4, v6  }
0x178: {  	v4 =	vld [tilespmem:s0+$0x3800];
	v6 =	vsel vm0, $0x10, v2  }
0x179: {  	v7 =	vld [tilespmem:s0+$0x1800];
	v5 =	vadd.s32 v5, v6  }
0x17a: {  	v6 =	vld [tilespmem:s0+$0x1000];
	[tilespmem:s1+$0x2000] =	vst v5  }
0x17b: {  	v8 =	vld [tilespmem:s0+$0x2000];
	_ =	sdelay $0x2  }
0x17c: {  	v3 =	vshll.u32 v3, $0x5;
	vm15 =	vlt.f32 v4, v7  }
0x17d: {  	v3 =	vadd.s32 v3, v5;
	v4 =	vsel vm15, $0x10, v2  }
0x17e: {  	v3 =	vadd.s32 $0x7, v3;
	v5 =	vshll.u32 v6, $0x5;
	v4 =	vadd.s32 v8, v4  }
0x17f: {  	[tilespmem:s1+$0x2800] =	vst v3;
	v3 =	vadd.s32 v5, v4  }
0x180: {  	[tilespmem:s0+$0x2000] =	vst v4;
	v3 =	vadd.s32 $0x7, v3  }
0x181: {  	[tilespmem:s0+$0x2800] =	vst v3  }
0x182: {  	[tilespmem:s22], [sflag:$0x1] =	stream.indirect.gather [hbm4b:s3+s19], $0x1, s21, s19, $0xb8;
	[tilespmem:$0x7800] =	vst v63  }
0x183: {  	_ =	swait.ge [sflag:s23], $0x800  }
0x184: {  	[sflag:s23] =	ssyncset.done $0x0  }
0x185: {  	s1 =	simm.s32 $0x0;
	[sflag:s23] =	ssyncadd.s32 $0xFFFFF800  }
0x186: {  	v4 =	vld [tilespmem:s1+$0x3800]  }
0x187: {  	v6 =	vld [tilespmem:s1+$0x1800]  }
0x188: {  	v3 =	vld [tilespmem:s1+$0x1000]  }
0x189: {  	v5 =	vld [tilespmem:s1+$0x2000];
	_ =	sdelay $0x1  }
0x18a: {  	s20 =	simm.s32 $0x40;
	s30 =	simm.s32 $0x80  }
.LBB2_25:
0x18b: {  	p0 =	sne.s32 s30, $0x1FC0;
	s0 =	sshra.s32 s20, $0x2;
	vm0 =	vlt.f32 v4, v6;
	s20 =	smov.u32 s30  }
0x18c: {  	v4 =	vld [tilespmem:s0+$0x3800];
	v7 =	vsel vm0, $0x8, v2;
	v8 =	vshll.u32 v3, $0x5  }
.Ltmp11:
0x18d: {  	v6 =	vld [tilespmem:s0+$0x1800];
	v5 =	vadd.s32 v5, v7;
	(pc) =	sbr.rel @p0 .LBB2_25-.Ltmp11, $4  }
0x18e: {  	v3 =	vld [tilespmem:s0+$0x1000];
	[tilespmem:s1+$0x2000] =	vst v5;
	v7 =	vadd.s32 v8, v5  }
0x18f: {  	v5 =	vld [tilespmem:s0+$0x2000];
	v7 =	vadd.s32 $0x3, v7  }
0x190: {  	[tilespmem:s1+$0x2800] =	vst v7;
	s1 =	smov.u32 s0  }
0x191: {  	s30 =	sadd.s32 $0x40, s30  }
0x192: {  	s0 =	sshra.s32 s20, $0x2;
	vm0 =	vlt.f32 v4, v6  }
0x193: {  	v4 =	vld [tilespmem:s0+$0x3800];
	v6 =	vsel vm0, $0x8, v2  }
0x194: {  	v7 =	vld [tilespmem:s0+$0x1800];
	v5 =	vadd.s32 v5, v6  }
0x195: {  	v6 =	vld [tilespmem:s0+$0x1000];
	[tilespmem:s1+$0x2000] =	vst v5  }
0x196: {  	v8 =	vld [tilespmem:s0+$0x2000];
	_ =	sdelay $0x2  }
0x197: {  	v3 =	vshll.u32 v3, $0x5;
	vm15 =	vlt.f32 v4, v7  }
0x198: {  	v3 =	vadd.s32 v3, v5;
	v4 =	vsel vm15, $0x8, v2  }
0x199: {  	v3 =	vadd.s32 $0x3, v3;
	v5 =	vshll.u32 v6, $0x5;
	v4 =	vadd.s32 v8, v4  }
0x19a: {  	[tilespmem:s1+$0x2800] =	vst v3;
	v3 =	vadd.s32 v5, v4  }
0x19b: {  	[tilespmem:s0+$0x2000] =	vst v4;
	v3 =	vadd.s32 $0x3, v3  }
0x19c: {  	[tilespmem:s0+$0x2800] =	vst v3  }
0x19d: {  	[tilespmem:s22], [sflag:$0x1] =	stream.indirect.gather [hbm4b:s3+s19], $0x1, s21, s19, $0xb8;
	[tilespmem:$0x7800] =	vst v63  }
0x19e: {  	_ =	swait.ge [sflag:s23], $0x800  }
0x19f: {  	[sflag:s23] =	ssyncset.done $0x0  }
0x1a0: {  	s1 =	simm.s32 $0x0;
	[sflag:s23] =	ssyncadd.s32 $0xFFFFF800  }
0x1a1: {  	v4 =	vld [tilespmem:s1+$0x3800]  }
0x1a2: {  	v6 =	vld [tilespmem:s1+$0x1800]  }
0x1a3: {  	v3 =	vld [tilespmem:s1+$0x1000]  }
0x1a4: {  	v5 =	vld [tilespmem:s1+$0x2000];
	_ =	sdelay $0x1  }
0x1a5: {  	s20 =	simm.s32 $0x40;
	s30 =	simm.s32 $0x80  }
.LBB2_27:
0x1a6: {  	p0 =	sne.s32 s30, $0x1FC0;
	s0 =	sshra.s32 s20, $0x2;
	vm0 =	vlt.f32 v4, v6;
	s20 =	smov.u32 s30  }
0x1a7: {  	v4 =	vld [tilespmem:s0+$0x3800];
	v7 =	vsel vm0, $0x4, v2;
	v8 =	vshll.u32 v3, $0x5  }
.Ltmp12:
0x1a8: {  	v6 =	vld [tilespmem:s0+$0x1800];
	v5 =	vadd.s32 v5, v7;
	(pc) =	sbr.rel @p0 .LBB2_27-.Ltmp12, $4  }
0x1a9: {  	v3 =	vld [tilespmem:s0+$0x1000];
	[tilespmem:s1+$0x2000] =	vst v5;
	v7 =	vadd.s32 v8, v5  }
0x1aa: {  	v5 =	vld [tilespmem:s0+$0x2000];
	v7 =	vadd.s32 $0x1, v7  }
0x1ab: {  	[tilespmem:s1+$0x2800] =	vst v7;
	s1 =	smov.u32 s0  }
0x1ac: {  	s30 =	sadd.s32 $0x40, s30  }
0x1ad: {  	s0 =	sshra.s32 s20, $0x2;
	vm0 =	vlt.f32 v4, v6  }
0x1ae: {  	v4 =	vld [tilespmem:s0+$0x3800];
	v6 =	vsel vm0, $0x4, v2  }
0x1af: {  	v7 =	vld [tilespmem:s0+$0x1800];
	v5 =	vadd.s32 v5, v6  }
0x1b0: {  	v6 =	vld [tilespmem:s0+$0x1000];
	[tilespmem:s1+$0x2000] =	vst v5  }
0x1b1: {  	v8 =	vld [tilespmem:s0+$0x2000];
	_ =	sdelay $0x2  }
0x1b2: {  	v3 =	vshll.u32 v3, $0x5;
	vm0 =	vlt.f32 v4, v7  }
0x1b3: {  	v3 =	vadd.s32 v3, v5;
	v4 =	vsel vm0, $0x4, v2  }
0x1b4: {  	v3 =	vadd.s32 $0x1, v3;
	v5 =	vshll.u32 v6, $0x5;
	v4 =	vadd.s32 v8, v4  }
0x1b5: {  	[tilespmem:s1+$0x2800] =	vst v3;
	v3 =	vadd.s32 v5, v4  }
0x1b6: {  	[tilespmem:s0+$0x2000] =	vst v4;
	v3 =	vadd.s32 $0x1, v3  }
0x1b7: {  	[tilespmem:s0+$0x2800] =	vst v3  }
0x1b8: {  	[tilespmem:s22], [sflag:$0x1] =	stream.indirect.gather [hbm4b:s3+s19], $0x1, s21, s19, $0xb8;
	[tilespmem:$0x7800] =	vst v63  }
0x1b9: {  	_ =	swait.ge [sflag:s23], $0x800  }
0x1ba: {  	[sflag:s23] =	ssyncset.done $0x0  }
0x1bb: {  	s1 =	simm.s32 $0x0;
	[sflag:s23] =	ssyncadd.s32 $0xFFFFF800  }
0x1bc: {  	v5 =	vld [tilespmem:s1+$0x3800]  }
0x1bd: {  	v6 =	vld [tilespmem:s1+$0x1800]  }
0x1be: {  	v3 =	vld [tilespmem:s1+$0x1000]  }
0x1bf: {  	v4 =	vld [tilespmem:s1+$0x2000];
	_ =	sdelay $0x2  }
0x1c0: {  	s20 =	simm.s32 $0x10;
	s30 =	simm.s32 $0x80;
	vm0 =	vlt.f32 v5, v6  }
.LBB2_29:
0x1c1: {  	p0 =	sne.s32 s30, $0x1FC0;
	v5 =	vld [tilespmem:s20+$0x3800];
	v6 =	vsel vm0, $0x2, v2;
	v7 =	vshll.u32 v3, $0x5  }
0x1c2: {  	v8 =	vld [tilespmem:s20+$0x1800];
	v4 =	vadd.s32 v4, v6  }
.Ltmp13:
0x1c3: {  	v3 =	vld [tilespmem:s20+$0x1000];
	[tilespmem:s1+$0x2000] =	vst v4;
	v6 =	vadd.s32 v4, v7;
	(pc) =	sbr.rel @p0 .LBB2_29-.Ltmp13, $2  }
0x1c4: {  	v4 =	vld [tilespmem:s20+$0x2000];
	[tilespmem:s1+$0x2800] =	vst v6;
	s1 =	smov.u32 s20;
	_ =	sdelay $0x2  }
0x1c5: {  	s20 =	sshra.s32 s30, $0x2;
	s30 =	sadd.s32 $0x40, s30;
	vm0 =	vlt.f32 v5, v8  }
0x1c6: {  	v5 =	vld [tilespmem:s20+$0x3800];
	v6 =	vsel vm0, $0x2, v2  }
0x1c7: {  	v7 =	vld [tilespmem:s20+$0x1800];
	v4 =	vadd.s32 v4, v6  }
0x1c8: {  	v6 =	vld [tilespmem:s20+$0x1000];
	[tilespmem:s1+$0x2000] =	vst v4  }
0x1c9: {  	v8 =	vld [tilespmem:s20+$0x2000];
	_ =	sdelay $0x2  }
0x1ca: {  	v3 =	vshll.u32 v3, $0x5;
	vm0 =	vlt.f32 v5, v7  }
0x1cb: {  	v3 =	vadd.s32 v4, v3;
	v4 =	vsel vm0, $0x2, v2  }
0x1cc: {  	[tilespmem:s1+$0x2800] =	vst v3;
	v3 =	vshll.u32 v6, $0x5;
	v4 =	vadd.s32 v8, v4  }
0x1cd: {  	[tilespmem:s20+$0x2000] =	vst v4;
	v3 =	vadd.s32 v4, v3  }
0x1ce: {  	[tilespmem:s20+$0x2800] =	vst v3  }
0x1cf: {  	[tilespmem:s22], [sflag:$0x1] =	stream.indirect.gather [hbm4b:s3+s19], $0x1, s21, s19, $0xb8;
	[tilespmem:$0x7800] =	vst v63  }
0x1d0: {  	_ =	swait.ge [sflag:s23], $0x800  }
0x1d1: {  	[sflag:s23] =	ssyncset.done $0x0  }
0x1d2: {  	s1 =	simm.s32 $0x0;
	[sflag:s23] =	ssyncadd.s32 $0xFFFFF800  }
0x1d3: {  	v3 =	vld [tilespmem:s1+$0x3800]  }
0x1d4: {  	v4 =	vld [tilespmem:s1+$0x1800];
	_ =	sdelay $0x1  }
0x1d5: {  	v5 =	vld [tilespmem:s1+$0x2000]  }
0x1d6: {  	v6 =	vld [tilespmem:s1+$0x1000]  }
0x1d7: {  	v7 =	vld [tilespmem:s1+$0x800]  }
0x1d8: {  	vm0 =	vlt.f32 v3, v4  }
0x1d9: {  	v3 =	vsel vm0, $0x1, v2  }
0x1da: {  	v3 =	vadd.s32 v3, v5  }
0x1db: {  	v5 =	vadd.s32 $0xFFFFFFFF, v3  }
0x1dc: {  	s30 =	simm.s32 $0x80;
	s20 =	simm.s32 $0x10;
	v4 =	vshll.u32 v6, $0x5;
	v3 =	vshll.u32 v7, $0x5;
	vm0 =	vgt.s32 v5, $0x0  }
.LBB2_31:
0x1dd: {  	p0 =	sne.s32 s30, $0x1FC0;
	v6 =	vld [tilespmem:s20+$0x3800];
	v5 =	vnsel vm0, $0x0, v5  }
0x1de: {  	v7 =	vld [tilespmem:s20+$0x1800];
	v5 =	vmin.u32 v5, $0x1E  }
0x1df: {  	v8 =	vld [tilespmem:s20+$0x1000];
	[tilespmem:s1+$0x2000] =	vst v5;
	v4 =	vor.u32 v4, v5;
	v3 =	vor.u32 v5, v3  }
0x1e0: {  	v5 =	vld [tilespmem:s20+$0x2000];
	[tilespmem:s1+$0x2800] =	vst v4  }
0x1e1: {  	v9 =	vld [tilespmem:s20+$0x800];
	[tilespmem:s1+$0x3000] =	vst v3;
	s1 =	smov.u32 s20;
	_ =	sdelay $0x1  }
.Ltmp14:
0x1e2: {  	vm0 =	vlt.f32 v6, v7;
	(pc) =	sbr.rel @p0 .LBB2_31-.Ltmp14, $4  }
0x1e3: {  	v3 =	vsel vm0, $0x1, v2;
	v4 =	vshll.u32 v8, $0x5  }
0x1e4: {  	v3 =	vadd.s32 v3, v5  }
0x1e5: {  	v5 =	vadd.s32 $0xFFFFFFFF, v3;
	v3 =	vshll.u32 v9, $0x5  }
0x1e6: {  	s20 =	sshra.s32 s30, $0x2;
	s30 =	sadd.s32 $0x40, s30;
	vm0 =	vgt.s32 v5, $0x0  }
0x1e7: {  	v6 =	vld [tilespmem:s20+$0x3800];
	v5 =	vnsel vm0, $0x0, v5  }
0x1e8: {  	v7 =	vld [tilespmem:s20+$0x1800];
	v5 =	vmin.u32 v5, $0x1E  }
0x1e9: {  	v8 =	vld [tilespmem:s20+$0x1000];
	[tilespmem:s1+$0x2000] =	vst v5  }
0x1ea: {  	v9 =	vld [tilespmem:s20+$0x2000];
	_ =	sdelay $0x2  }
0x1eb: {  	v4 =	vor.u32 v4, v5;
	vm14 =	vlt.f32 v6, v7  }
0x1ec: {  	[tilespmem:s1+$0x2800] =	vst v4;
	v4 =	vsel vm14, $0x1, v2  }
0x1ed: {  	v63 =	vld [tilespmem:s20+$0x800];
	v4 =	vadd.s32 v4, v9  }
0x1ee: {  	v4 =	vadd.s32 $0xFFFFFFFF, v4  }
0x1ef: {  	vm15 =	vgt.s32 v4, $0x0  }
0x1f0: {  	v3 =	vor.u32 v5, v3;
	v4 =	vnsel vm15, $0x0, v4  }
0x1f1: {  	[tilespmem:s1+$0x3000] =	vst v3;
	v3 =	vshll.u32 v8, $0x5;
	v4 =	vmin.u32 v4, $0x1E  }
0x1f2: {  	v5 =	vshll.u32 v63, $0x5;
	[tilespmem:s20+$0x2000] =	vst v4;
	v3 =	vor.u32 v3, v4  }
0x1f3: {  	v4 =	vor.u32 v4, v5;
	[tilespmem:s20+$0x2800] =	vst v3  }
0x1f4: {  	[tilespmem:s20+$0x3000] =	vst v4  }
0x1f5: {  	[tilespmem:s24], [sflag:$0x1] =	stream.indirect.gather [hbm4b:s3+s19], $0x1, s21, s19, $0xb8;
	[tilespmem:$0x7800] =	vst v63  }
0x1f6: {  	_ =	swait.ge [sflag:s23], $0x800  }
0x1f7: {  	[sflag:s23] =	ssyncset.done $0x0  }
0x1f8: {  	[sflag:s23] =	ssyncadd.s32 $0xFFFFF800  }
0x1f9: {  	[tilespmem:s26], [sflag:$0x1] =	stream.indirect.gather [hbm4b:s10+s19], $0x1, s25, s19, $0xb8;
	[tilespmem:$0x7800] =	vst v63  }
0x1fa: {  	_ =	swait.ge [sflag:s23], $0x800  }
0x1fb: {  	[sflag:s23] =	ssyncset.done $0x0  }
0x1fc: {  	[sflag:s23] =	ssyncadd.s32 $0xFFFFF800  }
0x1fd: {  	[tilespmem:s28], [sflag:$0x1] =	stream.indirect.gather [hbm4b:s12+s19], $0x1, s25, s19, $0xb8;
	[tilespmem:$0x7800] =	vst v63  }
0x1fe: {  	_ =	swait.ge [sflag:s23], $0x800  }
0x1ff: {  	[sflag:s23] =	ssyncset.done $0x0  }
0x200: {  	s1 =	simm.s32 $0x0;
	[sflag:s23] =	ssyncadd.s32 $0xFFFFF800  }
0x201: {  	s20 =	simm.s32 $0x40;
	v3 =	vld [tilespmem:s1+$0x2800]  }
.LBB2_33:
0x202: {  	p0 =	sne.s32 s20, $0x1FC0;
	v4 =	vld [tilespmem:s1+$0x3000];
	_ =	sdelay $0x1  }
.Ltmp15:
0x203: {  	(pc) =	sbr.rel @p0 .LBB2_33-.Ltmp15, $4  }
0x204: {  	_ = 	snop  }
0x205: {  	v3 =	vadd.s32 $0x1, v3  }
0x206: {  	s0 =	sshra.s32 s20, $0x2;
	[tilespmem:s1+$0x2800] =	vst v3;
	v4 =	vadd.s32 $0x1, v4  }
0x207: {  	s20 =	sadd.s32 $0x40, s20;
	v3 =	vld [tilespmem:s0+$0x2800];
	[tilespmem:s1+$0x3000] =	vst v4;
	s1 =	smov.u32 s0  }
0x208: {  	v4 =	vld [tilespmem:s1+$0x3000];
	_ =	sdelay $0x3  }
0x209: {  	v3 =	vadd.s32 $0x1, v3  }
0x20a: {  	[tilespmem:s1+$0x2800] =	vst v3;
	v3 =	vadd.s32 $0x1, v4  }
0x20b: {  	[tilespmem:s1+$0x3000] =	vst v3  }
0x20c: {  	[tilespmem:s22], [sflag:$0x1] =	stream.indirect.gather [hbm4b:s3+s19], $0x1, s21, s19, $0xb8;
	[tilespmem:$0x7800] =	vst v63  }
0x20d: {  	_ =	swait.ge [sflag:s23], $0x800  }
0x20e: {  	[sflag:s23] =	ssyncset.done $0x0  }
0x20f: {  	[sflag:s23] =	ssyncadd.s32 $0xFFFFF800  }
0x210: {  	[tilespmem:s29], [sflag:$0x1] =	stream.indirect.gather [hbm4b:s10+s19], $0x1, s25, s19, $0xb8;
	[tilespmem:$0x7800] =	vst v63  }
0x211: {  	_ =	swait.ge [sflag:s23], $0x800  }
0x212: {  	[sflag:s23] =	ssyncset.done $0x0  }
0x213: {  	s1 =	simm.s32 $0x0;
	[sflag:s23] =	ssyncadd.s32 $0xFFFFF800  }
0x214: {  	v4 =	vld [tilespmem:s1+$0x4000]  }
0x215: {  	v3 =	vld [tilespmem:s1+$0x3800];
	_ =	sdelay $0x1  }
0x216: {  	v5 =	vld [tilespmem:s1+$0x6800];
	_ =	sdelay $0x2  }
0x217: {  	v3 =	vsub.f32 v3, v4;
	_ =	sdelay $0x1  }
0x218: {  	v3 =	vmul.f32 v3, v5;
	_ =	sdelay $0x1  }
0x219: {  	v6 =	vmax.f32 v3, $9.999999960e-13  }
0x21a: {  	(erf) = vrcp.f32 v6  }
0x21b: {  	v6 =	vld [tilespmem:s1+$0x6000];
	_ =	sdelay $0x1  }
0x21c: {  	v7 =	vld [tilespmem:s1+$0x0]  }
0x21d: {  	v4 =	vmul.f32 v4, v5;
	_ =	sdelay $0x1  }
0x21e: {  	v5 =	vld [tilespmem:s1+$0x4800];
	v4 =	vadd.f32 v4, v6  }
0x21f: {  	v6 =	vld [tilespmem:s1+$0x5000]  }
0x220: {  	v4 =	vsub.f32 v7, v4  }
0x221: {  	v7 =	vpop (erf)  }
0x222: {  	s20 =	simm.s32 $0x10;
	v7 =	vmul.f32 v7, v4  }
0x223: {  	s30 =	simm.s32 $0x80;
	v4 =	vld [tilespmem:s20+$0x4000]  }
.LBB2_35:
0x224: {  	p0 =	sne.s32 s30, $0x1FC0;
	v8 =	vld [tilespmem:s20+$0x3800];
	v7 =	vmax.f32 v7, $0.0e+00;
	v6 =	vsub.f32 v6, v5  }
0x225: {  	v9 =	vld [tilespmem:s20+$0x6800];
	v7 =	vmin.f32 v7, $1.000000000e+00  }
0x226: {  	v10 =	vmul.f32 $5.000000000e-01, v7;
	v11 =	vmul.f32 v7, v6;
	v12 =	vld [tilespmem:s1+$0x7000]  }
0x227: {  	v13 =	vld [tilespmem:s1+$0x5800]  }
0x228: {  	v14 =	vmul.f32 v7, v3;
	v7 =	vmul.f32 v10, v7;
	v10 =	vadd.f32 v11, v5  }
0x229: {  	v8 =	vsub.f32 v8, v4  }
0x22a: {  	v5 =	vmul.f32 v14, v5;
	v7 =	vmul.f32 v7, v3;
	v10 =	vmax.f32 v10, $9.999999960e-13  }
0x22b: {  	v3 =	vmul.f32 v8, v9;
	v8 =	vmul.f32 v10, v12  }
0x22c: {  	v5 =	vadd.f32 v5, v13;
	v6 =	vmul.f32 v7, v6  }
0x22d: {  	v7 =	vmax.f32 v3, $9.999999960e-13;
	[tilespmem:s1+$0x7000] =	vst v8  }
0x22e: {  	(erf) = vrcp.f32 v7;
	v5 =	vadd.f32 v6, v5  }
0x22f: {  	v6 =	vld [tilespmem:s20+$0x6000]  }
0x230: {  	[tilespmem:s1+$0x0] =	vst v5;
	s1 =	smov.u32 s20  }
0x231: {  	v7 =	vld [tilespmem:s1+$0x0]  }
0x232: {  	v4 =	vmul.f32 v4, v9;
	_ =	sdelay $0x1  }
0x233: {  	v4 =	vadd.f32 v4, v6;
	v5 =	vld [tilespmem:s1+$0x4800]  }
.Ltmp16:
0x234: {  	v6 =	vld [tilespmem:s1+$0x5000];
	(pc) =	sbr.rel @p0 .LBB2_35-.Ltmp16, $4  }
0x235: {  	v4 =	vsub.f32 v7, v4  }
0x236: {  	v7 =	vpop (erf)  }
0x237: {  	s20 =	sshra.s32 s30, $0x2;
	v7 =	vmul.f32 v7, v4  }
0x238: {  	s30 =	sadd.s32 $0x40, s30;
	v4 =	vld [tilespmem:s20+$0x4000]  }
0x239: {  	v8 =	vld [tilespmem:s20+$0x3800];
	v7 =	vmax.f32 v7, $0.0e+00  }
0x23a: {  	v6 =	vsub.f32 v6, v5;
	v9 =	vld [tilespmem:s20+$0x6800];
	v7 =	vmin.f32 v7, $1.000000000e+00  }
0x23b: {  	v11 =	vld [tilespmem:s1+$0x7000];
	v10 =	vmul.f32 $5.000000000e-01, v7  }
0x23c: {  	v13 =	vld [tilespmem:s1+$0x5800];
	v12 =	vmul.f32 v7, v6  }
0x23d: {  	v14 =	vmul.f32 v7, v3;
	v7 =	vmul.f32 v10, v7  }
0x23e: {  	v47 =	vadd.f32 v12, v5;
	v8 =	vsub.f32 v8, v4  }
0x23f: {  	v48 =	vmul.f32 v14, v5;
	v3 =	vmul.f32 v7, v3  }
0x240: {  	v49 =	vmax.f32 v47, $9.999999960e-13;
	v8 =	vmul.f32 v8, v9  }
0x241: {  	v5 =	vadd.f32 v48, v13;
	v7 =	vmul.f32 v49, v11;
	v3 =	vmul.f32 v3, v6  }
0x242: {  	v50 =	vmax.f32 v8, $9.999999960e-13  }
0x243: {  	[tilespmem:s1+$0x7000] =	vst v7;
	(erf) = vrcp.f32 v50;
	v3 =	vadd.f32 v3, v5  }
0x244: {  	v51 =	vld [tilespmem:s20+$0x6000]  }
0x245: {  	[tilespmem:s1+$0x0] =	vst v3  }
0x246: {  	v3 =	vld [tilespmem:s20+$0x0]  }
0x247: {  	v52 =	vmul.f32 v4, v9;
	_ =	sdelay $0x1  }
0x248: {  	v4 =	vadd.f32 v52, v51  }
0x249: {  	v53 =	vld [tilespmem:s20+$0x4800]  }
0x24a: {  	v54 =	vld [tilespmem:s20+$0x5000];
	v3 =	vsub.f32 v3, v4  }
0x24b: {  	v55 =	vpop (erf)  }
0x24c: {  	v3 =	vmul.f32 v55, v3;
	_ =	sdelay $0x1  }
0x24d: {  	v3 =	vmax.f32 v3, $0.0e+00  }
0x24e: {  	v56 =	vsub.f32 v54, v53;
	v3 =	vmin.f32 v3, $1.000000000e+00  }
0x24f: {  	v57 =	vmul.f32 $5.000000000e-01, v3  }
0x250: {  	v59 =	vld [tilespmem:s20+$0x5800];
	v58 =	vmul.f32 v3, v56  }
0x251: {  	v60 =	vld [tilespmem:s20+$0x7000];
	v61 =	vmul.f32 v3, v8;
	v3 =	vmul.f32 v57, v3;
	_ =	sdelay $0x1  }
0x252: {  	v62 =	vadd.f32 v58, v53;
	v5 =	vmul.f32 v61, v53;
	v3 =	vmul.f32 v3, v8;
	_ =	sdelay $0x1  }
0x253: {  	v6 =	vmax.f32 v62, $9.999999960e-13;
	v5 =	vadd.f32 v5, v59;
	v3 =	vmul.f32 v3, v56  }
0x254: {  	v63 =	vmul.f32 v6, v60  }
0x255: {  	v3 =	vadd.f32 v3, v5  }
0x256: {  	[tilespmem:s20+$0x7000] =	vst v63  }
0x257: {  	s0 =	sadd.s32 s14, s11;
	[tilespmem:s20+$0x0] =	vst v3  }
0x258: {  	[hbm4b:s0+s4] =	stream.linear.scatter [tilespmem:s4], [sflag:$0x2], $0x800, $0x38;
	[tilespmem:$0x7800] =	vst v63  }
0x259: {  	s17 =	sadd.s32 $0x1, s17;
	_ =	swait.ge [sflag:s18], $0x800  }
0x25a: {  	s30 =	sadd.s32 s15, s11;
	p0 =	sne.s32 s17, $0x8;
	[sflag:s18] =	ssyncset.done $0x0  }
.Ltmp17:
0x25b: {  	s31 =	simm.s32 $0x7000;
	[sflag:s18] =	ssyncadd.s32 $0xFFFFF800;
	(pc) =	sbr.rel @p0 .LBB2_2-.Ltmp17, $4  }
0x25c: {  	[hbm4b:s30+s4] =	stream.linear.scatter [tilespmem:s31], [sflag:$0x2], $0x800, $0x38;
	[tilespmem:$0x7800] =	vst v63  }
0x25d: {  	_ =	swait.ge [sflag:s18], $0x800  }
0x25e: {  	[sflag:s18] =	ssyncset.done $0x0  }
0x25f: {  	[sflag:s18] =	ssyncadd.s32 $0xFFFFF800  }
0x260: {  	s1 =	rddreg [dreg:$0x5]  }
0x261: {  	s0 =	rddreg [dreg:$0x4];
	s1 =	sadd.s32 $0x1, s1  }
0x262: {  	p0 =	sne.s32 s1, s0  }
.Ltmp18:
0x263: {  	_ = 	snop;
	(pc) =	sbr.rel @p0 .LBB2_1-.Ltmp18, $1  }
0x264: {  	_ =	sdelay $0x3  }
0x265: {  	_ =	sfence.sel $0x180000  }
0x266: {  	[bflag:$0x0] =	sbarrier.arrive $0xFFFF  }
0x267: {  	_ =	strace $0x90000047  }
0x268: {  	s0 =	stileid.u32;
	[bflag:$0x2] =	sbarrier.arrive $0xFFFF  }
0x269: {  	p0 =	sne.s32 s0, $0x0;
	s0 =	rddreg [dreg:$0x3]  }
0x26a: {  	s0 =	sadd.s32 @!p0 $0x100000, s0  }
0x26b: {  	[sflag:s0] =	ssyncadd.tile.s32 @!p0 $0x1;
	_ =	shalt  }
.Lfunc_end2:
_tile_overlayer_lowered:
.L_overlay_start_2:
0x26c: {  	(tag) =	ssettag $0x2  }
0x26d: {  	s0 =	rddreg [dreg:$0x0];
	s2 =	stileid.u32  }
0x26e: {  	s1 =	rddreg [dreg:$0x1];
	p0 =	sne.s32 s2, $0x0  }
0x26f: {  	s3 =	rddreg [dreg:$0x2];
	[bflag:$0x3] =	sbarrier.arrive $0xFFFF;
	s2 =	simm.s32 @!p0 $0x1C02  }
0x270: {  	[timem:s3], [sflag:s2] =	dma.local @!p0 [hbm:s0], s1  }
0x271: {  	s0 =	simm.s32 @!p0 $0x2  }
0x272: {  	_ =	swait.ge @!p0 [sflag:s0], s1  }
0x273: {  	s1 =	ssub.s32 @!p0 $0x0, s1;
	[sflag:s0] =	ssyncset.done @!p0 $0x0  }
0x274: {  	[sflag:s0] =	ssyncadd.s32 @!p0 s1  }
0x275: {  	[bflag:$0x3] =	sbarrier.arrive $0xFFFF  }
0x276: {  	_ =	shalt  }

</sc_bundles>
